<compile_context>
chip_gen: v7x
topology: tpu7x:2x2x1
jax: 0.10.2.dev20260603
libtpu: 0.0.44.dev20260713+nightly
codegen_flags: <defaults>
</compile_context>

<pallas_src>
import functools

import jax
import jax.numpy as jnp
from jax import lax
from jax.experimental import pallas as pl
from jax.experimental.pallas import tpu as pltpu
from jax.experimental.pallas import tpu_sc as plsc

N = 10000
E = 320000
CUR = 128
HID = 64
OUT = 32
H = 6
HO = H * OUT

NP = 10112
ROWS_PT = NP // 16
NW = 32
EPW = E // NW
CH = 80
NCH = EPW // CH

_MESH = plsc.VectorSubcoreMesh(core_axis_name="c", subcore_axis_name="s")


def _take(vec, i):
    return vec.at[jnp.full((16,), i, jnp.int32)].get(mode="promise_in_bounds")


def _zero_acc(z, acc, s):
    pltpu.sync_copy(z.at[pl.ds(s * ROWS_PT, ROWS_PT)],
                    acc.at[pl.ds(s * ROWS_PT, ROWS_PT)])


def _copy_out(acc, out, c, s):
    pltpu.sync_copy(acc.at[pl.ds(s * ROWS_PT, ROWS_PT)],
                    out.at[c, pl.ds(s * ROWS_PT, ROWS_PT)])


def _sc_edge1_body(src, dst, atab, exw_out,
                   idx_s, idx_d, rs_v, rd_v, ex_v, sem):
    c = lax.axis_index("c")
    s = lax.axis_index("s")
    w = c * 16 + s

    lane = lax.iota(jnp.int32, 16)
    shift6 = jnp.where(lane < 10, lane + 6, 15)

    def chunk(g, carry):
        base = w * EPW + g * CH
        pltpu.sync_copy(src.at[pl.ds(base, CH)], idx_s)
        pltpu.sync_copy(dst.at[pl.ds(base, CH)], idx_d)
        pltpu.async_copy(atab.at[idx_s], rs_v, sem).wait()
        pltpu.async_copy(atab.at[idx_d], rd_v, sem).wait()

        def edge(e, cc):
            av = rs_v[e, pl.ds(0, 16)]
            bv = rd_v[e, pl.ds(0, 16)]
            bsh = bv.at[shift6].get(mode="promise_in_bounds")
            al = av + bsh
            al = jnp.where(al > 0, al, al * 0.2)
            ex_v[e, pl.ds(0, 16)] = jnp.where(lane < 6, jnp.exp(al), 0.0)
            return cc

        lax.fori_loop(0, CH, edge, 0)
        pltpu.sync_copy(ex_v, exw_out.at[pl.ds(base, CH)])
        return carry

    lax.fori_loop(0, NCH, chunk, 0)


_sc_edge1 = functools.partial(
    pl.kernel,
    out_type=jax.ShapeDtypeStruct((E, 16), jnp.float32),
    mesh=_MESH,
    scratch_types=[
        pltpu.VMEM((CH,), jnp.int32),
        pltpu.VMEM((CH,), jnp.int32),
        pltpu.VMEM((CH, 128), jnp.float32),
        pltpu.VMEM((CH, 128), jnp.float32),
        pltpu.VMEM((CH, 16), jnp.float32),
        pltpu.SemaphoreType.DMA,
    ],
)(_sc_edge1_body)


def _sc_gat_a_body(src, dst, exw, xph, zw, part_out,
                   idx_s, idx_d, ex_v, rows_v, msg_v, acc, sem):
    c = lax.axis_index("c")
    s = lax.axis_index("s")
    w = c * 16 + s
    _zero_acc(zw, acc, s)
    plsc.subcore_barrier()

    def chunk(g, carry):
        base = w * EPW + g * CH
        pltpu.sync_copy(src.at[pl.ds(base, CH)], idx_s)
        pltpu.sync_copy(dst.at[pl.ds(base, CH)], idx_d)
        pltpu.sync_copy(exw.at[pl.ds(base, CH)], ex_v)
        pltpu.async_copy(xph.at[idx_s], rows_v, sem).wait()

        def edge(e, cc):
            exv = ex_v[e, pl.ds(0, 16)]
            for h in range(4):
                f = _take(exv, h)
                o = h * 32
                msg_v[e, pl.ds(o, 16)] = rows_v[e, pl.ds(o, 16)] * f
                msg_v[e, pl.ds(o + 16, 16)] = rows_v[e, pl.ds(o + 16, 16)] * f
            return cc

        lax.fori_loop(0, CH, edge, 0)
        pltpu.sync_copy(msg_v, acc.at[idx_d], add=True)
        return carry

    lax.fori_loop(0, NCH, chunk, 0)
    plsc.subcore_barrier()
    _copy_out(acc, part_out, c, s)


_sc_gat_a = functools.partial(
    pl.kernel,
    out_type=jax.ShapeDtypeStruct((2, NP, 128), jnp.float32),
    mesh=_MESH,
    scratch_types=[
        pltpu.VMEM((CH,), jnp.int32),
        pltpu.VMEM((CH,), jnp.int32),
        pltpu.VMEM((CH, 16), jnp.float32),
        pltpu.VMEM((CH, 128), jnp.float32),
        pltpu.VMEM((CH, 128), jnp.float32),
        pltpu.VMEM_SHARED((NP, 128), jnp.float32),
        pltpu.SemaphoreType.DMA,
    ],
)(_sc_gat_a_body)


def _sc_gat_b_body(src, dst, exw, ew, xph, zw, part_out,
                   idx_s, idx_d, ex_v, w_v, rows_v, msg_v, acc, sem):
    c = lax.axis_index("c")
    s = lax.axis_index("s")
    w = c * 16 + s
    _zero_acc(zw, acc, s)
    plsc.subcore_barrier()

    lane = lax.iota(jnp.int32, 16)
    z16 = jnp.zeros((16,), jnp.float32)

    def zrow(e, cc):
        for kk in range(5, 8):
            msg_v[e, pl.ds(kk * 16, 16)] = z16
        return cc

    lax.fori_loop(0, CH, zrow, 0)

    def chunk(g, carry):
        base = w * EPW + g * CH
        pltpu.sync_copy(src.at[pl.ds(base, CH)], idx_s)
        pltpu.sync_copy(dst.at[pl.ds(base, CH)], idx_d)
        pltpu.sync_copy(exw.at[pl.ds(base, CH)], ex_v)
        pltpu.sync_copy(ew.at[pl.ds(base, CH)], w_v)
        pltpu.async_copy(xph.at[idx_s], rows_v, sem).wait()
        for tt in range(CH // 16):
            wv = w_v[pl.ds(tt * 16, 16)]

            def edge(j, cc):
                e = tt * 16 + j
                exv = ex_v[e, pl.ds(0, 16)]
                for h in range(2):
                    f = _take(exv, 4 + h)
                    o = h * 32
                    msg_v[e, pl.ds(o, 16)] = rows_v[e, pl.ds(o, 16)] * f
                    msg_v[e, pl.ds(o + 16, 16)] = rows_v[e, pl.ds(o + 16, 16)] * f
                den = jnp.where(lane == 6, _take(wv, j), exv)
                msg_v[e, pl.ds(64, 16)] = den
                return cc

            lax.fori_loop(0, 16, edge, 0)
        pltpu.sync_copy(msg_v, acc.at[idx_d], add=True)
        return carry

    lax.fori_loop(0, NCH, chunk, 0)
    plsc.subcore_barrier()
    _copy_out(acc, part_out, c, s)


_sc_gat_b = functools.partial(
    pl.kernel,
    out_type=jax.ShapeDtypeStruct((2, NP, 128), jnp.float32),
    mesh=_MESH,
    scratch_types=[
        pltpu.VMEM((CH,), jnp.int32),
        pltpu.VMEM((CH,), jnp.int32),
        pltpu.VMEM((CH, 16), jnp.float32),
        pltpu.VMEM((CH,), jnp.float32),
        pltpu.VMEM((CH, 128), jnp.float32),
        pltpu.VMEM((CH, 128), jnp.float32),
        pltpu.VMEM_SHARED((NP, 128), jnp.float32),
        pltpu.SemaphoreType.DMA,
    ],
)(_sc_gat_b_body)


def _sc_cat_body(src, dst, ew, tab, z128, part_out,
                 idx_s, idx_d, w_v, rows_v, acc, sem):
    c = lax.axis_index("c")
    s = lax.axis_index("s")
    w = c * 16 + s
    _zero_acc(z128, acc, s)
    plsc.subcore_barrier()

    def chunk(g, carry):
        base = w * EPW + g * CH
        pltpu.sync_copy(src.at[pl.ds(base, CH)], idx_s)
        pltpu.sync_copy(dst.at[pl.ds(base, CH)], idx_d)
        pltpu.sync_copy(ew.at[pl.ds(base, CH)], w_v)
        pltpu.async_copy(tab.at[idx_s], rows_v, sem).wait()
        for t in range(CH // 16):
            wv = w_v[pl.ds(t * 16, 16)]

            def edge(j, cc):
                e = t * 16 + j
                f = _take(wv, j)
                for k in range(6):
                    o = k * 16
                    rows_v[e, pl.ds(o, 16)] = rows_v[e, pl.ds(o, 16)] * f
                return cc

            lax.fori_loop(0, 16, edge, 0)
        pltpu.sync_copy(rows_v, acc.at[idx_d], add=True)
        return carry

    lax.fori_loop(0, NCH, chunk, 0)
    plsc.subcore_barrier()
    _copy_out(acc, part_out, c, s)


_sc_cat = functools.partial(
    pl.kernel,
    out_type=jax.ShapeDtypeStruct((2, NP, 128), jnp.float32),
    mesh=_MESH,
    scratch_types=[
        pltpu.VMEM((CH,), jnp.int32),
        pltpu.VMEM((CH,), jnp.int32),
        pltpu.VMEM((CH,), jnp.float32),
        pltpu.VMEM((CH, 128), jnp.float32),
        pltpu.VMEM_SHARED((NP, 128), jnp.float32),
        pltpu.SemaphoreType.DMA,
    ],
)(_sc_cat_body)


_BLK = 1000
_GRID = N // _BLK


def _full(shape):
    return pl.BlockSpec(shape, lambda i: tuple(0 for _ in shape))


def _rows(width):
    return pl.BlockSpec((_BLK, width), lambda i: (i, 0))


def _rows3(width):
    return pl.BlockSpec((2, _BLK, width), lambda i: (0, i, 0))


def _tc1_body(x, wpre, bpre, gatw, am, wcat,
              xpa_o, xpb_o, atab_o, exself_o, xp2_o):
    h = jnp.dot(x[...], wpre[...], preferred_element_type=jnp.float32) + bpre[...]
    xp = jnp.dot(h, gatw[...], preferred_element_type=jnp.float32)
    atab = jnp.dot(xp, am[...], preferred_element_type=jnp.float32)
    al = atab[:, 0:6] + atab[:, 6:12]
    ex6 = jnp.exp(jnp.where(al > 0, al, al * 0.2))
    exself_o[...] = jnp.pad(ex6, ((0, 0), (0, 10)))
    xpa_o[...] = xp[:, 0:128]
    xpb_o[...] = jnp.pad(xp[:, 128:HO], ((0, 0), (0, 64)))
    atab_o[...] = atab
    xp2_o[...] = jnp.dot(h, wcat[...], preferred_element_type=jnp.float32)


def _tc3_body(pga, pgb, exself, xpa, xpb, xp2, gat_b, p16, initw, rootw,
              h1_o, cat_o, root_o, dent_o):
    pgb_s = pgb[0] + pgb[1]
    den16 = jnp.pad(pgb_s[:, 64:80], ((0, 0), (0, 0)))
    deg0 = den16[:, 6:7]
    dis_g = lax.rsqrt(deg0 + 1.0)
    dis_a = jnp.where(deg0 > 0, lax.rsqrt(jnp.where(deg0 > 0, deg0, 1.0)), 0.0)
    ex_exp = jnp.dot(exself[...], p16[...], preferred_element_type=jnp.float32)
    den_exp = jnp.dot(den16, p16[...], preferred_element_type=jnp.float32)
    pg = jnp.concatenate([pga[0] + pga[1], pgb_s[:, 0:64]], axis=1)
    xp = jnp.concatenate([xpa[...], xpb[:, 0:64]], axis=1)
    num = pg + ex_exp * xp
    den = den_exp + ex_exp + 1e-16
    g = num / den + gat_b[...]
    h1 = jnp.where(g > 0, g, g * 0.01)
    h1_o[...] = h1
    xpa = jnp.dot(h1, initw[...], preferred_element_type=jnp.float32) * dis_a
    cat_o[...] = jnp.concatenate(
        [xp2[...] * dis_g, xpa, jnp.zeros((_BLK, 32), jnp.float32)], axis=1)
    root_o[...] = jnp.dot(h1, rootw[...], preferred_element_type=jnp.float32)
    dent_o[...] = jnp.concatenate(
        [dis_g, dis_a, jnp.zeros((_BLK, 6), jnp.float32)], axis=1)


def _tc4_body(h1, pc, dent, xp2, bcat, root, arma_b, out_o):
    dis_g = dent[:, 0:1]
    dis_a = dent[:, 1:2]
    csum = pc[0] + pc[1]
    gs = csum[:, 0:64] * dis_g + xp2[...] * (dis_g * dis_g) + bcat[...]
    h23 = jnp.where(gs > 0, gs, gs * 0.01)
    asum = csum[:, 64:96] * dis_a + root[...] + arma_b[...]
    h4 = jnp.maximum(asum, 0.0)
    out_o[...] = jnp.tanh(jnp.concatenate([h1[...], h23, h4], axis=1))


def kernel(x, edge_index, edge_weight, W_pre, b_pre, gat_W, att_src, att_dst, gat_b,
           gcn0_W, gcn0_b, gcn1_W, gcn1_b, arma_init_W, arma_root_W, arma_b):
    f32 = jnp.float32
    src = edge_index[0].astype(jnp.int32)
    dst = edge_index[1].astype(jnp.int32)

    eye6c = jnp.repeat(jnp.eye(6, dtype=f32), 32, axis=0)
    am = jnp.concatenate(
        [eye6c * att_src.reshape(HO, 1), eye6c * att_dst.reshape(HO, 1),
         jnp.zeros((HO, 116), f32)], axis=1)
    p16 = jnp.pad(jnp.repeat(jnp.eye(6, dtype=f32), 32, axis=1),
                  ((0, 10), (0, 0)))
    wcat = jnp.concatenate([gcn0_W, gcn1_W], axis=1)
    bcat = jnp.concatenate([gcn0_b, gcn1_b]).reshape(1, 64)

    xpa_t, xpb_t, atab, exself, xp2cat = pl.pallas_call(
        _tc1_body,
        grid=(_GRID,),
        in_specs=[_rows(CUR), _full((CUR, HID)), _full((1, HID)),
                  _full((HID, HO)), _full((HO, 128)), _full((HID, 64))],
        out_specs=[_rows(128), _rows(128), _rows(128), _rows(16), _rows(64)],
        out_shape=[jax.ShapeDtypeStruct((N, 128), f32),
                   jax.ShapeDtypeStruct((N, 128), f32),
                   jax.ShapeDtypeStruct((N, 128), f32),
                   jax.ShapeDtypeStruct((N, 16), f32),
                   jax.ShapeDtypeStruct((N, 64), f32)],
    )(x, W_pre, b_pre.reshape(1, HID), gat_W, am, wcat)

    exw = _sc_edge1(src, dst, atab)
    pgat_a = _sc_gat_a(src, dst, exw, xpa_t, jnp.zeros((NP, 128), f32))
    pgat_b = _sc_gat_b(src, dst, exw, edge_weight, xpb_t,
                       jnp.zeros((NP, 128), f32))

    h1, cat_tab, root, dent = pl.pallas_call(
        _tc3_body,
        grid=(_GRID,),
        in_specs=[_rows3(128), _rows3(128), _rows(16), _rows(128),
                  _rows(128), _rows(64),
                  _full((1, HO)), _full((16, HO)),
                  _full((HO, OUT)), _full((HO, OUT))],
        out_specs=[_rows(HO), _rows(128), _rows(OUT), _rows(8)],
        out_shape=[jax.ShapeDtypeStruct((N, HO), f32),
                   jax.ShapeDtypeStruct((N, 128), f32),
                   jax.ShapeDtypeStruct((N, OUT), f32),
                   jax.ShapeDtypeStruct((N, 8), f32)],
    )(pgat_a, pgat_b, exself, xpa_t, xpb_t, xp2cat,
      gat_b.reshape(1, HO), p16, arma_init_W, arma_root_W)

    part_cat = _sc_cat(src, dst, edge_weight, cat_tab, jnp.zeros((NP, 128), f32))

    out = pl.pallas_call(
        _tc4_body,
        grid=(_GRID,),
        in_specs=[_rows(HO), _rows3(128), _rows(8), _rows(64),
                  _full((1, 64)), _rows(OUT), _full((1, OUT))],
        out_specs=_rows(HO + 3 * OUT),
        out_shape=jax.ShapeDtypeStruct((N, HO + 3 * OUT), f32),
    )(h1, part_cat, dent, xp2cat, bcat, root, arma_b.reshape(1, OUT))
    return out

# --- scband reference (transcript-rebuilt; emitter-appended) ---
"""Pipeline reference for scband-nas-cora-cell-36816459661697 (READ-ONLY COPY).

The authoritative reference and input builder live on the scoring server;
editing this copy changes nothing except your own understanding.
"""

import jax, jax.numpy as jnp
import numpy as np

N = 10000
E = 320000
CUR = 128
HID = 64
OUT = 32
H = 6


def setup_inputs(seed: int = 0) -> dict:
    key = jax.random.key(seed)
    ks = jax.random.split(key, 16)

    def p(k, shape, scale):
        return jax.random.normal(k, shape, jnp.float32) * scale

    return {
        "x": jax.random.normal(ks[0], (N, CUR), jnp.float32),
        "edge_index": jax.random.randint(ks[1], (2, E), 0, N),
        "edge_weight": jax.random.uniform(ks[2], (E,), jnp.float32),
        "W_pre": p(ks[3], (CUR, HID), (1.0 / CUR) ** 0.5),
        "b_pre": jnp.zeros((HID,), jnp.float32),
        "gat_W": p(ks[4], (HID, H * OUT), (1.0 / HID) ** 0.5),
        "att_src": p(ks[5], (H, OUT), 0.1),
        "att_dst": p(ks[6], (H, OUT), 0.1),
        "gat_b": jnp.zeros((H * OUT,), jnp.float32),
        "gcn0_W": p(ks[7], (HID, OUT), (1.0 / HID) ** 0.5),
        "gcn0_b": jnp.zeros((OUT,), jnp.float32),
        "gcn1_W": p(ks[8], (HID, OUT), (1.0 / HID) ** 0.5),
        "gcn1_b": jnp.zeros((OUT,), jnp.float32),
        "arma_init_W": p(ks[9], (H * OUT, OUT), (1.0 / (H * OUT)) ** 0.5),
        "arma_root_W": p(ks[10], (H * OUT, OUT), (1.0 / (H * OUT)) ** 0.5),
        "arma_b": jnp.zeros((OUT,), jnp.float32),
    }


def _add_self_loops(edge_index, edge_weight=None, n=N):
    loop = jnp.arange(n, dtype=edge_index.dtype)
    ei = jnp.concatenate([edge_index, jnp.stack([loop, loop])], axis=1)
    if edge_weight is None:
        return ei
    ew = jnp.concatenate([edge_weight, jnp.ones((n,), edge_weight.dtype)], axis=0)
    return ei, ew


def _gcn_norm(edge_index, edge_weight, n=N, add_self_loops=True):
    if add_self_loops:
        edge_index, edge_weight = _add_self_loops(edge_index, edge_weight, n)
    row, col = edge_index[0], edge_index[1]
    deg = jax.ops.segment_sum(edge_weight, col, num_segments=n)
    dis = jnp.where(deg > 0, jax.lax.rsqrt(jnp.where(deg > 0, deg, 1.0)), 0.0)
    return edge_index, dis[row] * edge_weight * dis[col]


def _gat(h, edge_index, W, att_src, att_dst, bias):
    ei = _add_self_loops(edge_index)
    xp = (h @ W).reshape(N, H, OUT)
    a_src = jnp.sum(xp * att_src[None], axis=-1)
    a_dst = jnp.sum(xp * att_dst[None], axis=-1)
    src, dst = ei[0], ei[1]
    alpha = jax.nn.leaky_relu(a_src[src] + a_dst[dst], 0.2)
    amax = jax.ops.segment_max(alpha, dst, num_segments=N)
    amax = jax.lax.stop_gradient(jnp.where(jnp.isfinite(amax), amax, 0.0))
    ex = jnp.exp(alpha - amax[dst])
    denom = jax.ops.segment_sum(ex, dst, num_segments=N)
    att = ex / (denom[dst] + 1e-16)
    out = jax.ops.segment_sum(xp[src] * att[:, :, None], dst, num_segments=N)
    return out.reshape(N, H * OUT) + bias


def _gcn(h, edge_index, edge_weight, W, b):
    ei, norm = _gcn_norm(edge_index, edge_weight)
    xp = h @ W
    out = jax.ops.segment_sum(xp[ei[0]] * norm[:, None], ei[1], num_segments=N)
    return out + b


def _arma(h1, edge_index, edge_weight, init_W, root_W, b):
    ei, norm = _gcn_norm(edge_index, edge_weight, add_self_loops=False)
    out = h1 @ init_W
    out = jax.ops.segment_sum(out[ei[0]] * norm[:, None], ei[1], num_segments=N)
    return jax.nn.relu(out + h1 @ root_W + b)


def reference(x, edge_index, edge_weight, W_pre, b_pre, gat_W, att_src, att_dst, gat_b,
              gcn0_W, gcn0_b, gcn1_W, gcn1_b, arma_init_W, arma_root_W, arma_b):
    h = x @ W_pre + b_pre
    h1 = jax.nn.leaky_relu(_gat(h, edge_index, gat_W, att_src, att_dst, gat_b), 0.01)
    h2 = jax.nn.leaky_relu(_gcn(h, edge_index, edge_weight, gcn0_W, gcn0_b), 0.01)
    h3 = jax.nn.leaky_relu(_gcn(h, edge_index, edge_weight, gcn1_W, gcn1_b), 0.01)
    h4 = jax.nn.leaky_relu(_arma(h1, edge_index, edge_weight, arma_init_W, arma_root_W, arma_b), 0.01)
    return jnp.tanh(jnp.concatenate([h1, h2, h3, h4], axis=1))

if __name__ == "__main__":
    import jax
    _d = setup_inputs()
    print(jax.jit(kernel)(*tuple(_d.values())))

</pallas_src>

<mosaic_0001>
#map = affine_map<(d0, d1) -> (0)>
#map1 = affine_map<(d0, d1) -> (0, 0)>
#map2 = affine_map<(d0, d1) -> (0, 0, 0)>
module attributes {stable_mosaic.version = 14 : i64} {
  func.func @_sc_cat_body(%arg0: i32, %arg1: i32, %arg2: memref<320000xi32, #tpu.memory_space<hbm>>, %arg3: memref<320000xi32, #tpu.memory_space<hbm>>, %arg4: memref<320000xf32, #tpu.memory_space<hbm>>, %arg5: memref<10000x128xf32, #tpu.memory_space<hbm>>, %arg6: memref<10112x128xf32, #tpu.memory_space<hbm>>, %arg7: memref<2x10112x128xf32, #tpu.memory_space<hbm>>, %arg8: memref<80xi32, #tpu.memory_space<vmem>>, %arg9: memref<80xi32, #tpu.memory_space<vmem>>, %arg10: memref<80xf32, #tpu.memory_space<vmem>>, %arg11: memref<80x128xf32, #tpu.memory_space<vmem>>, %arg12: memref<10112x128xf32, #tpu.memory_space<vmem_shared>>, %arg13: memref<!tpu.dma_semaphore, #tpu.memory_space<semaphore_mem>>) attributes {dimension_semantics = [#tpu.dimension_semantics<core_parallel>, #tpu.dimension_semantics<subcore_parallel>], iteration_bounds = array<i64: 2, 16>, scalar_prefetch = 0 : i64, scratch_operands = 6 : i64, tpu.core_type = #tpu.core_type<sc_vector_subcore>, window_params = [{transform_indices = #map}, {transform_indices = #map}, {transform_indices = #map}, {transform_indices = #map1}, {transform_indices = #map1}, {transform_indices = #map2}]} {
    %mul3A = arith.constant 16 : i32
    %mul3A_0 = arith.muli %arg0, %mul3A : i32
    %add3A = arith.addi %mul3A_0, %arg1 : i32
    %mul3A_1 = arith.constant 632 : i32
    %mul3A_2 = arith.muli %arg1, %mul3A_1 : i32
    %mul3A_3 = arith.constant 632 : i32
    %mul3A_4 = arith.muli %arg1, %mul3A_3 : i32
    "tpu.region"() ({
      %run_scoped3A = tpu.sem_alloc : memref<!tpu.dma_semaphore, #tpu.memory_space<semaphore_mem>>
      %dma_start3A = arith.constant 0 : i32
      %dma_start3A_15 = tpu.memref_slice %arg12[%mul3A_4, %dma_start3A] : memref<10112x128xf32, #tpu.memory_space<vmem_shared>> -> memref<632x128xf32, #tpu.memory_space<vmem_shared>>
      %dma_start3A_16 = arith.constant 0 : i32
      %dma_start3A_17 = tpu.memref_slice %arg6[%mul3A_2, %dma_start3A_16] : memref<10112x128xf32, #tpu.memory_space<hbm>> -> memref<632x128xf32, #tpu.memory_space<hbm>>
      tpu.enqueue_dma source(%dma_start3A_17 : memref<632x128xf32, #tpu.memory_space<hbm>>) target(%dma_start3A_15 : memref<632x128xf32, #tpu.memory_space<vmem_shared>>) target_semaphore(%run_scoped3A : memref<!tpu.dma_semaphore, #tpu.memory_space<semaphore_mem>>)
      %dma_wait3A = arith.constant 0 : i32
      %dma_wait3A_18 = tpu.memref_slice %arg12[%mul3A_4, %dma_wait3A] : memref<10112x128xf32, #tpu.memory_space<vmem_shared>> -> memref<632x128xf32, #tpu.memory_space<vmem_shared>>
      %dma_wait3A_19 = arith.constant 0 : i32
      %dma_wait3A_20 = tpu.memref_slice %arg6[%mul3A_2, %dma_wait3A_19] : memref<10112x128xf32, #tpu.memory_space<hbm>> -> memref<632x128xf32, #tpu.memory_space<hbm>>
      tpu.wait_dma2 semaphore(%run_scoped3A : memref<!tpu.dma_semaphore, #tpu.memory_space<semaphore_mem>>) src(%dma_wait3A_20 : memref<632x128xf32, #tpu.memory_space<hbm>>) dst(%dma_wait3A_18 : memref<632x128xf32, #tpu.memory_space<vmem_shared>>)
      tpu.yield
    }) : () -> ()
    %barrier3A = arith.constant 0 : index
    tpu.barrier barrier_id(%barrier3A)
    %scan3A = arith.constant 0 : i32
    %scan3A_5 = arith.constant 0 : i32
    %scan3A_6 = arith.constant 125 : i32
    %scan3A_7 = arith.addi %scan3A_5, %scan3A_6 : i32
    %scan3A_8 = arith.constant 1 : i32
    scf.for %scan3A_15 = %scan3A_5 to %scan3A_7 step %scan3A_8  : i32 {
      %mul3A_16 = arith.constant 10000 : i32
      %mul3A_17 = arith.muli %add3A, %mul3A_16 : i32
      %mul3A_18 = arith.constant 80 : i32
      %mul3A_19 = arith.muli %scan3A_15, %mul3A_18 : i32
      %add3A_20 = arith.addi %mul3A_17, %mul3A_19 : i32
      "tpu.region"() ({
        %run_scoped3A = tpu.sem_alloc : memref<!tpu.dma_semaphore, #tpu.memory_space<semaphore_mem>>
        %dma_start3A_69 = tpu.memref_slice %arg2[%add3A_20] : memref<320000xi32, #tpu.memory_space<hbm>> -> memref<80xi32, #tpu.memory_space<hbm>>
        %dma_start3A_70 = tpu.memref_slice %arg2[%add3A_20] : memref<320000xi32, #tpu.memory_space<hbm>> -> memref<80xi32, #tpu.memory_space<hbm>>
        tpu.enqueue_dma source(%dma_start3A_70 : memref<80xi32, #tpu.memory_space<hbm>>) target(%arg8 : memref<80xi32, #tpu.memory_space<vmem>>) target_semaphore(%run_scoped3A : memref<!tpu.dma_semaphore, #tpu.memory_space<semaphore_mem>>)
        %dma_wait3A_71 = tpu.memref_slice %arg2[%add3A_20] : memref<320000xi32, #tpu.memory_space<hbm>> -> memref<80xi32, #tpu.memory_space<hbm>>
        %dma_wait3A_72 = tpu.memref_slice %arg2[%add3A_20] : memref<320000xi32, #tpu.memory_space<hbm>> -> memref<80xi32, #tpu.memory_space<hbm>>
        tpu.wait_dma2 semaphore(%run_scoped3A : memref<!tpu.dma_semaphore, #tpu.memory_space<semaphore_mem>>) src(%dma_wait3A_72 : memref<80xi32, #tpu.memory_space<hbm>>) dst(%arg8 : memref<80xi32, #tpu.memory_space<vmem>>)
        tpu.yield
      }) : () -> ()
      "tpu.region"() ({
        %run_scoped3A = tpu.sem_alloc : memref<!tpu.dma_semaphore, #tpu.memory_space<semaphore_mem>>
        %dma_start3A_69 = tpu.memref_slice %arg3[%add3A_20] : memref<320000xi32, #tpu.memory_space<hbm>> -> memref<80xi32, #tpu.memory_space<hbm>>
        %dma_start3A_70 = tpu.memref_slice %arg3[%add3A_20] : memref<320000xi32, #tpu.memory_space<hbm>> -> memref<80xi32, #tpu.memory_space<hbm>>
        tpu.enqueue_dma source(%dma_start3A_70 : memref<80xi32, #tpu.memory_space<hbm>>) target(%arg9 : memref<80xi32, #tpu.memory_space<vmem>>) target_semaphore(%run_scoped3A : memref<!tpu.dma_semaphore, #tpu.memory_space<semaphore_mem>>)
        %dma_wait3A_71 = tpu.memref_slice %arg3[%add3A_20] : memref<320000xi32, #tpu.memory_space<hbm>> -> memref<80xi32, #tpu.memory_space<hbm>>
        %dma_wait3A_72 = tpu.memref_slice %arg3[%add3A_20] : memref<320000xi32, #tpu.memory_space<hbm>> -> memref<80xi32, #tpu.memory_space<hbm>>
        tpu.wait_dma2 semaphore(%run_scoped3A : memref<!tpu.dma_semaphore, #tpu.memory_space<semaphore_mem>>) src(%dma_wait3A_72 : memref<80xi32, #tpu.memory_space<hbm>>) dst(%arg9 : memref<80xi32, #tpu.memory_space<vmem>>)
        tpu.yield
      }) : () -> ()
      "tpu.region"() ({
        %run_scoped3A = tpu.sem_alloc : memref<!tpu.dma_semaphore, #tpu.memory_space<semaphore_mem>>
        %dma_start3A_69 = tpu.memref_slice %arg4[%add3A_20] : memref<320000xf32, #tpu.memory_space<hbm>> -> memref<80xf32, #tpu.memory_space<hbm>>
        %dma_start3A_70 = tpu.memref_slice %arg4[%add3A_20] : memref<320000xf32, #tpu.memory_space<hbm>> -> memref<80xf32, #tpu.memory_space<hbm>>
        tpu.enqueue_dma source(%dma_start3A_70 : memref<80xf32, #tpu.memory_space<hbm>>) target(%arg10 : memref<80xf32, #tpu.memory_space<vmem>>) target_semaphore(%run_scoped3A : memref<!tpu.dma_semaphore, #tpu.memory_space<semaphore_mem>>)
        %dma_wait3A_71 = tpu.memref_slice %arg4[%add3A_20] : memref<320000xf32, #tpu.memory_space<hbm>> -> memref<80xf32, #tpu.memory_space<hbm>>
        %dma_wait3A_72 = tpu.memref_slice %arg4[%add3A_20] : memref<320000xf32, #tpu.memory_space<hbm>> -> memref<80xf32, #tpu.memory_space<hbm>>
        tpu.wait_dma2 semaphore(%run_scoped3A : memref<!tpu.dma_semaphore, #tpu.memory_space<semaphore_mem>>) src(%dma_wait3A_72 : memref<80xf32, #tpu.memory_space<hbm>>) dst(%arg10 : memref<80xf32, #tpu.memory_space<vmem>>)
        tpu.yield
      }) : () -> ()
      %dma_start3A = arith.constant 0 : i32
      %dma_start3A_21 = arith.constant 0 : i32
      %dma_start3A_22 = tpu.memref_slice %arg5[%dma_start3A, %dma_start3A_21] : memref<10000x128xf32, #tpu.memory_space<hbm>> -> memref<10000x128xf32, #tpu.memory_space<hbm>>
      tpu.enqueue_indirect_dma source(%dma_start3A_22 : memref<10000x128xf32, #tpu.memory_space<hbm>>) target(%arg11 : memref<80x128xf32, #tpu.memory_space<vmem>>) offsets(%arg8 : memref<80xi32, #tpu.memory_space<vmem>>) semaphore(%arg13 : memref<!tpu.dma_semaphore, #tpu.memory_space<semaphore_mem>>)
      %dma_wait3A = arith.constant 0 : i32
      %dma_wait3A_23 = arith.constant 0 : i32
      %dma_wait3A_24 = tpu.memref_slice %arg5[%dma_wait3A, %dma_wait3A_23] : memref<10000x128xf32, #tpu.memory_space<hbm>> -> memref<10000x128xf32, #tpu.memory_space<hbm>>
      tpu.wait_indirect_dma semaphore(%arg13 : memref<!tpu.dma_semaphore, #tpu.memory_space<semaphore_mem>>) src(%dma_wait3A_24 : memref<10000x128xf32, #tpu.memory_space<hbm>>) dst(%arg11 : memref<80x128xf32, #tpu.memory_space<vmem>>)
      %get3A = arith.constant 0 : index
      %get3A_25 = tpu.vector_load %arg10[%get3A] {strides = array<i32>} : memref<80xf32, #tpu.memory_space<vmem>>, vector<16xf32>,
      %get3A_26 = vector.shape_cast %get3A_25 : vector<16xf32> to vector<16xf32>
      %scan3A_27 = arith.constant 0 : i32
      %scan3A_28 = arith.constant 0 : i32
      %scan3A_29 = arith.constant 16 : i32
      %scan3A_30 = arith.addi %scan3A_28, %scan3A_29 : i32
      %scan3A_31 = arith.constant 1 : i32
      scf.for %scan3A_69 = %scan3A_28 to %scan3A_30 step %scan3A_31  : i32 {
        %add3A_70 = arith.constant 0 : i32
        %add3A_71 = arith.addi %add3A_70, %scan3A_69 : i32
        %broadcast_in_dim3A = vector.broadcast %scan3A_69 : i32 to vector<16xi32>
        %lt3A = arith.constant 0 : i32
        %lt3A_72 = vector.broadcast %lt3A : i32 to vector<16xi32>
        %lt3A_73 = arith.cmpi slt, %broadcast_in_dim3A, %lt3A_72 : vector<16xi32>
        %add3A_74 = arith.constant 16 : i32
        %add3A_75 = vector.broadcast %add3A_74 : i32 to vector<16xi32>
        %add3A_76 = arith.addi %broadcast_in_dim3A, %add3A_75 : vector<16xi32>
        %select_n3A = arith.select %lt3A_73, %add3A_76, %broadcast_in_dim3A : vector<16xi1>, vector<16xi32>
        %broadcast_in_dim3A_77 = vector.shape_cast %select_n3A : vector<16xi32> to vector<16x1xi32>
        %gather3A = vector.shape_cast %broadcast_in_dim3A_77 : vector<16x1xi32> to vector<16xi32>
        %gather3A_78 = tpu.dynamic_gather %get3A_26[%gather3A] in [0] : vector<16xf32>, vector<16xi32> -> vector<16xf32>
        %get3A_79 = arith.index_cast %add3A_71 : i32 to index
        %get3A_80 = arith.constant 0 : index
        %get3A_81 = tpu.vector_load %arg11[%get3A_79, %get3A_80] {strides = array<i32>} : memref<80x128xf32, #tpu.memory_space<vmem>>, vector<1x16xf32>,
        %get3A_82 = vector.shape_cast %get3A_81 : vector<1x16xf32> to vector<16xf32>
        %mul3A_83 = arith.mulf %get3A_82, %gather3A_78 : vector<16xf32>
        %swap3A = arith.index_cast %add3A_71 : i32 to index
        %swap3A_84 = arith.constant 0 : index
        %swap3A_85 = tpu.vector_load %arg11[%swap3A, %swap3A_84] {strides = array<i32>} : memref<80x128xf32, #tpu.memory_space<vmem>>, vector<1x16xf32>,
        %swap3A_86 = vector.shape_cast %swap3A_85 : vector<1x16xf32> to vector<16xf32>
        %swap3A_87 = vector.shape_cast %mul3A_83 : vector<16xf32> to vector<1x16xf32>
        tpu.vector_store %arg11[%swap3A, %swap3A_84], %swap3A_87 {strides = array<i32>} : memref<80x128xf32, #tpu.memory_space<vmem>>, vector<1x16xf32>,
        %get3A_88 = arith.index_cast %add3A_71 : i32 to index
        %get3A_89 = arith.constant 16 : index
        %get3A_90 = tpu.vector_load %arg11[%get3A_88, %get3A_89] {strides = array<i32>} : memref<80x128xf32, #tpu.memory_space<vmem>>, vector<1x16xf32>,
        %get3A_91 = vector.shape_cast %get3A_90 : vector<1x16xf32> to vector<16xf32>
        %mul3A_92 = arith.mulf %get3A_91, %gather3A_78 : vector<16xf32>
        %swap3A_93 = arith.index_cast %add3A_71 : i32 to index
        %swap3A_94 = arith.constant 16 : index
        %swap3A_95 = tpu.vector_load %arg11[%swap3A_93, %swap3A_94] {strides = array<i32>} : memref<80x128xf32, #tpu.memory_space<vmem>>, vector<1x16xf32>,
        %swap3A_96 = vector.shape_cast %swap3A_95 : vector<1x16xf32> to vector<16xf32>
        %swap3A_97 = vector.shape_cast %mul3A_92 : vector<16xf32> to vector<1x16xf32>
        tpu.vector_store %arg11[%swap3A_93, %swap3A_94], %swap3A_97 {strides = array<i32>} : memref<80x128xf32, #tpu.memory_space<vmem>>, vector<1x16xf32>,
        %get3A_98 = arith.index_cast %add3A_71 : i32 to index
        %get3A_99 = arith.constant 32 : index
        %get3A_100 = tpu.vector_load %arg11[%get3A_98, %get3A_99] {strides = array<i32>} : memref<80x128xf32, #tpu.memory_space<vmem>>, vector<1x16xf32>,
        %get3A_101 = vector.shape_cast %get3A_100 : vector<1x16xf32> to vector<16xf32>
        %mul3A_102 = arith.mulf %get3A_101, %gather3A_78 : vector<16xf32>
        %swap3A_103 = arith.index_cast %add3A_71 : i32 to index
        %swap3A_104 = arith.constant 32 : index
        %swap3A_105 = tpu.vector_load %arg11[%swap3A_103, %swap3A_104] {strides = array<i32>} : memref<80x128xf32, #tpu.memory_space<vmem>>, vector<1x16xf32>,
        %swap3A_106 = vector.shape_cast %swap3A_105 : vector<1x16xf32> to vector<16xf32>
        %swap3A_107 = vector.shape_cast %mul3A_102 : vector<16xf32> to vector<1x16xf32>
        tpu.vector_store %arg11[%swap3A_103, %swap3A_104], %swap3A_107 {strides = array<i32>} : memref<80x128xf32, #tpu.memory_space<vmem>>, vector<1x16xf32>,
        %get3A_108 = arith.index_cast %add3A_71 : i32 to index
        %get3A_109 = arith.constant 48 : index
        %get3A_110 = tpu.vector_load %arg11[%get3A_108, %get3A_109] {strides = array<i32>} : memref<80x128xf32, #tpu.memory_space<vmem>>, vector<1x16xf32>,
        %get3A_111 = vector.shape_cast %get3A_110 : vector<1x16xf32> to vector<16xf32>
        %mul3A_112 = arith.mulf %get3A_111, %gather3A_78 : vector<16xf32>
        %swap3A_113 = arith.index_cast %add3A_71 : i32 to index
        %swap3A_114 = arith.constant 48 : index
        %swap3A_115 = tpu.vector_load %arg11[%swap3A_113, %swap3A_114] {strides = array<i32>} : memref<80x128xf32, #tpu.memory_space<vmem>>, vector<1x16xf32>,
        %swap3A_116 = vector.shape_cast %swap3A_115 : vector<1x16xf32> to vector<16xf32>
        %swap3A_117 = vector.shape_cast %mul3A_112 : vector<16xf32> to vector<1x16xf32>
        tpu.vector_store %arg11[%swap3A_113, %swap3A_114], %swap3A_117 {strides = array<i32>} : memref<80x128xf32, #tpu.memory_space<vmem>>, vector<1x16xf32>,
        %get3A_118 = arith.index_cast %add3A_71 : i32 to index
        %get3A_119 = arith.constant 64 : index
        %get3A_120 = tpu.vector_load %arg11[%get3A_118, %get3A_119] {strides = array<i32>} : memref<80x128xf32, #tpu.memory_space<vmem>>, vector<1x16xf32>,
        %get3A_121 = vector.shape_cast %get3A_120 : vector<1x16xf32> to vector<16xf32>
        %mul3A_122 = arith.mulf %get3A_121, %gather3A_78 : vector<16xf32>
        %swap3A_123 = arith.index_cast %add3A_71 : i32 to index
        %swap3A_124 = arith.constant 64 : index
        %swap3A_125 = tpu.vector_load %arg11[%swap3A_123, %swap3A_124] {strides = array<i32>} : memref<80x128xf32, #tpu.memory_space<vmem>>, vector<1x16xf32>,
        %swap3A_126 = vector.shape_cast %swap3A_125 : vector<1x16xf32> to vector<16xf32>
        %swap3A_127 = vector.shape_cast %mul3A_122 : vector<16xf32> to vector<1x16xf32>
        tpu.vector_store %arg11[%swap3A_123, %swap3A_124], %swap3A_127 {strides = array<i32>} : memref<80x128xf32, #tpu.memory_space<vmem>>, vector<1x16xf32>,
        %get3A_128 = arith.index_cast %add3A_71 : i32 to index
        %get3A_129 = arith.constant 80 : index
        %get3A_130 = tpu.vector_load %arg11[%get3A_128, %get3A_129] {strides = array<i32>} : memref<80x128xf32, #tpu.memory_space<vmem>>, vector<1x16xf32>,
        %get3A_131 = vector.shape_cast %get3A_130 : vector<1x16xf32> to vector<16xf32>
        %mul3A_132 = arith.mulf %get3A_131, %gather3A_78 : vector<16xf32>
        %swap3A_133 = arith.index_cast %add3A_71 : i32 to index
        %swap3A_134 = arith.constant 80 : index
        %swap3A_135 = tpu.vector_load %arg11[%swap3A_133, %swap3A_134] {strides = array<i32>} : memref<80x128xf32, #tpu.memory_space<vmem>>, vector<1x16xf32>,
        %swap3A_136 = vector.shape_cast %swap3A_135 : vector<1x16xf32> to vector<16xf32>
        %swap3A_137 = vector.shape_cast %mul3A_132 : vector<16xf32> to vector<1x16xf32>
        tpu.vector_store %arg11[%swap3A_133, %swap3A_134], %swap3A_137 {strides = array<i32>} : memref<80x128xf32, #tpu.memory_space<vmem>>, vector<1x16xf32>,
      }
      %scan3A_32 = arith.constant 16 : i32
      %get3A_33 = arith.constant 16 : index
      %get3A_34 = tpu.vector_load %arg10[%get3A_33] {strides = array<i32>} : memref<80xf32, #tpu.memory_space<vmem>>, vector<16xf32>,
      %get3A_35 = vector.shape_cast %get3A_34 : vector<16xf32> to vector<16xf32>
      %scan3A_36 = arith.constant 0 : i32
      %scan3A_37 = arith.constant 0 : i32
      %scan3A_38 = arith.constant 16 : i32
      %scan3A_39 = arith.addi %scan3A_37, %scan3A_38 : i32
      %scan3A_40 = arith.constant 1 : i32
      scf.for %scan3A_69 = %scan3A_37 to %scan3A_39 step %scan3A_40  : i32 {
        %add3A_70 = arith.constant 16 : i32
        %add3A_71 = arith.addi %add3A_70, %scan3A_69 : i32
        %broadcast_in_dim3A = vector.broadcast %scan3A_69 : i32 to vector<16xi32>
        %lt3A = arith.constant 0 : i32
        %lt3A_72 = vector.broadcast %lt3A : i32 to vector<16xi32>
        %lt3A_73 = arith.cmpi slt, %broadcast_in_dim3A, %lt3A_72 : vector<16xi32>
        %add3A_74 = arith.constant 16 : i32
        %add3A_75 = vector.broadcast %add3A_74 : i32 to vector<16xi32>
        %add3A_76 = arith.addi %broadcast_in_dim3A, %add3A_75 : vector<16xi32>
        %select_n3A = arith.select %lt3A_73, %add3A_76, %broadcast_in_dim3A : vector<16xi1>, vector<16xi32>
        %broadcast_in_dim3A_77 = vector.shape_cast %select_n3A : vector<16xi32> to vector<16x1xi32>
        %gather3A = vector.shape_cast %broadcast_in_dim3A_77 : vector<16x1xi32> to vector<16xi32>
        %gather3A_78 = tpu.dynamic_gather %get3A_35[%gather3A] in [0] : vector<16xf32>, vector<16xi32> -> vector<16xf32>
        %get3A_79 = arith.index_cast %add3A_71 : i32 to index
        %get3A_80 = arith.constant 0 : index
        %get3A_81 = tpu.vector_load %arg11[%get3A_79, %get3A_80] {strides = array<i32>} : memref<80x128xf32, #tpu.memory_space<vmem>>, vector<1x16xf32>,
        %get3A_82 = vector.shape_cast %get3A_81 : vector<1x16xf32> to vector<16xf32>
        %mul3A_83 = arith.mulf %get3A_82, %gather3A_78 : vector<16xf32>
        %swap3A = arith.index_cast %add3A_71 : i32 to index
        %swap3A_84 = arith.constant 0 : index
        %swap3A_85 = tpu.vector_load %arg11[%swap3A, %swap3A_84] {strides = array<i32>} : memref<80x128xf32, #tpu.memory_space<vmem>>, vector<1x16xf32>,
        %swap3A_86 = vector.shape_cast %swap3A_85 : vector<1x16xf32> to vector<16xf32>
        %swap3A_87 = vector.shape_cast %mul3A_83 : vector<16xf32> to vector<1x16xf32>
        tpu.vector_store %arg11[%swap3A, %swap3A_84], %swap3A_87 {strides = array<i32>} : memref<80x128xf32, #tpu.memory_space<vmem>>, vector<1x16xf32>,
        %get3A_88 = arith.index_cast %add3A_71 : i32 to index
        %get3A_89 = arith.constant 16 : index
        %get3A_90 = tpu.vector_load %arg11[%get3A_88, %get3A_89] {strides = array<i32>} : memref<80x128xf32, #tpu.memory_space<vmem>>, vector<1x16xf32>,
        %get3A_91 = vector.shape_cast %get3A_90 : vector<1x16xf32> to vector<16xf32>
        %mul3A_92 = arith.mulf %get3A_91, %gather3A_78 : vector<16xf32>
        %swap3A_93 = arith.index_cast %add3A_71 : i32 to index
        %swap3A_94 = arith.constant 16 : index
        %swap3A_95 = tpu.vector_load %arg11[%swap3A_93, %swap3A_94] {strides = array<i32>} : memref<80x128xf32, #tpu.memory_space<vmem>>, vector<1x16xf32>,
        %swap3A_96 = vector.shape_cast %swap3A_95 : vector<1x16xf32> to vector<16xf32>
        %swap3A_97 = vector.shape_cast %mul3A_92 : vector<16xf32> to vector<1x16xf32>
        tpu.vector_store %arg11[%swap3A_93, %swap3A_94], %swap3A_97 {strides = array<i32>} : memref<80x128xf32, #tpu.memory_space<vmem>>, vector<1x16xf32>,
        %get3A_98 = arith.index_cast %add3A_71 : i32 to index
        %get3A_99 = arith.constant 32 : index
        %get3A_100 = tpu.vector_load %arg11[%get3A_98, %get3A_99] {strides = array<i32>} : memref<80x128xf32, #tpu.memory_space<vmem>>, vector<1x16xf32>,
        %get3A_101 = vector.shape_cast %get3A_100 : vector<1x16xf32> to vector<16xf32>
        %mul3A_102 = arith.mulf %get3A_101, %gather3A_78 : vector<16xf32>
        %swap3A_103 = arith.index_cast %add3A_71 : i32 to index
        %swap3A_104 = arith.constant 32 : index
        %swap3A_105 = tpu.vector_load %arg11[%swap3A_103, %swap3A_104] {strides = array<i32>} : memref<80x128xf32, #tpu.memory_space<vmem>>, vector<1x16xf32>,
        %swap3A_106 = vector.shape_cast %swap3A_105 : vector<1x16xf32> to vector<16xf32>
        %swap3A_107 = vector.shape_cast %mul3A_102 : vector<16xf32> to vector<1x16xf32>
        tpu.vector_store %arg11[%swap3A_103, %swap3A_104], %swap3A_107 {strides = array<i32>} : memref<80x128xf32, #tpu.memory_space<vmem>>, vector<1x16xf32>,
        %get3A_108 = arith.index_cast %add3A_71 : i32 to index
        %get3A_109 = arith.constant 48 : index
        %get3A_110 = tpu.vector_load %arg11[%get3A_108, %get3A_109] {strides = array<i32>} : memref<80x128xf32, #tpu.memory_space<vmem>>, vector<1x16xf32>,
        %get3A_111 = vector.shape_cast %get3A_110 : vector<1x16xf32> to vector<16xf32>
        %mul3A_112 = arith.mulf %get3A_111, %gather3A_78 : vector<16xf32>
        %swap3A_113 = arith.index_cast %add3A_71 : i32 to index
        %swap3A_114 = arith.constant 48 : index
        %swap3A_115 = tpu.vector_load %arg11[%swap3A_113, %swap3A_114] {strides = array<i32>} : memref<80x128xf32, #tpu.memory_space<vmem>>, vector<1x16xf32>,
        %swap3A_116 = vector.shape_cast %swap3A_115 : vector<1x16xf32> to vector<16xf32>
        %swap3A_117 = vector.shape_cast %mul3A_112 : vector<16xf32> to vector<1x16xf32>
        tpu.vector_store %arg11[%swap3A_113, %swap3A_114], %swap3A_117 {strides = array<i32>} : memref<80x128xf32, #tpu.memory_space<vmem>>, vector<1x16xf32>,
        %get3A_118 = arith.index_cast %add3A_71 : i32 to index
        %get3A_119 = arith.constant 64 : index
        %get3A_120 = tpu.vector_load %arg11[%get3A_118, %get3A_119] {strides = array<i32>} : memref<80x128xf32, #tpu.memory_space<vmem>>, vector<1x16xf32>,
        %get3A_121 = vector.shape_cast %get3A_120 : vector<1x16xf32> to vector<16xf32>
        %mul3A_122 = arith.mulf %get3A_121, %gather3A_78 : vector<16xf32>
        %swap3A_123 = arith.index_cast %add3A_71 : i32 to index
        %swap3A_124 = arith.constant 64 : index
        %swap3A_125 = tpu.vector_load %arg11[%swap3A_123, %swap3A_124] {strides = array<i32>} : memref<80x128xf32, #tpu.memory_space<vmem>>, vector<1x16xf32>,
        %swap3A_126 = vector.shape_cast %swap3A_125 : vector<1x16xf32> to vector<16xf32>
        %swap3A_127 = vector.shape_cast %mul3A_122 : vector<16xf32> to vector<1x16xf32>
        tpu.vector_store %arg11[%swap3A_123, %swap3A_124], %swap3A_127 {strides = array<i32>} : memref<80x128xf32, #tpu.memory_space<vmem>>, vector<1x16xf32>,
        %get3A_128 = arith.index_cast %add3A_71 : i32 to index
        %get3A_129 = arith.constant 80 : index
        %get3A_130 = tpu.vector_load %arg11[%get3A_128, %get3A_129] {strides = array<i32>} : memref<80x128xf32, #tpu.memory_space<vmem>>, vector<1x16xf32>,
        %get3A_131 = vector.shape_cast %get3A_130 : vector<1x16xf32> to vector<16xf32>
        %mul3A_132 = arith.mulf %get3A_131, %gather3A_78 : vector<16xf32>
        %swap3A_133 = arith.index_cast %add3A_71 : i32 to index
        %swap3A_134 = arith.constant 80 : index
        %swap3A_135 = tpu.vector_load %arg11[%swap3A_133, %swap3A_134] {strides = array<i32>} : memref<80x128xf32, #tpu.memory_space<vmem>>, vector<1x16xf32>,
        %swap3A_136 = vector.shape_cast %swap3A_135 : vector<1x16xf32> to vector<16xf32>
        %swap3A_137 = vector.shape_cast %mul3A_132 : vector<16xf32> to vector<1x16xf32>
        tpu.vector_store %arg11[%swap3A_133, %swap3A_134], %swap3A_137 {strides = array<i32>} : memref<80x128xf32, #tpu.memory_space<vmem>>, vector<1x16xf32>,
      }
      %scan3A_41 = arith.constant 16 : i32
      %get3A_42 = arith.constant 32 : index
      %get3A_43 = tpu.vector_load %arg10[%get3A_42] {strides = array<i32>} : memref<80xf32, #tpu.memory_space<vmem>>, vector<16xf32>,
      %get3A_44 = vector.shape_cast %get3A_43 : vector<16xf32> to vector<16xf32>
      %scan3A_45 = arith.constant 0 : i32
      %scan3A_46 = arith.constant 0 : i32
      %scan3A_47 = arith.constant 16 : i32
      %scan3A_48 = arith.addi %scan3A_46, %scan3A_47 : i32
      %scan3A_49 = arith.constant 1 : i32
      scf.for %scan3A_69 = %scan3A_46 to %scan3A_48 step %scan3A_49  : i32 {
        %add3A_70 = arith.constant 32 : i32
        %add3A_71 = arith.addi %add3A_70, %scan3A_69 : i32
        %broadcast_in_dim3A = vector.broadcast %scan3A_69 : i32 to vector<16xi32>
        %lt3A = arith.constant 0 : i32
        %lt3A_72 = vector.broadcast %lt3A : i32 to vector<16xi32>
        %lt3A_73 = arith.cmpi slt, %broadcast_in_dim3A, %lt3A_72 : vector<16xi32>
        %add3A_74 = arith.constant 16 : i32
        %add3A_75 = vector.broadcast %add3A_74 : i32 to vector<16xi32>
        %add3A_76 = arith.addi %broadcast_in_dim3A, %add3A_75 : vector<16xi32>
        %select_n3A = arith.select %lt3A_73, %add3A_76, %broadcast_in_dim3A : vector<16xi1>, vector<16xi32>
        %broadcast_in_dim3A_77 = vector.shape_cast %select_n3A : vector<16xi32> to vector<16x1xi32>
        %gather3A = vector.shape_cast %broadcast_in_dim3A_77 : vector<16x1xi32> to vector<16xi32>
        %gather3A_78 = tpu.dynamic_gather %get3A_44[%gather3A] in [0] : vector<16xf32>, vector<16xi32> -> vector<16xf32>
        %get3A_79 = arith.index_cast %add3A_71 : i32 to index
        %get3A_80 = arith.constant 0 : index
        %get3A_81 = tpu.vector_load %arg11[%get3A_79, %get3A_80] {strides = array<i32>} : memref<80x128xf32, #tpu.memory_space<vmem>>, vector<1x16xf32>,
        %get3A_82 = vector.shape_cast %get3A_81 : vector<1x16xf32> to vector<16xf32>
        %mul3A_83 = arith.mulf %get3A_82, %gather3A_78 : vector<16xf32>
        %swap3A = arith.index_cast %add3A_71 : i32 to index
        %swap3A_84 = arith.constant 0 : index
        %swap3A_85 = tpu.vector_load %arg11[%swap3A, %swap3A_84] {strides = array<i32>} : memref<80x128xf32, #tpu.memory_space<vmem>>, vector<1x16xf32>,
        %swap3A_86 = vector.shape_cast %swap3A_85 : vector<1x16xf32> to vector<16xf32>
        %swap3A_87 = vector.shape_cast %mul3A_83 : vector<16xf32> to vector<1x16xf32>
        tpu.vector_store %arg11[%swap3A, %swap3A_84], %swap3A_87 {strides = array<i32>} : memref<80x128xf32, #tpu.memory_space<vmem>>, vector<1x16xf32>,
        %get3A_88 = arith.index_cast %add3A_71 : i32 to index
        %get3A_89 = arith.constant 16 : index
        %get3A_90 = tpu.vector_load %arg11[%get3A_88, %get3A_89] {strides = array<i32>} : memref<80x128xf32, #tpu.memory_space<vmem>>, vector<1x16xf32>,
        %get3A_91 = vector.shape_cast %get3A_90 : vector<1x16xf32> to vector<16xf32>
        %mul3A_92 = arith.mulf %get3A_91, %gather3A_78 : vector<16xf32>
        %swap3A_93 = arith.index_cast %add3A_71 : i32 to index
        %swap3A_94 = arith.constant 16 : index
        %swap3A_95 = tpu.vector_load %arg11[%swap3A_93, %swap3A_94] {strides = array<i32>} : memref<80x128xf32, #tpu.memory_space<vmem>>, vector<1x16xf32>,
        %swap3A_96 = vector.shape_cast %swap3A_95 : vector<1x16xf32> to vector<16xf32>
        %swap3A_97 = vector.shape_cast %mul3A_92 : vector<16xf32> to vector<1x16xf32>
        tpu.vector_store %arg11[%swap3A_93, %swap3A_94], %swap3A_97 {strides = array<i32>} : memref<80x128xf32, #tpu.memory_space<vmem>>, vector<1x16xf32>,
        %get3A_98 = arith.index_cast %add3A_71 : i32 to index
        %get3A_99 = arith.constant 32 : index
        %get3A_100 = tpu.vector_load %arg11[%get3A_98, %get3A_99] {strides = array<i32>} : memref<80x128xf32, #tpu.memory_space<vmem>>, vector<1x16xf32>,
        %get3A_101 = vector.shape_cast %get3A_100 : vector<1x16xf32> to vector<16xf32>
        %mul3A_102 = arith.mulf %get3A_101, %gather3A_78 : vector<16xf32>
        %swap3A_103 = arith.index_cast %add3A_71 : i32 to index
        %swap3A_104 = arith.constant 32 : index
        %swap3A_105 = tpu.vector_load %arg11[%swap3A_103, %swap3A_104] {strides = array<i32>} : memref<80x128xf32, #tpu.memory_space<vmem>>, vector<1x16xf32>,
        %swap3A_106 = vector.shape_cast %swap3A_105 : vector<1x16xf32> to vector<16xf32>
        %swap3A_107 = vector.shape_cast %mul3A_102 : vector<16xf32> to vector<1x16xf32>
        tpu.vector_store %arg11[%swap3A_103, %swap3A_104], %swap3A_107 {strides = array<i32>} : memref<80x128xf32, #tpu.memory_space<vmem>>, vector<1x16xf32>,
        %get3A_108 = arith.index_cast %add3A_71 : i32 to index
        %get3A_109 = arith.constant 48 : index
        %get3A_110 = tpu.vector_load %arg11[%get3A_108, %get3A_109] {strides = array<i32>} : memref<80x128xf32, #tpu.memory_space<vmem>>, vector<1x16xf32>,
        %get3A_111 = vector.shape_cast %get3A_110 : vector<1x16xf32> to vector<16xf32>
        %mul3A_112 = arith.mulf %get3A_111, %gather3A_78 : vector<16xf32>
        %swap3A_113 = arith.index_cast %add3A_71 : i32 to index
        %swap3A_114 = arith.constant 48 : index
        %swap3A_115 = tpu.vector_load %arg11[%swap3A_113, %swap3A_114] {strides = array<i32>} : memref<80x128xf32, #tpu.memory_space<vmem>>, vector<1x16xf32>,
        %swap3A_116 = vector.shape_cast %swap3A_115 : vector<1x16xf32> to vector<16xf32>
        %swap3A_117 = vector.shape_cast %mul3A_112 : vector<16xf32> to vector<1x16xf32>
        tpu.vector_store %arg11[%swap3A_113, %swap3A_114], %swap3A_117 {strides = array<i32>} : memref<80x128xf32, #tpu.memory_space<vmem>>, vector<1x16xf32>,
        %get3A_118 = arith.index_cast %add3A_71 : i32 to index
        %get3A_119 = arith.constant 64 : index
        %get3A_120 = tpu.vector_load %arg11[%get3A_118, %get3A_119] {strides = array<i32>} : memref<80x128xf32, #tpu.memory_space<vmem>>, vector<1x16xf32>,
        %get3A_121 = vector.shape_cast %get3A_120 : vector<1x16xf32> to vector<16xf32>
        %mul3A_122 = arith.mulf %get3A_121, %gather3A_78 : vector<16xf32>
        %swap3A_123 = arith.index_cast %add3A_71 : i32 to index
        %swap3A_124 = arith.constant 64 : index
        %swap3A_125 = tpu.vector_load %arg11[%swap3A_123, %swap3A_124] {strides = array<i32>} : memref<80x128xf32, #tpu.memory_space<vmem>>, vector<1x16xf32>,
        %swap3A_126 = vector.shape_cast %swap3A_125 : vector<1x16xf32> to vector<16xf32>
        %swap3A_127 = vector.shape_cast %mul3A_122 : vector<16xf32> to vector<1x16xf32>
        tpu.vector_store %arg11[%swap3A_123, %swap3A_124], %swap3A_127 {strides = array<i32>} : memref<80x128xf32, #tpu.memory_space<vmem>>, vector<1x16xf32>,
        %get3A_128 = arith.index_cast %add3A_71 : i32 to index
        %get3A_129 = arith.constant 80 : index
        %get3A_130 = tpu.vector_load %arg11[%get3A_128, %get3A_129] {strides = array<i32>} : memref<80x128xf32, #tpu.memory_space<vmem>>, vector<1x16xf32>,
        %get3A_131 = vector.shape_cast %get3A_130 : vector<1x16xf32> to vector<16xf32>
        %mul3A_132 = arith.mulf %get3A_131, %gather3A_78 : vector<16xf32>
        %swap3A_133 = arith.index_cast %add3A_71 : i32 to index
        %swap3A_134 = arith.constant 80 : index
        %swap3A_135 = tpu.vector_load %arg11[%swap3A_133, %swap3A_134] {strides = array<i32>} : memref<80x128xf32, #tpu.memory_space<vmem>>, vector<1x16xf32>,
        %swap3A_136 = vector.shape_cast %swap3A_135 : vector<1x16xf32> to vector<16xf32>
        %swap3A_137 = vector.shape_cast %mul3A_132 : vector<16xf32> to vector<1x16xf32>
        tpu.vector_store %arg11[%swap3A_133, %swap3A_134], %swap3A_137 {strides = array<i32>} : memref<80x128xf32, #tpu.memory_space<vmem>>, vector<1x16xf32>,
      }
      %scan3A_50 = arith.constant 16 : i32
      %get3A_51 = arith.constant 48 : index
      %get3A_52 = tpu.vector_load %arg10[%get3A_51] {strides = array<i32>} : memref<80xf32, #tpu.memory_space<vmem>>, vector<16xf32>,
      %get3A_53 = vector.shape_cast %get3A_52 : vector<16xf32> to vector<16xf32>
      %scan3A_54 = arith.constant 0 : i32
      %scan3A_55 = arith.constant 0 : i32
      %scan3A_56 = arith.constant 16 : i32
      %scan3A_57 = arith.addi %scan3A_55, %scan3A_56 : i32
      %scan3A_58 = arith.constant 1 : i32
      scf.for %scan3A_69 = %scan3A_55 to %scan3A_57 step %scan3A_58  : i32 {
        %add3A_70 = arith.constant 48 : i32
        %add3A_71 = arith.addi %add3A_70, %scan3A_69 : i32
        %broadcast_in_dim3A = vector.broadcast %scan3A_69 : i32 to vector<16xi32>
        %lt3A = arith.constant 0 : i32
        %lt3A_72 = vector.broadcast %lt3A : i32 to vector<16xi32>
        %lt3A_73 = arith.cmpi slt, %broadcast_in_dim3A, %lt3A_72 : vector<16xi32>
        %add3A_74 = arith.constant 16 : i32
        %add3A_75 = vector.broadcast %add3A_74 : i32 to vector<16xi32>
        %add3A_76 = arith.addi %broadcast_in_dim3A, %add3A_75 : vector<16xi32>
        %select_n3A = arith.select %lt3A_73, %add3A_76, %broadcast_in_dim3A : vector<16xi1>, vector<16xi32>
        %broadcast_in_dim3A_77 = vector.shape_cast %select_n3A : vector<16xi32> to vector<16x1xi32>
        %gather3A = vector.shape_cast %broadcast_in_dim3A_77 : vector<16x1xi32> to vector<16xi32>
        %gather3A_78 = tpu.dynamic_gather %get3A_53[%gather3A] in [0] : vector<16xf32>, vector<16xi32> -> vector<16xf32>
        %get3A_79 = arith.index_cast %add3A_71 : i32 to index
        %get3A_80 = arith.constant 0 : index
        %get3A_81 = tpu.vector_load %arg11[%get3A_79, %get3A_80] {strides = array<i32>} : memref<80x128xf32, #tpu.memory_space<vmem>>, vector<1x16xf32>,
        %get3A_82 = vector.shape_cast %get3A_81 : vector<1x16xf32> to vector<16xf32>
        %mul3A_83 = arith.mulf %get3A_82, %gather3A_78 : vector<16xf32>
        %swap3A = arith.index_cast %add3A_71 : i32 to index
        %swap3A_84 = arith.constant 0 : index
        %swap3A_85 = tpu.vector_load %arg11[%swap3A, %swap3A_84] {strides = array<i32>} : memref<80x128xf32, #tpu.memory_space<vmem>>, vector<1x16xf32>,
        %swap3A_86 = vector.shape_cast %swap3A_85 : vector<1x16xf32> to vector<16xf32>
        %swap3A_87 = vector.shape_cast %mul3A_83 : vector<16xf32> to vector<1x16xf32>
        tpu.vector_store %arg11[%swap3A, %swap3A_84], %swap3A_87 {strides = array<i32>} : memref<80x128xf32, #tpu.memory_space<vmem>>, vector<1x16xf32>,
        %get3A_88 = arith.index_cast %add3A_71 : i32 to index
        %get3A_89 = arith.constant 16 : index
        %get3A_90 = tpu.vector_load %arg11[%get3A_88, %get3A_89] {strides = array<i32>} : memref<80x128xf32, #tpu.memory_space<vmem>>, vector<1x16xf32>,
        %get3A_91 = vector.shape_cast %get3A_90 : vector<1x16xf32> to vector<16xf32>
        %mul3A_92 = arith.mulf %get3A_91, %gather3A_78 : vector<16xf32>
        %swap3A_93 = arith.index_cast %add3A_71 : i32 to index
        %swap3A_94 = arith.constant 16 : index
        %swap3A_95 = tpu.vector_load %arg11[%swap3A_93, %swap3A_94] {strides = array<i32>} : memref<80x128xf32, #tpu.memory_space<vmem>>, vector<1x16xf32>,
        %swap3A_96 = vector.shape_cast %swap3A_95 : vector<1x16xf32> to vector<16xf32>
        %swap3A_97 = vector.shape_cast %mul3A_92 : vector<16xf32> to vector<1x16xf32>
        tpu.vector_store %arg11[%swap3A_93, %swap3A_94], %swap3A_97 {strides = array<i32>} : memref<80x128xf32, #tpu.memory_space<vmem>>, vector<1x16xf32>,
        %get3A_98 = arith.index_cast %add3A_71 : i32 to index
        %get3A_99 = arith.constant 32 : index
        %get3A_100 = tpu.vector_load %arg11[%get3A_98, %get3A_99] {strides = array<i32>} : memref<80x128xf32, #tpu.memory_space<vmem>>, vector<1x16xf32>,
        %get3A_101 = vector.shape_cast %get3A_100 : vector<1x16xf32> to vector<16xf32>
        %mul3A_102 = arith.mulf %get3A_101, %gather3A_78 : vector<16xf32>
        %swap3A_103 = arith.index_cast %add3A_71 : i32 to index
        %swap3A_104 = arith.constant 32 : index
        %swap3A_105 = tpu.vector_load %arg11[%swap3A_103, %swap3A_104] {strides = array<i32>} : memref<80x128xf32, #tpu.memory_space<vmem>>, vector<1x16xf32>,
        %swap3A_106 = vector.shape_cast %swap3A_105 : vector<1x16xf32> to vector<16xf32>
        %swap3A_107 = vector.shape_cast %mul3A_102 : vector<16xf32> to vector<1x16xf32>
        tpu.vector_store %arg11[%swap3A_103, %swap3A_104], %swap3A_107 {strides = array<i32>} : memref<80x128xf32, #tpu.memory_space<vmem>>, vector<1x16xf32>,
        %get3A_108 = arith.index_cast %add3A_71 : i32 to index
        %get3A_109 = arith.constant 48 : index
        %get3A_110 = tpu.vector_load %arg11[%get3A_108, %get3A_109] {strides = array<i32>} : memref<80x128xf32, #tpu.memory_space<vmem>>, vector<1x16xf32>,
        %get3A_111 = vector.shape_cast %get3A_110 : vector<1x16xf32> to vector<16xf32>
        %mul3A_112 = arith.mulf %get3A_111, %gather3A_78 : vector<16xf32>
        %swap3A_113 = arith.index_cast %add3A_71 : i32 to index
        %swap3A_114 = arith.constant 48 : index
        %swap3A_115 = tpu.vector_load %arg11[%swap3A_113, %swap3A_114] {strides = array<i32>} : memref<80x128xf32, #tpu.memory_space<vmem>>, vector<1x16xf32>,
        %swap3A_116 = vector.shape_cast %swap3A_115 : vector<1x16xf32> to vector<16xf32>
        %swap3A_117 = vector.shape_cast %mul3A_112 : vector<16xf32> to vector<1x16xf32>
        tpu.vector_store %arg11[%swap3A_113, %swap3A_114], %swap3A_117 {strides = array<i32>} : memref<80x128xf32, #tpu.memory_space<vmem>>, vector<1x16xf32>,
        %get3A_118 = arith.index_cast %add3A_71 : i32 to index
        %get3A_119 = arith.constant 64 : index
        %get3A_120 = tpu.vector_load %arg11[%get3A_118, %get3A_119] {strides = array<i32>} : memref<80x128xf32, #tpu.memory_space<vmem>>, vector<1x16xf32>,
        %get3A_121 = vector.shape_cast %get3A_120 : vector<1x16xf32> to vector<16xf32>
        %mul3A_122 = arith.mulf %get3A_121, %gather3A_78 : vector<16xf32>
        %swap3A_123 = arith.index_cast %add3A_71 : i32 to index
        %swap3A_124 = arith.constant 64 : index
        %swap3A_125 = tpu.vector_load %arg11[%swap3A_123, %swap3A_124] {strides = array<i32>} : memref<80x128xf32, #tpu.memory_space<vmem>>, vector<1x16xf32>,
        %swap3A_126 = vector.shape_cast %swap3A_125 : vector<1x16xf32> to vector<16xf32>
        %swap3A_127 = vector.shape_cast %mul3A_122 : vector<16xf32> to vector<1x16xf32>
        tpu.vector_store %arg11[%swap3A_123, %swap3A_124], %swap3A_127 {strides = array<i32>} : memref<80x128xf32, #tpu.memory_space<vmem>>, vector<1x16xf32>,
        %get3A_128 = arith.index_cast %add3A_71 : i32 to index
        %get3A_129 = arith.constant 80 : index
        %get3A_130 = tpu.vector_load %arg11[%get3A_128, %get3A_129] {strides = array<i32>} : memref<80x128xf32, #tpu.memory_space<vmem>>, vector<1x16xf32>,
        %get3A_131 = vector.shape_cast %get3A_130 : vector<1x16xf32> to vector<16xf32>
        %mul3A_132 = arith.mulf %get3A_131, %gather3A_78 : vector<16xf32>
        %swap3A_133 = arith.index_cast %add3A_71 : i32 to index
        %swap3A_134 = arith.constant 80 : index
        %swap3A_135 = tpu.vector_load %arg11[%swap3A_133, %swap3A_134] {strides = array<i32>} : memref<80x128xf32, #tpu.memory_space<vmem>>, vector<1x16xf32>,
        %swap3A_136 = vector.shape_cast %swap3A_135 : vector<1x16xf32> to vector<16xf32>
        %swap3A_137 = vector.shape_cast %mul3A_132 : vector<16xf32> to vector<1x16xf32>
        tpu.vector_store %arg11[%swap3A_133, %swap3A_134], %swap3A_137 {strides = array<i32>} : memref<80x128xf32, #tpu.memory_space<vmem>>, vector<1x16xf32>,
      }
      %scan3A_59 = arith.constant 16 : i32
      %get3A_60 = arith.constant 64 : index
      %get3A_61 = tpu.vector_load %arg10[%get3A_60] {strides = array<i32>} : memref<80xf32, #tpu.memory_space<vmem>>, vector<16xf32>,
      %get3A_62 = vector.shape_cast %get3A_61 : vector<16xf32> to vector<16xf32>
      %scan3A_63 = arith.constant 0 : i32
      %scan3A_64 = arith.constant 0 : i32
      %scan3A_65 = arith.constant 16 : i32
      %scan3A_66 = arith.addi %scan3A_64, %scan3A_65 : i32
      %scan3A_67 = arith.constant 1 : i32
      scf.for %scan3A_69 = %scan3A_64 to %scan3A_66 step %scan3A_67  : i32 {
        %add3A_70 = arith.constant 64 : i32
        %add3A_71 = arith.addi %add3A_70, %scan3A_69 : i32
        %broadcast_in_dim3A = vector.broadcast %scan3A_69 : i32 to vector<16xi32>
        %lt3A = arith.constant 0 : i32
        %lt3A_72 = vector.broadcast %lt3A : i32 to vector<16xi32>
        %lt3A_73 = arith.cmpi slt, %broadcast_in_dim3A, %lt3A_72 : vector<16xi32>
        %add3A_74 = arith.constant 16 : i32
        %add3A_75 = vector.broadcast %add3A_74 : i32 to vector<16xi32>
        %add3A_76 = arith.addi %broadcast_in_dim3A, %add3A_75 : vector<16xi32>
        %select_n3A = arith.select %lt3A_73, %add3A_76, %broadcast_in_dim3A : vector<16xi1>, vector<16xi32>
        %broadcast_in_dim3A_77 = vector.shape_cast %select_n3A : vector<16xi32> to vector<16x1xi32>
        %gather3A = vector.shape_cast %broadcast_in_dim3A_77 : vector<16x1xi32> to vector<16xi32>
        %gather3A_78 = tpu.dynamic_gather %get3A_62[%gather3A] in [0] : vector<16xf32>, vector<16xi32> -> vector<16xf32>
        %get3A_79 = arith.index_cast %add3A_71 : i32 to index
        %get3A_80 = arith.constant 0 : index
        %get3A_81 = tpu.vector_load %arg11[%get3A_79, %get3A_80] {strides = array<i32>} : memref<80x128xf32, #tpu.memory_space<vmem>>, vector<1x16xf32>,
        %get3A_82 = vector.shape_cast %get3A_81 : vector<1x16xf32> to vector<16xf32>
        %mul3A_83 = arith.mulf %get3A_82, %gather3A_78 : vector<16xf32>
        %swap3A = arith.index_cast %add3A_71 : i32 to index
        %swap3A_84 = arith.constant 0 : index
        %swap3A_85 = tpu.vector_load %arg11[%swap3A, %swap3A_84] {strides = array<i32>} : memref<80x128xf32, #tpu.memory_space<vmem>>, vector<1x16xf32>,
        %swap3A_86 = vector.shape_cast %swap3A_85 : vector<1x16xf32> to vector<16xf32>
        %swap3A_87 = vector.shape_cast %mul3A_83 : vector<16xf32> to vector<1x16xf32>
        tpu.vector_store %arg11[%swap3A, %swap3A_84], %swap3A_87 {strides = array<i32>} : memref<80x128xf32, #tpu.memory_space<vmem>>, vector<1x16xf32>,
        %get3A_88 = arith.index_cast %add3A_71 : i32 to index
        %get3A_89 = arith.constant 16 : index
        %get3A_90 = tpu.vector_load %arg11[%get3A_88, %get3A_89] {strides = array<i32>} : memref<80x128xf32, #tpu.memory_space<vmem>>, vector<1x16xf32>,
        %get3A_91 = vector.shape_cast %get3A_90 : vector<1x16xf32> to vector<16xf32>
        %mul3A_92 = arith.mulf %get3A_91, %gather3A_78 : vector<16xf32>
        %swap3A_93 = arith.index_cast %add3A_71 : i32 to index
        %swap3A_94 = arith.constant 16 : index
        %swap3A_95 = tpu.vector_load %arg11[%swap3A_93, %swap3A_94] {strides = array<i32>} : memref<80x128xf32, #tpu.memory_space<vmem>>, vector<1x16xf32>,
        %swap3A_96 = vector.shape_cast %swap3A_95 : vector<1x16xf32> to vector<16xf32>
        %swap3A_97 = vector.shape_cast %mul3A_92 : vector<16xf32> to vector<1x16xf32>
        tpu.vector_store %arg11[%swap3A_93, %swap3A_94], %swap3A_97 {strides = array<i32>} : memref<80x128xf32, #tpu.memory_space<vmem>>, vector<1x16xf32>,
        %get3A_98 = arith.index_cast %add3A_71 : i32 to index
        %get3A_99 = arith.constant 32 : index
        %get3A_100 = tpu.vector_load %arg11[%get3A_98, %get3A_99] {strides = array<i32>} : memref<80x128xf32, #tpu.memory_space<vmem>>, vector<1x16xf32>,
        %get3A_101 = vector.shape_cast %get3A_100 : vector<1x16xf32> to vector<16xf32>
        %mul3A_102 = arith.mulf %get3A_101, %gather3A_78 : vector<16xf32>
        %swap3A_103 = arith.index_cast %add3A_71 : i32 to index
        %swap3A_104 = arith.constant 32 : index
        %swap3A_105 = tpu.vector_load %arg11[%swap3A_103, %swap3A_104] {strides = array<i32>} : memref<80x128xf32, #tpu.memory_space<vmem>>, vector<1x16xf32>,
        %swap3A_106 = vector.shape_cast %swap3A_105 : vector<1x16xf32> to vector<16xf32>
        %swap3A_107 = vector.shape_cast %mul3A_102 : vector<16xf32> to vector<1x16xf32>
        tpu.vector_store %arg11[%swap3A_103, %swap3A_104], %swap3A_107 {strides = array<i32>} : memref<80x128xf32, #tpu.memory_space<vmem>>, vector<1x16xf32>,
        %get3A_108 = arith.index_cast %add3A_71 : i32 to index
        %get3A_109 = arith.constant 48 : index
        %get3A_110 = tpu.vector_load %arg11[%get3A_108, %get3A_109] {strides = array<i32>} : memref<80x128xf32, #tpu.memory_space<vmem>>, vector<1x16xf32>,
        %get3A_111 = vector.shape_cast %get3A_110 : vector<1x16xf32> to vector<16xf32>
        %mul3A_112 = arith.mulf %get3A_111, %gather3A_78 : vector<16xf32>
        %swap3A_113 = arith.index_cast %add3A_71 : i32 to index
        %swap3A_114 = arith.constant 48 : index
        %swap3A_115 = tpu.vector_load %arg11[%swap3A_113, %swap3A_114] {strides = array<i32>} : memref<80x128xf32, #tpu.memory_space<vmem>>, vector<1x16xf32>,
        %swap3A_116 = vector.shape_cast %swap3A_115 : vector<1x16xf32> to vector<16xf32>
        %swap3A_117 = vector.shape_cast %mul3A_112 : vector<16xf32> to vector<1x16xf32>
        tpu.vector_store %arg11[%swap3A_113, %swap3A_114], %swap3A_117 {strides = array<i32>} : memref<80x128xf32, #tpu.memory_space<vmem>>, vector<1x16xf32>,
        %get3A_118 = arith.index_cast %add3A_71 : i32 to index
        %get3A_119 = arith.constant 64 : index
        %get3A_120 = tpu.vector_load %arg11[%get3A_118, %get3A_119] {strides = array<i32>} : memref<80x128xf32, #tpu.memory_space<vmem>>, vector<1x16xf32>,
        %get3A_121 = vector.shape_cast %get3A_120 : vector<1x16xf32> to vector<16xf32>
        %mul3A_122 = arith.mulf %get3A_121, %gather3A_78 : vector<16xf32>
        %swap3A_123 = arith.index_cast %add3A_71 : i32 to index
        %swap3A_124 = arith.constant 64 : index
        %swap3A_125 = tpu.vector_load %arg11[%swap3A_123, %swap3A_124] {strides = array<i32>} : memref<80x128xf32, #tpu.memory_space<vmem>>, vector<1x16xf32>,
        %swap3A_126 = vector.shape_cast %swap3A_125 : vector<1x16xf32> to vector<16xf32>
        %swap3A_127 = vector.shape_cast %mul3A_122 : vector<16xf32> to vector<1x16xf32>
        tpu.vector_store %arg11[%swap3A_123, %swap3A_124], %swap3A_127 {strides = array<i32>} : memref<80x128xf32, #tpu.memory_space<vmem>>, vector<1x16xf32>,
        %get3A_128 = arith.index_cast %add3A_71 : i32 to index
        %get3A_129 = arith.constant 80 : index
        %get3A_130 = tpu.vector_load %arg11[%get3A_128, %get3A_129] {strides = array<i32>} : memref<80x128xf32, #tpu.memory_space<vmem>>, vector<1x16xf32>,
        %get3A_131 = vector.shape_cast %get3A_130 : vector<1x16xf32> to vector<16xf32>
        %mul3A_132 = arith.mulf %get3A_131, %gather3A_78 : vector<16xf32>
        %swap3A_133 = arith.index_cast %add3A_71 : i32 to index
        %swap3A_134 = arith.constant 80 : index
        %swap3A_135 = tpu.vector_load %arg11[%swap3A_133, %swap3A_134] {strides = array<i32>} : memref<80x128xf32, #tpu.memory_space<vmem>>, vector<1x16xf32>,
        %swap3A_136 = vector.shape_cast %swap3A_135 : vector<1x16xf32> to vector<16xf32>
        %swap3A_137 = vector.shape_cast %mul3A_132 : vector<16xf32> to vector<1x16xf32>
        tpu.vector_store %arg11[%swap3A_133, %swap3A_134], %swap3A_137 {strides = array<i32>} : memref<80x128xf32, #tpu.memory_space<vmem>>, vector<1x16xf32>,
      }
      %scan3A_68 = arith.constant 16 : i32
      "tpu.region"() ({
        %run_scoped3A = tpu.sem_alloc : memref<!tpu.dma_semaphore, #tpu.memory_space<semaphore_mem>>
        %dma_start3A_69 = arith.constant 0 : i32
        %dma_start3A_70 = arith.constant 0 : i32
        %dma_start3A_71 = tpu.memref_slice %arg12[%dma_start3A_69, %dma_start3A_70] : memref<10112x128xf32, #tpu.memory_space<vmem_shared>> -> memref<10112x128xf32, #tpu.memory_space<vmem_shared>>
        tpu.enqueue_indirect_dma source(%arg11 : memref<80x128xf32, #tpu.memory_space<vmem>>) target(%dma_start3A_71 : memref<10112x128xf32, #tpu.memory_space<vmem_shared>>) offsets(%arg9 : memref<80xi32, #tpu.memory_space<vmem>>) semaphore(%run_scoped3A : memref<!tpu.dma_semaphore, #tpu.memory_space<semaphore_mem>>) {add = true}
        %dma_wait3A_72 = arith.constant 0 : i32
        %dma_wait3A_73 = arith.constant 0 : i32
        %dma_wait3A_74 = tpu.memref_slice %arg12[%dma_wait3A_72, %dma_wait3A_73] : memref<10112x128xf32, #tpu.memory_space<vmem_shared>> -> memref<10112x128xf32, #tpu.memory_space<vmem_shared>>
        tpu.wait_indirect_dma semaphore(%run_scoped3A : memref<!tpu.dma_semaphore, #tpu.memory_space<semaphore_mem>>) src(%arg11 : memref<80x128xf32, #tpu.memory_space<vmem>>) dst(%dma_wait3A_74 : memref<10112x128xf32, #tpu.memory_space<vmem_shared>>)
        tpu.yield
      }) : () -> ()
    }
    %scan3A_9 = arith.constant 125 : i32
    %barrier3A_10 = arith.constant 0 : index
    tpu.barrier barrier_id(%barrier3A_10)
    %mul3A_11 = arith.constant 632 : i32
    %mul3A_12 = arith.muli %arg1, %mul3A_11 : i32
    %mul3A_13 = arith.constant 632 : i32
    %mul3A_14 = arith.muli %arg1, %mul3A_13 : i32
    "tpu.region"() ({
      %run_scoped3A = tpu.sem_alloc : memref<!tpu.dma_semaphore, #tpu.memory_space<semaphore_mem>>
      %dma_start3A = arith.constant 0 : i32
      %dma_start3A_15 = tpu.memref_slice %arg7[%arg0, %mul3A_14, %dma_start3A] : memref<2x10112x128xf32, #tpu.memory_space<hbm>> -> memref<1x632x128xf32, #tpu.memory_space<hbm>>
      %dma_start3A_16 = tpu.memref_squeeze %dma_start3A_15 : memref<1x632x128xf32, #tpu.memory_space<hbm>> -> memref<632x128xf32, #tpu.memory_space<hbm>>
      %dma_start3A_17 = arith.constant 0 : i32
      %dma_start3A_18 = tpu.memref_slice %arg12[%mul3A_12, %dma_start3A_17] : memref<10112x128xf32, #tpu.memory_space<vmem_shared>> -> memref<632x128xf32, #tpu.memory_space<vmem_shared>>
      tpu.enqueue_dma source(%dma_start3A_18 : memref<632x128xf32, #tpu.memory_space<vmem_shared>>) target(%dma_start3A_16 : memref<632x128xf32, #tpu.memory_space<hbm>>) target_semaphore(%run_scoped3A : memref<!tpu.dma_semaphore, #tpu.memory_space<semaphore_mem>>)
      %dma_wait3A = arith.constant 0 : i32
      %dma_wait3A_19 = tpu.memref_slice %arg7[%arg0, %mul3A_14, %dma_wait3A] : memref<2x10112x128xf32, #tpu.memory_space<hbm>> -> memref<1x632x128xf32, #tpu.memory_space<hbm>>
      %dma_wait3A_20 = tpu.memref_squeeze %dma_wait3A_19 : memref<1x632x128xf32, #tpu.memory_space<hbm>> -> memref<632x128xf32, #tpu.memory_space<hbm>>
      %dma_wait3A_21 = arith.constant 0 : i32
      %dma_wait3A_22 = tpu.memref_slice %arg12[%mul3A_12, %dma_wait3A_21] : memref<10112x128xf32, #tpu.memory_space<vmem_shared>> -> memref<632x128xf32, #tpu.memory_space<vmem_shared>>
      tpu.wait_dma2 semaphore(%run_scoped3A : memref<!tpu.dma_semaphore, #tpu.memory_space<semaphore_mem>>) src(%dma_wait3A_22 : memref<632x128xf32, #tpu.memory_space<vmem_shared>>) dst(%dma_wait3A_20 : memref<632x128xf32, #tpu.memory_space<hbm>>)
      tpu.yield
    }) : () -> ()
    return
  }
}

#map = affine_map<(d0, d1) -> (0)>
#map1 = affine_map<(d0, d1) -> (0, 0)>
#map2 = affine_map<(d0, d1) -> (0, 0, 0)>
module attributes {stable_mosaic.version = 14 : i64} {
  func.func @_sc_gat_a_body(%arg0: i32, %arg1: i32, %arg2: memref<320000xi32, #tpu.memory_space<hbm>>, %arg3: memref<320000xi32, #tpu.memory_space<hbm>>, %arg4: memref<320000x16xf32, #tpu.memory_space<hbm>>, %arg5: memref<10000x128xf32, #tpu.memory_space<hbm>>, %arg6: memref<10112x128xf32, #tpu.memory_space<hbm>>, %arg7: memref<2x10112x128xf32, #tpu.memory_space<hbm>>, %arg8: memref<80xi32, #tpu.memory_space<vmem>>, %arg9: memref<80xi32, #tpu.memory_space<vmem>>, %arg10: memref<80x16xf32, #tpu.memory_space<vmem>>, %arg11: memref<80x128xf32, #tpu.memory_space<vmem>>, %arg12: memref<80x128xf32, #tpu.memory_space<vmem>>, %arg13: memref<10112x128xf32, #tpu.memory_space<vmem_shared>>, %arg14: memref<!tpu.dma_semaphore, #tpu.memory_space<semaphore_mem>>) attributes {dimension_semantics = [#tpu.dimension_semantics<core_parallel>, #tpu.dimension_semantics<subcore_parallel>], iteration_bounds = array<i64: 2, 16>, scalar_prefetch = 0 : i64, scratch_operands = 7 : i64, tpu.core_type = #tpu.core_type<sc_vector_subcore>, window_params = [{transform_indices = #map}, {transform_indices = #map}, {transform_indices = #map1}, {transform_indices = #map1}, {transform_indices = #map1}, {transform_indices = #map2}]} {
    %mul3A = arith.constant 16 : i32
    %mul3A_0 = arith.muli %arg0, %mul3A : i32
    %add3A = arith.addi %mul3A_0, %arg1 : i32
    %mul3A_1 = arith.constant 632 : i32
    %mul3A_2 = arith.muli %arg1, %mul3A_1 : i32
    %mul3A_3 = arith.constant 632 : i32
    %mul3A_4 = arith.muli %arg1, %mul3A_3 : i32
    "tpu.region"() ({
      %run_scoped3A = tpu.sem_alloc : memref<!tpu.dma_semaphore, #tpu.memory_space<semaphore_mem>>
      %dma_start3A = arith.constant 0 : i32
      %dma_start3A_15 = tpu.memref_slice %arg13[%mul3A_4, %dma_start3A] : memref<10112x128xf32, #tpu.memory_space<vmem_shared>> -> memref<632x128xf32, #tpu.memory_space<vmem_shared>>
      %dma_start3A_16 = arith.constant 0 : i32
      %dma_start3A_17 = tpu.memref_slice %arg6[%mul3A_2, %dma_start3A_16] : memref<10112x128xf32, #tpu.memory_space<hbm>> -> memref<632x128xf32, #tpu.memory_space<hbm>>
      tpu.enqueue_dma source(%dma_start3A_17 : memref<632x128xf32, #tpu.memory_space<hbm>>) target(%dma_start3A_15 : memref<632x128xf32, #tpu.memory_space<vmem_shared>>) target_semaphore(%run_scoped3A : memref<!tpu.dma_semaphore, #tpu.memory_space<semaphore_mem>>)
      %dma_wait3A = arith.constant 0 : i32
      %dma_wait3A_18 = tpu.memref_slice %arg13[%mul3A_4, %dma_wait3A] : memref<10112x128xf32, #tpu.memory_space<vmem_shared>> -> memref<632x128xf32, #tpu.memory_space<vmem_shared>>
      %dma_wait3A_19 = arith.constant 0 : i32
      %dma_wait3A_20 = tpu.memref_slice %arg6[%mul3A_2, %dma_wait3A_19] : memref<10112x128xf32, #tpu.memory_space<hbm>> -> memref<632x128xf32, #tpu.memory_space<hbm>>
      tpu.wait_dma2 semaphore(%run_scoped3A : memref<!tpu.dma_semaphore, #tpu.memory_space<semaphore_mem>>) src(%dma_wait3A_20 : memref<632x128xf32, #tpu.memory_space<hbm>>) dst(%dma_wait3A_18 : memref<632x128xf32, #tpu.memory_space<vmem_shared>>)
      tpu.yield
    }) : () -> ()
    %barrier3A = arith.constant 0 : index
    tpu.barrier barrier_id(%barrier3A)
    %scan3A = arith.constant 0 : i32
    %scan3A_5 = arith.constant 0 : i32
    %scan3A_6 = arith.constant 125 : i32
    %scan3A_7 = arith.addi %scan3A_5, %scan3A_6 : i32
    %scan3A_8 = arith.constant 1 : i32
    scf.for %scan3A_15 = %scan3A_5 to %scan3A_7 step %scan3A_8  : i32 {
      %mul3A_16 = arith.constant 10000 : i32
      %mul3A_17 = arith.muli %add3A, %mul3A_16 : i32
      %mul3A_18 = arith.constant 80 : i32
      %mul3A_19 = arith.muli %scan3A_15, %mul3A_18 : i32
      %add3A_20 = arith.addi %mul3A_17, %mul3A_19 : i32
      "tpu.region"() ({
        %run_scoped3A = tpu.sem_alloc : memref<!tpu.dma_semaphore, #tpu.memory_space<semaphore_mem>>
        %dma_start3A_31 = tpu.memref_slice %arg2[%add3A_20] : memref<320000xi32, #tpu.memory_space<hbm>> -> memref<80xi32, #tpu.memory_space<hbm>>
        %dma_start3A_32 = tpu.memref_slice %arg2[%add3A_20] : memref<320000xi32, #tpu.memory_space<hbm>> -> memref<80xi32, #tpu.memory_space<hbm>>
        tpu.enqueue_dma source(%dma_start3A_32 : memref<80xi32, #tpu.memory_space<hbm>>) target(%arg8 : memref<80xi32, #tpu.memory_space<vmem>>) target_semaphore(%run_scoped3A : memref<!tpu.dma_semaphore, #tpu.memory_space<semaphore_mem>>)
        %dma_wait3A_33 = tpu.memref_slice %arg2[%add3A_20] : memref<320000xi32, #tpu.memory_space<hbm>> -> memref<80xi32, #tpu.memory_space<hbm>>
        %dma_wait3A_34 = tpu.memref_slice %arg2[%add3A_20] : memref<320000xi32, #tpu.memory_space<hbm>> -> memref<80xi32, #tpu.memory_space<hbm>>
        tpu.wait_dma2 semaphore(%run_scoped3A : memref<!tpu.dma_semaphore, #tpu.memory_space<semaphore_mem>>) src(%dma_wait3A_34 : memref<80xi32, #tpu.memory_space<hbm>>) dst(%arg8 : memref<80xi32, #tpu.memory_space<vmem>>)
        tpu.yield
      }) : () -> ()
      "tpu.region"() ({
        %run_scoped3A = tpu.sem_alloc : memref<!tpu.dma_semaphore, #tpu.memory_space<semaphore_mem>>
        %dma_start3A_31 = tpu.memref_slice %arg3[%add3A_20] : memref<320000xi32, #tpu.memory_space<hbm>> -> memref<80xi32, #tpu.memory_space<hbm>>
        %dma_start3A_32 = tpu.memref_slice %arg3[%add3A_20] : memref<320000xi32, #tpu.memory_space<hbm>> -> memref<80xi32, #tpu.memory_space<hbm>>
        tpu.enqueue_dma source(%dma_start3A_32 : memref<80xi32, #tpu.memory_space<hbm>>) target(%arg9 : memref<80xi32, #tpu.memory_space<vmem>>) target_semaphore(%run_scoped3A : memref<!tpu.dma_semaphore, #tpu.memory_space<semaphore_mem>>)
        %dma_wait3A_33 = tpu.memref_slice %arg3[%add3A_20] : memref<320000xi32, #tpu.memory_space<hbm>> -> memref<80xi32, #tpu.memory_space<hbm>>
        %dma_wait3A_34 = tpu.memref_slice %arg3[%add3A_20] : memref<320000xi32, #tpu.memory_space<hbm>> -> memref<80xi32, #tpu.memory_space<hbm>>
        tpu.wait_dma2 semaphore(%run_scoped3A : memref<!tpu.dma_semaphore, #tpu.memory_space<semaphore_mem>>) src(%dma_wait3A_34 : memref<80xi32, #tpu.memory_space<hbm>>) dst(%arg9 : memref<80xi32, #tpu.memory_space<vmem>>)
        tpu.yield
      }) : () -> ()
      "tpu.region"() ({
        %run_scoped3A = tpu.sem_alloc : memref<!tpu.dma_semaphore, #tpu.memory_space<semaphore_mem>>
        %dma_start3A_31 = arith.constant 0 : i32
        %dma_start3A_32 = tpu.memref_slice %arg4[%add3A_20, %dma_start3A_31] : memref<320000x16xf32, #tpu.memory_space<hbm>> -> memref<80x16xf32, #tpu.memory_space<hbm>>
        %dma_start3A_33 = arith.constant 0 : i32
        %dma_start3A_34 = tpu.memref_slice %arg4[%add3A_20, %dma_start3A_33] : memref<320000x16xf32, #tpu.memory_space<hbm>> -> memref<80x16xf32, #tpu.memory_space<hbm>>
        tpu.enqueue_dma source(%dma_start3A_34 : memref<80x16xf32, #tpu.memory_space<hbm>>) target(%arg10 : memref<80x16xf32, #tpu.memory_space<vmem>>) target_semaphore(%run_scoped3A : memref<!tpu.dma_semaphore, #tpu.memory_space<semaphore_mem>>)
        %dma_wait3A_35 = arith.constant 0 : i32
        %dma_wait3A_36 = tpu.memref_slice %arg4[%add3A_20, %dma_wait3A_35] : memref<320000x16xf32, #tpu.memory_space<hbm>> -> memref<80x16xf32, #tpu.memory_space<hbm>>
        %dma_wait3A_37 = arith.constant 0 : i32
        %dma_wait3A_38 = tpu.memref_slice %arg4[%add3A_20, %dma_wait3A_37] : memref<320000x16xf32, #tpu.memory_space<hbm>> -> memref<80x16xf32, #tpu.memory_space<hbm>>
        tpu.wait_dma2 semaphore(%run_scoped3A : memref<!tpu.dma_semaphore, #tpu.memory_space<semaphore_mem>>) src(%dma_wait3A_38 : memref<80x16xf32, #tpu.memory_space<hbm>>) dst(%arg10 : memref<80x16xf32, #tpu.memory_space<vmem>>)
        tpu.yield
      }) : () -> ()
      %dma_start3A = arith.constant 0 : i32
      %dma_start3A_21 = arith.constant 0 : i32
      %dma_start3A_22 = tpu.memref_slice %arg5[%dma_start3A, %dma_start3A_21] : memref<10000x128xf32, #tpu.memory_space<hbm>> -> memref<10000x128xf32, #tpu.memory_space<hbm>>
      tpu.enqueue_indirect_dma source(%dma_start3A_22 : memref<10000x128xf32, #tpu.memory_space<hbm>>) target(%arg11 : memref<80x128xf32, #tpu.memory_space<vmem>>) offsets(%arg8 : memref<80xi32, #tpu.memory_space<vmem>>) semaphore(%arg14 : memref<!tpu.dma_semaphore, #tpu.memory_space<semaphore_mem>>)
      %dma_wait3A = arith.constant 0 : i32
      %dma_wait3A_23 = arith.constant 0 : i32
      %dma_wait3A_24 = tpu.memref_slice %arg5[%dma_wait3A, %dma_wait3A_23] : memref<10000x128xf32, #tpu.memory_space<hbm>> -> memref<10000x128xf32, #tpu.memory_space<hbm>>
      tpu.wait_indirect_dma semaphore(%arg14 : memref<!tpu.dma_semaphore, #tpu.memory_space<semaphore_mem>>) src(%dma_wait3A_24 : memref<10000x128xf32, #tpu.memory_space<hbm>>) dst(%arg11 : memref<80x128xf32, #tpu.memory_space<vmem>>)
      %scan3A_25 = arith.constant 0 : i32
      %scan3A_26 = arith.constant 0 : i32
      %scan3A_27 = arith.constant 80 : i32
      %scan3A_28 = arith.addi %scan3A_26, %scan3A_27 : i32
      %scan3A_29 = arith.constant 1 : i32
      scf.for %scan3A_31 = %scan3A_26 to %scan3A_28 step %scan3A_29  : i32 {
        %get3A = arith.index_cast %scan3A_31 : i32 to index
        %get3A_32 = arith.constant 0 : index
        %get3A_33 = tpu.vector_load %arg10[%get3A, %get3A_32] {strides = array<i32>} : memref<80x16xf32, #tpu.memory_space<vmem>>, vector<1x16xf32>,
        %get3A_34 = vector.shape_cast %get3A_33 : vector<1x16xf32> to vector<16xf32>
        %broadcast_in_dim3A = arith.constant 0 : i32
        %broadcast_in_dim3A_35 = vector.broadcast %broadcast_in_dim3A : i32 to vector<16xi32>
        %lt3A = arith.constant 0 : i32
        %lt3A_36 = vector.broadcast %lt3A : i32 to vector<16xi32>
        %lt3A_37 = arith.cmpi slt, %broadcast_in_dim3A_35, %lt3A_36 : vector<16xi32>
        %add3A_38 = arith.constant 16 : i32
        %add3A_39 = vector.broadcast %add3A_38 : i32 to vector<16xi32>
        %add3A_40 = arith.addi %broadcast_in_dim3A_35, %add3A_39 : vector<16xi32>
        %select_n3A = arith.select %lt3A_37, %add3A_40, %broadcast_in_dim3A_35 : vector<16xi1>, vector<16xi32>
        %broadcast_in_dim3A_41 = vector.shape_cast %select_n3A : vector<16xi32> to vector<16x1xi32>
        %gather3A = vector.shape_cast %broadcast_in_dim3A_41 : vector<16x1xi32> to vector<16xi32>
        %gather3A_42 = tpu.dynamic_gather %get3A_34[%gather3A] in [0] : vector<16xf32>, vector<16xi32> -> vector<16xf32>
        %get3A_43 = arith.index_cast %scan3A_31 : i32 to index
        %get3A_44 = arith.constant 0 : index
        %get3A_45 = tpu.vector_load %arg11[%get3A_43, %get3A_44] {strides = array<i32>} : memref<80x128xf32, #tpu.memory_space<vmem>>, vector<1x16xf32>,
        %get3A_46 = vector.shape_cast %get3A_45 : vector<1x16xf32> to vector<16xf32>
        %mul3A_47 = arith.mulf %get3A_46, %gather3A_42 : vector<16xf32>
        %swap3A = arith.index_cast %scan3A_31 : i32 to index
        %swap3A_48 = arith.constant 0 : index
        %swap3A_49 = tpu.vector_load %arg12[%swap3A, %swap3A_48] {strides = array<i32>} : memref<80x128xf32, #tpu.memory_space<vmem>>, vector<1x16xf32>,
        %swap3A_50 = vector.shape_cast %swap3A_49 : vector<1x16xf32> to vector<16xf32>
        %swap3A_51 = vector.shape_cast %mul3A_47 : vector<16xf32> to vector<1x16xf32>
        tpu.vector_store %arg12[%swap3A, %swap3A_48], %swap3A_51 {strides = array<i32>} : memref<80x128xf32, #tpu.memory_space<vmem>>, vector<1x16xf32>,
        %get3A_52 = arith.index_cast %scan3A_31 : i32 to index
        %get3A_53 = arith.constant 16 : index
        %get3A_54 = tpu.vector_load %arg11[%get3A_52, %get3A_53] {strides = array<i32>} : memref<80x128xf32, #tpu.memory_space<vmem>>, vector<1x16xf32>,
        %get3A_55 = vector.shape_cast %get3A_54 : vector<1x16xf32> to vector<16xf32>
        %mul3A_56 = arith.mulf %get3A_55, %gather3A_42 : vector<16xf32>
        %swap3A_57 = arith.index_cast %scan3A_31 : i32 to index
        %swap3A_58 = arith.constant 16 : index
        %swap3A_59 = tpu.vector_load %arg12[%swap3A_57, %swap3A_58] {strides = array<i32>} : memref<80x128xf32, #tpu.memory_space<vmem>>, vector<1x16xf32>,
        %swap3A_60 = vector.shape_cast %swap3A_59 : vector<1x16xf32> to vector<16xf32>
        %swap3A_61 = vector.shape_cast %mul3A_56 : vector<16xf32> to vector<1x16xf32>
        tpu.vector_store %arg12[%swap3A_57, %swap3A_58], %swap3A_61 {strides = array<i32>} : memref<80x128xf32, #tpu.memory_space<vmem>>, vector<1x16xf32>,
        %broadcast_in_dim3A_62 = arith.constant 1 : i32
        %broadcast_in_dim3A_63 = vector.broadcast %broadcast_in_dim3A_62 : i32 to vector<16xi32>
        %lt3A_64 = arith.constant 0 : i32
        %lt3A_65 = vector.broadcast %lt3A_64 : i32 to vector<16xi32>
        %lt3A_66 = arith.cmpi slt, %broadcast_in_dim3A_63, %lt3A_65 : vector<16xi32>
        %add3A_67 = arith.constant 16 : i32
        %add3A_68 = vector.broadcast %add3A_67 : i32 to vector<16xi32>
        %add3A_69 = arith.addi %broadcast_in_dim3A_63, %add3A_68 : vector<16xi32>
        %select_n3A_70 = arith.select %lt3A_66, %add3A_69, %broadcast_in_dim3A_63 : vector<16xi1>, vector<16xi32>
        %broadcast_in_dim3A_71 = vector.shape_cast %select_n3A_70 : vector<16xi32> to vector<16x1xi32>
        %gather3A_72 = vector.shape_cast %broadcast_in_dim3A_71 : vector<16x1xi32> to vector<16xi32>
        %gather3A_73 = tpu.dynamic_gather %get3A_34[%gather3A_72] in [0] : vector<16xf32>, vector<16xi32> -> vector<16xf32>
        %get3A_74 = arith.index_cast %scan3A_31 : i32 to index
        %get3A_75 = arith.constant 32 : index
        %get3A_76 = tpu.vector_load %arg11[%get3A_74, %get3A_75] {strides = array<i32>} : memref<80x128xf32, #tpu.memory_space<vmem>>, vector<1x16xf32>,
        %get3A_77 = vector.shape_cast %get3A_76 : vector<1x16xf32> to vector<16xf32>
        %mul3A_78 = arith.mulf %get3A_77, %gather3A_73 : vector<16xf32>
        %swap3A_79 = arith.index_cast %scan3A_31 : i32 to index
        %swap3A_80 = arith.constant 32 : index
        %swap3A_81 = tpu.vector_load %arg12[%swap3A_79, %swap3A_80] {strides = array<i32>} : memref<80x128xf32, #tpu.memory_space<vmem>>, vector<1x16xf32>,
        %swap3A_82 = vector.shape_cast %swap3A_81 : vector<1x16xf32> to vector<16xf32>
        %swap3A_83 = vector.shape_cast %mul3A_78 : vector<16xf32> to vector<1x16xf32>
        tpu.vector_store %arg12[%swap3A_79, %swap3A_80], %swap3A_83 {strides = array<i32>} : memref<80x128xf32, #tpu.memory_space<vmem>>, vector<1x16xf32>,
        %get3A_84 = arith.index_cast %scan3A_31 : i32 to index
        %get3A_85 = arith.constant 48 : index
        %get3A_86 = tpu.vector_load %arg11[%get3A_84, %get3A_85] {strides = array<i32>} : memref<80x128xf32, #tpu.memory_space<vmem>>, vector<1x16xf32>,
        %get3A_87 = vector.shape_cast %get3A_86 : vector<1x16xf32> to vector<16xf32>
        %mul3A_88 = arith.mulf %get3A_87, %gather3A_73 : vector<16xf32>
        %swap3A_89 = arith.index_cast %scan3A_31 : i32 to index
        %swap3A_90 = arith.constant 48 : index
        %swap3A_91 = tpu.vector_load %arg12[%swap3A_89, %swap3A_90] {strides = array<i32>} : memref<80x128xf32, #tpu.memory_space<vmem>>, vector<1x16xf32>,
        %swap3A_92 = vector.shape_cast %swap3A_91 : vector<1x16xf32> to vector<16xf32>
        %swap3A_93 = vector.shape_cast %mul3A_88 : vector<16xf32> to vector<1x16xf32>
        tpu.vector_store %arg12[%swap3A_89, %swap3A_90], %swap3A_93 {strides = array<i32>} : memref<80x128xf32, #tpu.memory_space<vmem>>, vector<1x16xf32>,
        %broadcast_in_dim3A_94 = arith.constant 2 : i32
        %broadcast_in_dim3A_95 = vector.broadcast %broadcast_in_dim3A_94 : i32 to vector<16xi32>
        %lt3A_96 = arith.constant 0 : i32
        %lt3A_97 = vector.broadcast %lt3A_96 : i32 to vector<16xi32>
        %lt3A_98 = arith.cmpi slt, %broadcast_in_dim3A_95, %lt3A_97 : vector<16xi32>
        %add3A_99 = arith.constant 16 : i32
        %add3A_100 = vector.broadcast %add3A_99 : i32 to vector<16xi32>
        %add3A_101 = arith.addi %broadcast_in_dim3A_95, %add3A_100 : vector<16xi32>
        %select_n3A_102 = arith.select %lt3A_98, %add3A_101, %broadcast_in_dim3A_95 : vector<16xi1>, vector<16xi32>
        %broadcast_in_dim3A_103 = vector.shape_cast %select_n3A_102 : vector<16xi32> to vector<16x1xi32>
        %gather3A_104 = vector.shape_cast %broadcast_in_dim3A_103 : vector<16x1xi32> to vector<16xi32>
        %gather3A_105 = tpu.dynamic_gather %get3A_34[%gather3A_104] in [0] : vector<16xf32>, vector<16xi32> -> vector<16xf32>
        %get3A_106 = arith.index_cast %scan3A_31 : i32 to index
        %get3A_107 = arith.constant 64 : index
        %get3A_108 = tpu.vector_load %arg11[%get3A_106, %get3A_107] {strides = array<i32>} : memref<80x128xf32, #tpu.memory_space<vmem>>, vector<1x16xf32>,
        %get3A_109 = vector.shape_cast %get3A_108 : vector<1x16xf32> to vector<16xf32>
        %mul3A_110 = arith.mulf %get3A_109, %gather3A_105 : vector<16xf32>
        %swap3A_111 = arith.index_cast %scan3A_31 : i32 to index
        %swap3A_112 = arith.constant 64 : index
        %swap3A_113 = tpu.vector_load %arg12[%swap3A_111, %swap3A_112] {strides = array<i32>} : memref<80x128xf32, #tpu.memory_space<vmem>>, vector<1x16xf32>,
        %swap3A_114 = vector.shape_cast %swap3A_113 : vector<1x16xf32> to vector<16xf32>
        %swap3A_115 = vector.shape_cast %mul3A_110 : vector<16xf32> to vector<1x16xf32>
        tpu.vector_store %arg12[%swap3A_111, %swap3A_112], %swap3A_115 {strides = array<i32>} : memref<80x128xf32, #tpu.memory_space<vmem>>, vector<1x16xf32>,
        %get3A_116 = arith.index_cast %scan3A_31 : i32 to index
        %get3A_117 = arith.constant 80 : index
        %get3A_118 = tpu.vector_load %arg11[%get3A_116, %get3A_117] {strides = array<i32>} : memref<80x128xf32, #tpu.memory_space<vmem>>, vector<1x16xf32>,
        %get3A_119 = vector.shape_cast %get3A_118 : vector<1x16xf32> to vector<16xf32>
        %mul3A_120 = arith.mulf %get3A_119, %gather3A_105 : vector<16xf32>
        %swap3A_121 = arith.index_cast %scan3A_31 : i32 to index
        %swap3A_122 = arith.constant 80 : index
        %swap3A_123 = tpu.vector_load %arg12[%swap3A_121, %swap3A_122] {strides = array<i32>} : memref<80x128xf32, #tpu.memory_space<vmem>>, vector<1x16xf32>,
        %swap3A_124 = vector.shape_cast %swap3A_123 : vector<1x16xf32> to vector<16xf32>
        %swap3A_125 = vector.shape_cast %mul3A_120 : vector<16xf32> to vector<1x16xf32>
        tpu.vector_store %arg12[%swap3A_121, %swap3A_122], %swap3A_125 {strides = array<i32>} : memref<80x128xf32, #tpu.memory_space<vmem>>, vector<1x16xf32>,
        %broadcast_in_dim3A_126 = arith.constant 3 : i32
        %broadcast_in_dim3A_127 = vector.broadcast %broadcast_in_dim3A_126 : i32 to vector<16xi32>
        %lt3A_128 = arith.constant 0 : i32
        %lt3A_129 = vector.broadcast %lt3A_128 : i32 to vector<16xi32>
        %lt3A_130 = arith.cmpi slt, %broadcast_in_dim3A_127, %lt3A_129 : vector<16xi32>
        %add3A_131 = arith.constant 16 : i32
        %add3A_132 = vector.broadcast %add3A_131 : i32 to vector<16xi32>
        %add3A_133 = arith.addi %broadcast_in_dim3A_127, %add3A_132 : vector<16xi32>
        %select_n3A_134 = arith.select %lt3A_130, %add3A_133, %broadcast_in_dim3A_127 : vector<16xi1>, vector<16xi32>
        %broadcast_in_dim3A_135 = vector.shape_cast %select_n3A_134 : vector<16xi32> to vector<16x1xi32>
        %gather3A_136 = vector.shape_cast %broadcast_in_dim3A_135 : vector<16x1xi32> to vector<16xi32>
        %gather3A_137 = tpu.dynamic_gather %get3A_34[%gather3A_136] in [0] : vector<16xf32>, vector<16xi32> -> vector<16xf32>
        %get3A_138 = arith.index_cast %scan3A_31 : i32 to index
        %get3A_139 = arith.constant 96 : index
        %get3A_140 = tpu.vector_load %arg11[%get3A_138, %get3A_139] {strides = array<i32>} : memref<80x128xf32, #tpu.memory_space<vmem>>, vector<1x16xf32>,
        %get3A_141 = vector.shape_cast %get3A_140 : vector<1x16xf32> to vector<16xf32>
        %mul3A_142 = arith.mulf %get3A_141, %gather3A_137 : vector<16xf32>
        %swap3A_143 = arith.index_cast %scan3A_31 : i32 to index
        %swap3A_144 = arith.constant 96 : index
        %swap3A_145 = tpu.vector_load %arg12[%swap3A_143, %swap3A_144] {strides = array<i32>} : memref<80x128xf32, #tpu.memory_space<vmem>>, vector<1x16xf32>,
        %swap3A_146 = vector.shape_cast %swap3A_145 : vector<1x16xf32> to vector<16xf32>
        %swap3A_147 = vector.shape_cast %mul3A_142 : vector<16xf32> to vector<1x16xf32>
        tpu.vector_store %arg12[%swap3A_143, %swap3A_144], %swap3A_147 {strides = array<i32>} : memref<80x128xf32, #tpu.memory_space<vmem>>, vector<1x16xf32>,
        %get3A_148 = arith.index_cast %scan3A_31 : i32 to index
        %get3A_149 = arith.constant 112 : index
        %get3A_150 = tpu.vector_load %arg11[%get3A_148, %get3A_149] {strides = array<i32>} : memref<80x128xf32, #tpu.memory_space<vmem>>, vector<1x16xf32>,
        %get3A_151 = vector.shape_cast %get3A_150 : vector<1x16xf32> to vector<16xf32>
        %mul3A_152 = arith.mulf %get3A_151, %gather3A_137 : vector<16xf32>
        %swap3A_153 = arith.index_cast %scan3A_31 : i32 to index
        %swap3A_154 = arith.constant 112 : index
        %swap3A_155 = tpu.vector_load %arg12[%swap3A_153, %swap3A_154] {strides = array<i32>} : memref<80x128xf32, #tpu.memory_space<vmem>>, vector<1x16xf32>,
        %swap3A_156 = vector.shape_cast %swap3A_155 : vector<1x16xf32> to vector<16xf32>
        %swap3A_157 = vector.shape_cast %mul3A_152 : vector<16xf32> to vector<1x16xf32>
        tpu.vector_store %arg12[%swap3A_153, %swap3A_154], %swap3A_157 {strides = array<i32>} : memref<80x128xf32, #tpu.memory_space<vmem>>, vector<1x16xf32>,
      }
      %scan3A_30 = arith.constant 80 : i32
      "tpu.region"() ({
        %run_scoped3A = tpu.sem_alloc : memref<!tpu.dma_semaphore, #tpu.memory_space<semaphore_mem>>
        %dma_start3A_31 = arith.constant 0 : i32
        %dma_start3A_32 = arith.constant 0 : i32
        %dma_start3A_33 = tpu.memref_slice %arg13[%dma_start3A_31, %dma_start3A_32] : memref<10112x128xf32, #tpu.memory_space<vmem_shared>> -> memref<10112x128xf32, #tpu.memory_space<vmem_shared>>
        tpu.enqueue_indirect_dma source(%arg12 : memref<80x128xf32, #tpu.memory_space<vmem>>) target(%dma_start3A_33 : memref<10112x128xf32, #tpu.memory_space<vmem_shared>>) offsets(%arg9 : memref<80xi32, #tpu.memory_space<vmem>>) semaphore(%run_scoped3A : memref<!tpu.dma_semaphore, #tpu.memory_space<semaphore_mem>>) {add = true}
        %dma_wait3A_34 = arith.constant 0 : i32
        %dma_wait3A_35 = arith.constant 0 : i32
        %dma_wait3A_36 = tpu.memref_slice %arg13[%dma_wait3A_34, %dma_wait3A_35] : memref<10112x128xf32, #tpu.memory_space<vmem_shared>> -> memref<10112x128xf32, #tpu.memory_space<vmem_shared>>
        tpu.wait_indirect_dma semaphore(%run_scoped3A : memref<!tpu.dma_semaphore, #tpu.memory_space<semaphore_mem>>) src(%arg12 : memref<80x128xf32, #tpu.memory_space<vmem>>) dst(%dma_wait3A_36 : memref<10112x128xf32, #tpu.memory_space<vmem_shared>>)
        tpu.yield
      }) : () -> ()
    }
    %scan3A_9 = arith.constant 125 : i32
    %barrier3A_10 = arith.constant 0 : index
    tpu.barrier barrier_id(%barrier3A_10)
    %mul3A_11 = arith.constant 632 : i32
    %mul3A_12 = arith.muli %arg1, %mul3A_11 : i32
    %mul3A_13 = arith.constant 632 : i32
    %mul3A_14 = arith.muli %arg1, %mul3A_13 : i32
    "tpu.region"() ({
      %run_scoped3A = tpu.sem_alloc : memref<!tpu.dma_semaphore, #tpu.memory_space<semaphore_mem>>
      %dma_start3A = arith.constant 0 : i32
      %dma_start3A_15 = tpu.memref_slice %arg7[%arg0, %mul3A_14, %dma_start3A] : memref<2x10112x128xf32, #tpu.memory_space<hbm>> -> memref<1x632x128xf32, #tpu.memory_space<hbm>>
      %dma_start3A_16 = tpu.memref_squeeze %dma_start3A_15 : memref<1x632x128xf32, #tpu.memory_space<hbm>> -> memref<632x128xf32, #tpu.memory_space<hbm>>
      %dma_start3A_17 = arith.constant 0 : i32
      %dma_start3A_18 = tpu.memref_slice %arg13[%mul3A_12, %dma_start3A_17] : memref<10112x128xf32, #tpu.memory_space<vmem_shared>> -> memref<632x128xf32, #tpu.memory_space<vmem_shared>>
      tpu.enqueue_dma source(%dma_start3A_18 : memref<632x128xf32, #tpu.memory_space<vmem_shared>>) target(%dma_start3A_16 : memref<632x128xf32, #tpu.memory_space<hbm>>) target_semaphore(%run_scoped3A : memref<!tpu.dma_semaphore, #tpu.memory_space<semaphore_mem>>)
      %dma_wait3A = arith.constant 0 : i32
      %dma_wait3A_19 = tpu.memref_slice %arg7[%arg0, %mul3A_14, %dma_wait3A] : memref<2x10112x128xf32, #tpu.memory_space<hbm>> -> memref<1x632x128xf32, #tpu.memory_space<hbm>>
      %dma_wait3A_20 = tpu.memref_squeeze %dma_wait3A_19 : memref<1x632x128xf32, #tpu.memory_space<hbm>> -> memref<632x128xf32, #tpu.memory_space<hbm>>
      %dma_wait3A_21 = arith.constant 0 : i32
      %dma_wait3A_22 = tpu.memref_slice %arg13[%mul3A_12, %dma_wait3A_21] : memref<10112x128xf32, #tpu.memory_space<vmem_shared>> -> memref<632x128xf32, #tpu.memory_space<vmem_shared>>
      tpu.wait_dma2 semaphore(%run_scoped3A : memref<!tpu.dma_semaphore, #tpu.memory_space<semaphore_mem>>) src(%dma_wait3A_22 : memref<632x128xf32, #tpu.memory_space<vmem_shared>>) dst(%dma_wait3A_20 : memref<632x128xf32, #tpu.memory_space<hbm>>)
      tpu.yield
    }) : () -> ()
    return
  }
}

#map = affine_map<(d0, d1) -> (0)>
#map1 = affine_map<(d0, d1) -> (0, 0)>
module attributes {stable_mosaic.version = 14 : i64} {
  func.func @_sc_edge1_body(%arg0: i32, %arg1: i32, %arg2: memref<320000xi32, #tpu.memory_space<hbm>>, %arg3: memref<320000xi32, #tpu.memory_space<hbm>>, %arg4: memref<10000x128xf32, #tpu.memory_space<hbm>>, %arg5: memref<320000x16xf32, #tpu.memory_space<hbm>>, %arg6: memref<80xi32, #tpu.memory_space<vmem>>, %arg7: memref<80xi32, #tpu.memory_space<vmem>>, %arg8: memref<80x128xf32, #tpu.memory_space<vmem>>, %arg9: memref<80x128xf32, #tpu.memory_space<vmem>>, %arg10: memref<80x16xf32, #tpu.memory_space<vmem>>, %arg11: memref<!tpu.dma_semaphore, #tpu.memory_space<semaphore_mem>>) attributes {dimension_semantics = [#tpu.dimension_semantics<core_parallel>, #tpu.dimension_semantics<subcore_parallel>], iteration_bounds = array<i64: 2, 16>, scalar_prefetch = 0 : i64, scratch_operands = 6 : i64, tpu.core_type = #tpu.core_type<sc_vector_subcore>, window_params = [{transform_indices = #map}, {transform_indices = #map}, {transform_indices = #map1}, {transform_indices = #map1}]} {
    %mul3A = arith.constant 16 : i32
    %mul3A_0 = arith.muli %arg0, %mul3A : i32
    %add3A = arith.addi %mul3A_0, %arg1 : i32
    %iota3A = tpu.iota {dimensions = array<i32: 0>} : vector<16xi32>
    %lt3A = arith.constant 10 : i32
    %lt3A_1 = vector.broadcast %lt3A : i32 to vector<16xi32>
    %lt3A_2 = arith.cmpi slt, %iota3A, %lt3A_1 : vector<16xi32>
    %add3A_3 = arith.constant 6 : i32
    %add3A_4 = vector.broadcast %add3A_3 : i32 to vector<16xi32>
    %add3A_5 = arith.addi %iota3A, %add3A_4 : vector<16xi32>
    %jit3A = arith.constant 15 : i32
    %broadcast_in_dim3A = vector.broadcast %jit3A : i32 to vector<16xi32>
    %select_n3A = arith.select %lt3A_2, %add3A_5, %broadcast_in_dim3A : vector<16xi1>, vector<16xi32>
    %scan3A = arith.constant 0 : i32
    %scan3A_6 = arith.constant 0 : i32
    %scan3A_7 = arith.constant 125 : i32
    %scan3A_8 = arith.addi %scan3A_6, %scan3A_7 : i32
    %scan3A_9 = arith.constant 1 : i32
    scf.for %scan3A_11 = %scan3A_6 to %scan3A_8 step %scan3A_9  : i32 {
      %mul3A_12 = arith.constant 10000 : i32
      %mul3A_13 = arith.muli %add3A, %mul3A_12 : i32
      %mul3A_14 = arith.constant 80 : i32
      %mul3A_15 = arith.muli %scan3A_11, %mul3A_14 : i32
      %add3A_16 = arith.addi %mul3A_13, %mul3A_15 : i32
      "tpu.region"() ({
        %run_scoped3A = tpu.sem_alloc : memref<!tpu.dma_semaphore, #tpu.memory_space<semaphore_mem>>
        %dma_start3A_33 = tpu.memref_slice %arg2[%add3A_16] : memref<320000xi32, #tpu.memory_space<hbm>> -> memref<80xi32, #tpu.memory_space<hbm>>
        %dma_start3A_34 = tpu.memref_slice %arg2[%add3A_16] : memref<320000xi32, #tpu.memory_space<hbm>> -> memref<80xi32, #tpu.memory_space<hbm>>
        tpu.enqueue_dma source(%dma_start3A_34 : memref<80xi32, #tpu.memory_space<hbm>>) target(%arg6 : memref<80xi32, #tpu.memory_space<vmem>>) target_semaphore(%run_scoped3A : memref<!tpu.dma_semaphore, #tpu.memory_space<semaphore_mem>>)
        %dma_wait3A_35 = tpu.memref_slice %arg2[%add3A_16] : memref<320000xi32, #tpu.memory_space<hbm>> -> memref<80xi32, #tpu.memory_space<hbm>>
        %dma_wait3A_36 = tpu.memref_slice %arg2[%add3A_16] : memref<320000xi32, #tpu.memory_space<hbm>> -> memref<80xi32, #tpu.memory_space<hbm>>
        tpu.wait_dma2 semaphore(%run_scoped3A : memref<!tpu.dma_semaphore, #tpu.memory_space<semaphore_mem>>) src(%dma_wait3A_36 : memref<80xi32, #tpu.memory_space<hbm>>) dst(%arg6 : memref<80xi32, #tpu.memory_space<vmem>>)
        tpu.yield
      }) : () -> ()
      "tpu.region"() ({
        %run_scoped3A = tpu.sem_alloc : memref<!tpu.dma_semaphore, #tpu.memory_space<semaphore_mem>>
        %dma_start3A_33 = tpu.memref_slice %arg3[%add3A_16] : memref<320000xi32, #tpu.memory_space<hbm>> -> memref<80xi32, #tpu.memory_space<hbm>>
        %dma_start3A_34 = tpu.memref_slice %arg3[%add3A_16] : memref<320000xi32, #tpu.memory_space<hbm>> -> memref<80xi32, #tpu.memory_space<hbm>>
        tpu.enqueue_dma source(%dma_start3A_34 : memref<80xi32, #tpu.memory_space<hbm>>) target(%arg7 : memref<80xi32, #tpu.memory_space<vmem>>) target_semaphore(%run_scoped3A : memref<!tpu.dma_semaphore, #tpu.memory_space<semaphore_mem>>)
        %dma_wait3A_35 = tpu.memref_slice %arg3[%add3A_16] : memref<320000xi32, #tpu.memory_space<hbm>> -> memref<80xi32, #tpu.memory_space<hbm>>
        %dma_wait3A_36 = tpu.memref_slice %arg3[%add3A_16] : memref<320000xi32, #tpu.memory_space<hbm>> -> memref<80xi32, #tpu.memory_space<hbm>>
        tpu.wait_dma2 semaphore(%run_scoped3A : memref<!tpu.dma_semaphore, #tpu.memory_space<semaphore_mem>>) src(%dma_wait3A_36 : memref<80xi32, #tpu.memory_space<hbm>>) dst(%arg7 : memref<80xi32, #tpu.memory_space<vmem>>)
        tpu.yield
      }) : () -> ()
      %dma_start3A = arith.constant 0 : i32
      %dma_start3A_17 = arith.constant 0 : i32
      %dma_start3A_18 = tpu.memref_slice %arg4[%dma_start3A, %dma_start3A_17] : memref<10000x128xf32, #tpu.memory_space<hbm>> -> memref<10000x128xf32, #tpu.memory_space<hbm>>
      tpu.enqueue_indirect_dma source(%dma_start3A_18 : memref<10000x128xf32, #tpu.memory_space<hbm>>) target(%arg8 : memref<80x128xf32, #tpu.memory_space<vmem>>) offsets(%arg6 : memref<80xi32, #tpu.memory_space<vmem>>) semaphore(%arg11 : memref<!tpu.dma_semaphore, #tpu.memory_space<semaphore_mem>>)
      %dma_wait3A = arith.constant 0 : i32
      %dma_wait3A_19 = arith.constant 0 : i32
      %dma_wait3A_20 = tpu.memref_slice %arg4[%dma_wait3A, %dma_wait3A_19] : memref<10000x128xf32, #tpu.memory_space<hbm>> -> memref<10000x128xf32, #tpu.memory_space<hbm>>
      tpu.wait_indirect_dma semaphore(%arg11 : memref<!tpu.dma_semaphore, #tpu.memory_space<semaphore_mem>>) src(%dma_wait3A_20 : memref<10000x128xf32, #tpu.memory_space<hbm>>) dst(%arg8 : memref<80x128xf32, #tpu.memory_space<vmem>>)
      %dma_start3A_21 = arith.constant 0 : i32
      %dma_start3A_22 = arith.constant 0 : i32
      %dma_start3A_23 = tpu.memref_slice %arg4[%dma_start3A_21, %dma_start3A_22] : memref<10000x128xf32, #tpu.memory_space<hbm>> -> memref<10000x128xf32, #tpu.memory_space<hbm>>
      tpu.enqueue_indirect_dma source(%dma_start3A_23 : memref<10000x128xf32, #tpu.memory_space<hbm>>) target(%arg9 : memref<80x128xf32, #tpu.memory_space<vmem>>) offsets(%arg7 : memref<80xi32, #tpu.memory_space<vmem>>) semaphore(%arg11 : memref<!tpu.dma_semaphore, #tpu.memory_space<semaphore_mem>>)
      %dma_wait3A_24 = arith.constant 0 : i32
      %dma_wait3A_25 = arith.constant 0 : i32
      %dma_wait3A_26 = tpu.memref_slice %arg4[%dma_wait3A_24, %dma_wait3A_25] : memref<10000x128xf32, #tpu.memory_space<hbm>> -> memref<10000x128xf32, #tpu.memory_space<hbm>>
      tpu.wait_indirect_dma semaphore(%arg11 : memref<!tpu.dma_semaphore, #tpu.memory_space<semaphore_mem>>) src(%dma_wait3A_26 : memref<10000x128xf32, #tpu.memory_space<hbm>>) dst(%arg9 : memref<80x128xf32, #tpu.memory_space<vmem>>)
      %scan3A_27 = arith.constant 0 : i32
      %scan3A_28 = arith.constant 0 : i32
      %scan3A_29 = arith.constant 80 : i32
      %scan3A_30 = arith.addi %scan3A_28, %scan3A_29 : i32
      %scan3A_31 = arith.constant 1 : i32
      scf.for %scan3A_33 = %scan3A_28 to %scan3A_30 step %scan3A_31  : i32 {
        %get3A = arith.index_cast %scan3A_33 : i32 to index
        %get3A_34 = arith.constant 0 : index
        %get3A_35 = tpu.vector_load %arg8[%get3A, %get3A_34] {strides = array<i32>} : memref<80x128xf32, #tpu.memory_space<vmem>>, vector<1x16xf32>,
        %get3A_36 = vector.shape_cast %get3A_35 : vector<1x16xf32> to vector<16xf32>
        %get3A_37 = arith.index_cast %scan3A_33 : i32 to index
        %get3A_38 = arith.constant 0 : index
        %get3A_39 = tpu.vector_load %arg9[%get3A_37, %get3A_38] {strides = array<i32>} : memref<80x128xf32, #tpu.memory_space<vmem>>, vector<1x16xf32>,
        %get3A_40 = vector.shape_cast %get3A_39 : vector<1x16xf32> to vector<16xf32>
        %lt3A_41 = arith.constant 0 : i32
        %lt3A_42 = vector.broadcast %lt3A_41 : i32 to vector<16xi32>
        %lt3A_43 = arith.cmpi slt, %select_n3A, %lt3A_42 : vector<16xi32>
        %add3A_44 = arith.constant 16 : i32
        %add3A_45 = vector.broadcast %add3A_44 : i32 to vector<16xi32>
        %add3A_46 = arith.addi %select_n3A, %add3A_45 : vector<16xi32>
        %select_n3A_47 = arith.select %lt3A_43, %add3A_46, %select_n3A : vector<16xi1>, vector<16xi32>
        %broadcast_in_dim3A_48 = vector.shape_cast %select_n3A_47 : vector<16xi32> to vector<16x1xi32>
        %gather3A = vector.shape_cast %broadcast_in_dim3A_48 : vector<16x1xi32> to vector<16xi32>
        %gather3A_49 = tpu.dynamic_gather %get3A_40[%gather3A] in [0] : vector<16xf32>, vector<16xi32> -> vector<16xf32>
        %add3A_50 = arith.addf %get3A_36, %gather3A_49 : vector<16xf32>
        %gt3A = arith.constant 0.000000e+00 : f32
        %gt3A_51 = vector.broadcast %gt3A : f32 to vector<16xf32>
        %gt3A_52 = arith.cmpf ogt, %add3A_50, %gt3A_51 : vector<16xf32>
        %mul3A_53 = arith.constant 2.000000e-01 : f32
        %mul3A_54 = vector.broadcast %mul3A_53 : f32 to vector<16xf32>
        %mul3A_55 = arith.mulf %add3A_50, %mul3A_54 : vector<16xf32>
        %select_n3A_56 = arith.select %gt3A_52, %add3A_50, %mul3A_55 : vector<16xi1>, vector<16xf32>
        %lt3A_57 = arith.constant 6 : i32
        %lt3A_58 = vector.broadcast %lt3A_57 : i32 to vector<16xi32>
        %lt3A_59 = arith.cmpi slt, %iota3A, %lt3A_58 : vector<16xi32>
        %exp3A = math.exp %select_n3A_56 : vector<16xf32>
        %jit3A_60 = arith.constant 0.000000e+00 : f32
        %broadcast_in_dim3A_61 = vector.broadcast %jit3A_60 : f32 to vector<16xf32>
        %select_n3A_62 = arith.select %lt3A_59, %exp3A, %broadcast_in_dim3A_61 : vector<16xi1>, vector<16xf32>
        %swap3A = arith.index_cast %scan3A_33 : i32 to index
        %swap3A_63 = arith.constant 0 : index
        %swap3A_64 = tpu.vector_load %arg10[%swap3A, %swap3A_63] {strides = array<i32>} : memref<80x16xf32, #tpu.memory_space<vmem>>, vector<1x16xf32>,
        %swap3A_65 = vector.shape_cast %swap3A_64 : vector<1x16xf32> to vector<16xf32>
        %swap3A_66 = vector.shape_cast %select_n3A_62 : vector<16xf32> to vector<1x16xf32>
        tpu.vector_store %arg10[%swap3A, %swap3A_63], %swap3A_66 {strides = array<i32>} : memref<80x16xf32, #tpu.memory_space<vmem>>, vector<1x16xf32>,
      }
      %scan3A_32 = arith.constant 80 : i32
      "tpu.region"() ({
        %run_scoped3A = tpu.sem_alloc : memref<!tpu.dma_semaphore, #tpu.memory_space<semaphore_mem>>
        %dma_start3A_33 = arith.constant 0 : i32
        %dma_start3A_34 = tpu.memref_slice %arg5[%add3A_16, %dma_start3A_33] : memref<320000x16xf32, #tpu.memory_space<hbm>> -> memref<80x16xf32, #tpu.memory_space<hbm>>
        %dma_start3A_35 = arith.constant 0 : i32
        %dma_start3A_36 = tpu.memref_slice %arg5[%add3A_16, %dma_start3A_35] : memref<320000x16xf32, #tpu.memory_space<hbm>> -> memref<80x16xf32, #tpu.memory_space<hbm>>
        tpu.enqueue_dma source(%arg10 : memref<80x16xf32, #tpu.memory_space<vmem>>) target(%dma_start3A_36 : memref<80x16xf32, #tpu.memory_space<hbm>>) target_semaphore(%run_scoped3A : memref<!tpu.dma_semaphore, #tpu.memory_space<semaphore_mem>>)
        %dma_wait3A_37 = arith.constant 0 : i32
        %dma_wait3A_38 = tpu.memref_slice %arg5[%add3A_16, %dma_wait3A_37] : memref<320000x16xf32, #tpu.memory_space<hbm>> -> memref<80x16xf32, #tpu.memory_space<hbm>>
        %dma_wait3A_39 = arith.constant 0 : i32
        %dma_wait3A_40 = tpu.memref_slice %arg5[%add3A_16, %dma_wait3A_39] : memref<320000x16xf32, #tpu.memory_space<hbm>> -> memref<80x16xf32, #tpu.memory_space<hbm>>
        tpu.wait_dma2 semaphore(%run_scoped3A : memref<!tpu.dma_semaphore, #tpu.memory_space<semaphore_mem>>) src(%arg10 : memref<80x16xf32, #tpu.memory_space<vmem>>) dst(%dma_wait3A_40 : memref<80x16xf32, #tpu.memory_space<hbm>>)
        tpu.yield
      }) : () -> ()
    }
    %scan3A_10 = arith.constant 125 : i32
    return
  }
}

#map = affine_map<(d0, d1) -> (0)>
#map1 = affine_map<(d0, d1) -> (0, 0)>
#map2 = affine_map<(d0, d1) -> (0, 0, 0)>
module attributes {stable_mosaic.version = 14 : i64} {
  func.func @_sc_gat_b_body(%arg0: i32, %arg1: i32, %arg2: memref<320000xi32, #tpu.memory_space<hbm>>, %arg3: memref<320000xi32, #tpu.memory_space<hbm>>, %arg4: memref<320000x16xf32, #tpu.memory_space<hbm>>, %arg5: memref<320000xf32, #tpu.memory_space<hbm>>, %arg6: memref<10000x128xf32, #tpu.memory_space<hbm>>, %arg7: memref<10112x128xf32, #tpu.memory_space<hbm>>, %arg8: memref<2x10112x128xf32, #tpu.memory_space<hbm>>, %arg9: memref<80xi32, #tpu.memory_space<vmem>>, %arg10: memref<80xi32, #tpu.memory_space<vmem>>, %arg11: memref<80x16xf32, #tpu.memory_space<vmem>>, %arg12: memref<80xf32, #tpu.memory_space<vmem>>, %arg13: memref<80x128xf32, #tpu.memory_space<vmem>>, %arg14: memref<80x128xf32, #tpu.memory_space<vmem>>, %arg15: memref<10112x128xf32, #tpu.memory_space<vmem_shared>>, %arg16: memref<!tpu.dma_semaphore, #tpu.memory_space<semaphore_mem>>) attributes {dimension_semantics = [#tpu.dimension_semantics<core_parallel>, #tpu.dimension_semantics<subcore_parallel>], iteration_bounds = array<i64: 2, 16>, scalar_prefetch = 0 : i64, scratch_operands = 8 : i64, tpu.core_type = #tpu.core_type<sc_vector_subcore>, window_params = [{transform_indices = #map}, {transform_indices = #map}, {transform_indices = #map1}, {transform_indices = #map}, {transform_indices = #map1}, {transform_indices = #map1}, {transform_indices = #map2}]} {
    %mul3A = arith.constant 16 : i32
    %mul3A_0 = arith.muli %arg0, %mul3A : i32
    %add3A = arith.addi %mul3A_0, %arg1 : i32
    %mul3A_1 = arith.constant 632 : i32
    %mul3A_2 = arith.muli %arg1, %mul3A_1 : i32
    %mul3A_3 = arith.constant 632 : i32
    %mul3A_4 = arith.muli %arg1, %mul3A_3 : i32
    "tpu.region"() ({
      %run_scoped3A = tpu.sem_alloc : memref<!tpu.dma_semaphore, #tpu.memory_space<semaphore_mem>>
      %dma_start3A = arith.constant 0 : i32
      %dma_start3A_22 = tpu.memref_slice %arg15[%mul3A_4, %dma_start3A] : memref<10112x128xf32, #tpu.memory_space<vmem_shared>> -> memref<632x128xf32, #tpu.memory_space<vmem_shared>>
      %dma_start3A_23 = arith.constant 0 : i32
      %dma_start3A_24 = tpu.memref_slice %arg7[%mul3A_2, %dma_start3A_23] : memref<10112x128xf32, #tpu.memory_space<hbm>> -> memref<632x128xf32, #tpu.memory_space<hbm>>
      tpu.enqueue_dma source(%dma_start3A_24 : memref<632x128xf32, #tpu.memory_space<hbm>>) target(%dma_start3A_22 : memref<632x128xf32, #tpu.memory_space<vmem_shared>>) target_semaphore(%run_scoped3A : memref<!tpu.dma_semaphore, #tpu.memory_space<semaphore_mem>>)
      %dma_wait3A = arith.constant 0 : i32
      %dma_wait3A_25 = tpu.memref_slice %arg15[%mul3A_4, %dma_wait3A] : memref<10112x128xf32, #tpu.memory_space<vmem_shared>> -> memref<632x128xf32, #tpu.memory_space<vmem_shared>>
      %dma_wait3A_26 = arith.constant 0 : i32
      %dma_wait3A_27 = tpu.memref_slice %arg7[%mul3A_2, %dma_wait3A_26] : memref<10112x128xf32, #tpu.memory_space<hbm>> -> memref<632x128xf32, #tpu.memory_space<hbm>>
      tpu.wait_dma2 semaphore(%run_scoped3A : memref<!tpu.dma_semaphore, #tpu.memory_space<semaphore_mem>>) src(%dma_wait3A_27 : memref<632x128xf32, #tpu.memory_space<hbm>>) dst(%dma_wait3A_25 : memref<632x128xf32, #tpu.memory_space<vmem_shared>>)
      tpu.yield
    }) : () -> ()
    %barrier3A = arith.constant 0 : index
    tpu.barrier barrier_id(%barrier3A)
    %iota3A = tpu.iota {dimensions = array<i32: 0>} : vector<16xi32>
    %broadcast_in_dim3A = arith.constant 0.000000e+00 : f32
    %broadcast_in_dim3A_5 = vector.broadcast %broadcast_in_dim3A : f32 to vector<16xf32>
    %scan3A = arith.constant 0 : i32
    %scan3A_6 = arith.constant 0 : i32
    %scan3A_7 = arith.constant 80 : i32
    %scan3A_8 = arith.addi %scan3A_6, %scan3A_7 : i32
    %scan3A_9 = arith.constant 1 : i32
    scf.for %scan3A_22 = %scan3A_6 to %scan3A_8 step %scan3A_9  : i32 {
      %swap3A = arith.index_cast %scan3A_22 : i32 to index
      %swap3A_23 = arith.constant 80 : index
      %swap3A_24 = tpu.vector_load %arg14[%swap3A, %swap3A_23] {strides = array<i32>} : memref<80x128xf32, #tpu.memory_space<vmem>>, vector<1x16xf32>,
      %swap3A_25 = vector.shape_cast %swap3A_24 : vector<1x16xf32> to vector<16xf32>
      %swap3A_26 = vector.shape_cast %broadcast_in_dim3A_5 : vector<16xf32> to vector<1x16xf32>
      tpu.vector_store %arg14[%swap3A, %swap3A_23], %swap3A_26 {strides = array<i32>} : memref<80x128xf32, #tpu.memory_space<vmem>>, vector<1x16xf32>,
      %swap3A_27 = arith.index_cast %scan3A_22 : i32 to index
      %swap3A_28 = arith.constant 96 : index
      %swap3A_29 = tpu.vector_load %arg14[%swap3A_27, %swap3A_28] {strides = array<i32>} : memref<80x128xf32, #tpu.memory_space<vmem>>, vector<1x16xf32>,
      %swap3A_30 = vector.shape_cast %swap3A_29 : vector<1x16xf32> to vector<16xf32>
      %swap3A_31 = vector.shape_cast %broadcast_in_dim3A_5 : vector<16xf32> to vector<1x16xf32>
      tpu.vector_store %arg14[%swap3A_27, %swap3A_28], %swap3A_31 {strides = array<i32>} : memref<80x128xf32, #tpu.memory_space<vmem>>, vector<1x16xf32>,
      %swap3A_32 = arith.index_cast %scan3A_22 : i32 to index
      %swap3A_33 = arith.constant 112 : index
      %swap3A_34 = tpu.vector_load %arg14[%swap3A_32, %swap3A_33] {strides = array<i32>} : memref<80x128xf32, #tpu.memory_space<vmem>>, vector<1x16xf32>,
      %swap3A_35 = vector.shape_cast %swap3A_34 : vector<1x16xf32> to vector<16xf32>
      %swap3A_36 = vector.shape_cast %broadcast_in_dim3A_5 : vector<16xf32> to vector<1x16xf32>
      tpu.vector_store %arg14[%swap3A_32, %swap3A_33], %swap3A_36 {strides = array<i32>} : memref<80x128xf32, #tpu.memory_space<vmem>>, vector<1x16xf32>,
    }
    %scan3A_10 = arith.constant 80 : i32
    %scan3A_11 = arith.constant 0 : i32
    %scan3A_12 = arith.constant 0 : i32
    %scan3A_13 = arith.constant 125 : i32
    %scan3A_14 = arith.addi %scan3A_12, %scan3A_13 : i32
    %scan3A_15 = arith.constant 1 : i32
    scf.for %scan3A_22 = %scan3A_12 to %scan3A_14 step %scan3A_15  : i32 {
      %mul3A_23 = arith.constant 10000 : i32
      %mul3A_24 = arith.muli %add3A, %mul3A_23 : i32
      %mul3A_25 = arith.constant 80 : i32
      %mul3A_26 = arith.muli %scan3A_22, %mul3A_25 : i32
      %add3A_27 = arith.addi %mul3A_24, %mul3A_26 : i32
      "tpu.region"() ({
        %run_scoped3A = tpu.sem_alloc : memref<!tpu.dma_semaphore, #tpu.memory_space<semaphore_mem>>
        %dma_start3A_76 = tpu.memref_slice %arg2[%add3A_27] : memref<320000xi32, #tpu.memory_space<hbm>> -> memref<80xi32, #tpu.memory_space<hbm>>
        %dma_start3A_77 = tpu.memref_slice %arg2[%add3A_27] : memref<320000xi32, #tpu.memory_space<hbm>> -> memref<80xi32, #tpu.memory_space<hbm>>
        tpu.enqueue_dma source(%dma_start3A_77 : memref<80xi32, #tpu.memory_space<hbm>>) target(%arg9 : memref<80xi32, #tpu.memory_space<vmem>>) target_semaphore(%run_scoped3A : memref<!tpu.dma_semaphore, #tpu.memory_space<semaphore_mem>>)
        %dma_wait3A_78 = tpu.memref_slice %arg2[%add3A_27] : memref<320000xi32, #tpu.memory_space<hbm>> -> memref<80xi32, #tpu.memory_space<hbm>>
        %dma_wait3A_79 = tpu.memref_slice %arg2[%add3A_27] : memref<320000xi32, #tpu.memory_space<hbm>> -> memref<80xi32, #tpu.memory_space<hbm>>
        tpu.wait_dma2 semaphore(%run_scoped3A : memref<!tpu.dma_semaphore, #tpu.memory_space<semaphore_mem>>) src(%dma_wait3A_79 : memref<80xi32, #tpu.memory_space<hbm>>) dst(%arg9 : memref<80xi32, #tpu.memory_space<vmem>>)
        tpu.yield
      }) : () -> ()
      "tpu.region"() ({
        %run_scoped3A = tpu.sem_alloc : memref<!tpu.dma_semaphore, #tpu.memory_space<semaphore_mem>>
        %dma_start3A_76 = tpu.memref_slice %arg3[%add3A_27] : memref<320000xi32, #tpu.memory_space<hbm>> -> memref<80xi32, #tpu.memory_space<hbm>>
        %dma_start3A_77 = tpu.memref_slice %arg3[%add3A_27] : memref<320000xi32, #tpu.memory_space<hbm>> -> memref<80xi32, #tpu.memory_space<hbm>>
        tpu.enqueue_dma source(%dma_start3A_77 : memref<80xi32, #tpu.memory_space<hbm>>) target(%arg10 : memref<80xi32, #tpu.memory_space<vmem>>) target_semaphore(%run_scoped3A : memref<!tpu.dma_semaphore, #tpu.memory_space<semaphore_mem>>)
        %dma_wait3A_78 = tpu.memref_slice %arg3[%add3A_27] : memref<320000xi32, #tpu.memory_space<hbm>> -> memref<80xi32, #tpu.memory_space<hbm>>
        %dma_wait3A_79 = tpu.memref_slice %arg3[%add3A_27] : memref<320000xi32, #tpu.memory_space<hbm>> -> memref<80xi32, #tpu.memory_space<hbm>>
        tpu.wait_dma2 semaphore(%run_scoped3A : memref<!tpu.dma_semaphore, #tpu.memory_space<semaphore_mem>>) src(%dma_wait3A_79 : memref<80xi32, #tpu.memory_space<hbm>>) dst(%arg10 : memref<80xi32, #tpu.memory_space<vmem>>)
        tpu.yield
      }) : () -> ()
      "tpu.region"() ({
        %run_scoped3A = tpu.sem_alloc : memref<!tpu.dma_semaphore, #tpu.memory_space<semaphore_mem>>
        %dma_start3A_76 = arith.constant 0 : i32
        %dma_start3A_77 = tpu.memref_slice %arg4[%add3A_27, %dma_start3A_76] : memref<320000x16xf32, #tpu.memory_space<hbm>> -> memref<80x16xf32, #tpu.memory_space<hbm>>
        %dma_start3A_78 = arith.constant 0 : i32
        %dma_start3A_79 = tpu.memref_slice %arg4[%add3A_27, %dma_start3A_78] : memref<320000x16xf32, #tpu.memory_space<hbm>> -> memref<80x16xf32, #tpu.memory_space<hbm>>
        tpu.enqueue_dma source(%dma_start3A_79 : memref<80x16xf32, #tpu.memory_space<hbm>>) target(%arg11 : memref<80x16xf32, #tpu.memory_space<vmem>>) target_semaphore(%run_scoped3A : memref<!tpu.dma_semaphore, #tpu.memory_space<semaphore_mem>>)
        %dma_wait3A_80 = arith.constant 0 : i32
        %dma_wait3A_81 = tpu.memref_slice %arg4[%add3A_27, %dma_wait3A_80] : memref<320000x16xf32, #tpu.memory_space<hbm>> -> memref<80x16xf32, #tpu.memory_space<hbm>>
        %dma_wait3A_82 = arith.constant 0 : i32
        %dma_wait3A_83 = tpu.memref_slice %arg4[%add3A_27, %dma_wait3A_82] : memref<320000x16xf32, #tpu.memory_space<hbm>> -> memref<80x16xf32, #tpu.memory_space<hbm>>
        tpu.wait_dma2 semaphore(%run_scoped3A : memref<!tpu.dma_semaphore, #tpu.memory_space<semaphore_mem>>) src(%dma_wait3A_83 : memref<80x16xf32, #tpu.memory_space<hbm>>) dst(%arg11 : memref<80x16xf32, #tpu.memory_space<vmem>>)
        tpu.yield
      }) : () -> ()
      "tpu.region"() ({
        %run_scoped3A = tpu.sem_alloc : memref<!tpu.dma_semaphore, #tpu.memory_space<semaphore_mem>>
        %dma_start3A_76 = tpu.memref_slice %arg5[%add3A_27] : memref<320000xf32, #tpu.memory_space<hbm>> -> memref<80xf32, #tpu.memory_space<hbm>>
        %dma_start3A_77 = tpu.memref_slice %arg5[%add3A_27] : memref<320000xf32, #tpu.memory_space<hbm>> -> memref<80xf32, #tpu.memory_space<hbm>>
        tpu.enqueue_dma source(%dma_start3A_77 : memref<80xf32, #tpu.memory_space<hbm>>) target(%arg12 : memref<80xf32, #tpu.memory_space<vmem>>) target_semaphore(%run_scoped3A : memref<!tpu.dma_semaphore, #tpu.memory_space<semaphore_mem>>)
        %dma_wait3A_78 = tpu.memref_slice %arg5[%add3A_27] : memref<320000xf32, #tpu.memory_space<hbm>> -> memref<80xf32, #tpu.memory_space<hbm>>
        %dma_wait3A_79 = tpu.memref_slice %arg5[%add3A_27] : memref<320000xf32, #tpu.memory_space<hbm>> -> memref<80xf32, #tpu.memory_space<hbm>>
        tpu.wait_dma2 semaphore(%run_scoped3A : memref<!tpu.dma_semaphore, #tpu.memory_space<semaphore_mem>>) src(%dma_wait3A_79 : memref<80xf32, #tpu.memory_space<hbm>>) dst(%arg12 : memref<80xf32, #tpu.memory_space<vmem>>)
        tpu.yield
      }) : () -> ()
      %dma_start3A = arith.constant 0 : i32
      %dma_start3A_28 = arith.constant 0 : i32
      %dma_start3A_29 = tpu.memref_slice %arg6[%dma_start3A, %dma_start3A_28] : memref<10000x128xf32, #tpu.memory_space<hbm>> -> memref<10000x128xf32, #tpu.memory_space<hbm>>
      tpu.enqueue_indirect_dma source(%dma_start3A_29 : memref<10000x128xf32, #tpu.memory_space<hbm>>) target(%arg13 : memref<80x128xf32, #tpu.memory_space<vmem>>) offsets(%arg9 : memref<80xi32, #tpu.memory_space<vmem>>) semaphore(%arg16 : memref<!tpu.dma_semaphore, #tpu.memory_space<semaphore_mem>>)
      %dma_wait3A = arith.constant 0 : i32
      %dma_wait3A_30 = arith.constant 0 : i32
      %dma_wait3A_31 = tpu.memref_slice %arg6[%dma_wait3A, %dma_wait3A_30] : memref<10000x128xf32, #tpu.memory_space<hbm>> -> memref<10000x128xf32, #tpu.memory_space<hbm>>
      tpu.wait_indirect_dma semaphore(%arg16 : memref<!tpu.dma_semaphore, #tpu.memory_space<semaphore_mem>>) src(%dma_wait3A_31 : memref<10000x128xf32, #tpu.memory_space<hbm>>) dst(%arg13 : memref<80x128xf32, #tpu.memory_space<vmem>>)
      %get3A = arith.constant 0 : index
      %get3A_32 = tpu.vector_load %arg12[%get3A] {strides = array<i32>} : memref<80xf32, #tpu.memory_space<vmem>>, vector<16xf32>,
      %get3A_33 = vector.shape_cast %get3A_32 : vector<16xf32> to vector<16xf32>
      %scan3A_34 = arith.constant 0 : i32
      %scan3A_35 = arith.constant 0 : i32
      %scan3A_36 = arith.constant 16 : i32
      %scan3A_37 = arith.addi %scan3A_35, %scan3A_36 : i32
      %scan3A_38 = arith.constant 1 : i32
      scf.for %scan3A_76 = %scan3A_35 to %scan3A_37 step %scan3A_38  : i32 {
        %add3A_77 = arith.constant 0 : i32
        %add3A_78 = arith.addi %add3A_77, %scan3A_76 : i32
        %get3A_79 = arith.index_cast %add3A_78 : i32 to index
        %get3A_80 = arith.constant 0 : index
        %get3A_81 = tpu.vector_load %arg11[%get3A_79, %get3A_80] {strides = array<i32>} : memref<80x16xf32, #tpu.memory_space<vmem>>, vector<1x16xf32>,
        %get3A_82 = vector.shape_cast %get3A_81 : vector<1x16xf32> to vector<16xf32>
        %broadcast_in_dim3A_83 = arith.constant 4 : i32
        %broadcast_in_dim3A_84 = vector.broadcast %broadcast_in_dim3A_83 : i32 to vector<16xi32>
        %lt3A = arith.constant 0 : i32
        %lt3A_85 = vector.broadcast %lt3A : i32 to vector<16xi32>
        %lt3A_86 = arith.cmpi slt, %broadcast_in_dim3A_84, %lt3A_85 : vector<16xi32>
        %add3A_87 = arith.constant 16 : i32
        %add3A_88 = vector.broadcast %add3A_87 : i32 to vector<16xi32>
        %add3A_89 = arith.addi %broadcast_in_dim3A_84, %add3A_88 : vector<16xi32>
        %select_n3A = arith.select %lt3A_86, %add3A_89, %broadcast_in_dim3A_84 : vector<16xi1>, vector<16xi32>
        %broadcast_in_dim3A_90 = vector.shape_cast %select_n3A : vector<16xi32> to vector<16x1xi32>
        %gather3A = vector.shape_cast %broadcast_in_dim3A_90 : vector<16x1xi32> to vector<16xi32>
        %gather3A_91 = tpu.dynamic_gather %get3A_82[%gather3A] in [0] : vector<16xf32>, vector<16xi32> -> vector<16xf32>
        %get3A_92 = arith.index_cast %add3A_78 : i32 to index
        %get3A_93 = arith.constant 0 : index
        %get3A_94 = tpu.vector_load %arg13[%get3A_92, %get3A_93] {strides = array<i32>} : memref<80x128xf32, #tpu.memory_space<vmem>>, vector<1x16xf32>,
        %get3A_95 = vector.shape_cast %get3A_94 : vector<1x16xf32> to vector<16xf32>
        %mul3A_96 = arith.mulf %get3A_95, %gather3A_91 : vector<16xf32>
        %swap3A = arith.index_cast %add3A_78 : i32 to index
        %swap3A_97 = arith.constant 0 : index
        %swap3A_98 = tpu.vector_load %arg14[%swap3A, %swap3A_97] {strides = array<i32>} : memref<80x128xf32, #tpu.memory_space<vmem>>, vector<1x16xf32>,
        %swap3A_99 = vector.shape_cast %swap3A_98 : vector<1x16xf32> to vector<16xf32>
        %swap3A_100 = vector.shape_cast %mul3A_96 : vector<16xf32> to vector<1x16xf32>
        tpu.vector_store %arg14[%swap3A, %swap3A_97], %swap3A_100 {strides = array<i32>} : memref<80x128xf32, #tpu.memory_space<vmem>>, vector<1x16xf32>,
        %get3A_101 = arith.index_cast %add3A_78 : i32 to index
        %get3A_102 = arith.constant 16 : index
        %get3A_103 = tpu.vector_load %arg13[%get3A_101, %get3A_102] {strides = array<i32>} : memref<80x128xf32, #tpu.memory_space<vmem>>, vector<1x16xf32>,
        %get3A_104 = vector.shape_cast %get3A_103 : vector<1x16xf32> to vector<16xf32>
        %mul3A_105 = arith.mulf %get3A_104, %gather3A_91 : vector<16xf32>
        %swap3A_106 = arith.index_cast %add3A_78 : i32 to index
        %swap3A_107 = arith.constant 16 : index
        %swap3A_108 = tpu.vector_load %arg14[%swap3A_106, %swap3A_107] {strides = array<i32>} : memref<80x128xf32, #tpu.memory_space<vmem>>, vector<1x16xf32>,
        %swap3A_109 = vector.shape_cast %swap3A_108 : vector<1x16xf32> to vector<16xf32>
        %swap3A_110 = vector.shape_cast %mul3A_105 : vector<16xf32> to vector<1x16xf32>
        tpu.vector_store %arg14[%swap3A_106, %swap3A_107], %swap3A_110 {strides = array<i32>} : memref<80x128xf32, #tpu.memory_space<vmem>>, vector<1x16xf32>,
        %broadcast_in_dim3A_111 = arith.constant 5 : i32
        %broadcast_in_dim3A_112 = vector.broadcast %broadcast_in_dim3A_111 : i32 to vector<16xi32>
        %lt3A_113 = arith.constant 0 : i32
        %lt3A_114 = vector.broadcast %lt3A_113 : i32 to vector<16xi32>
        %lt3A_115 = arith.cmpi slt, %broadcast_in_dim3A_112, %lt3A_114 : vector<16xi32>
        %add3A_116 = arith.constant 16 : i32
        %add3A_117 = vector.broadcast %add3A_116 : i32 to vector<16xi32>
        %add3A_118 = arith.addi %broadcast_in_dim3A_112, %add3A_117 : vector<16xi32>
        %select_n3A_119 = arith.select %lt3A_115, %add3A_118, %broadcast_in_dim3A_112 : vector<16xi1>, vector<16xi32>
        %broadcast_in_dim3A_120 = vector.shape_cast %select_n3A_119 : vector<16xi32> to vector<16x1xi32>
        %gather3A_121 = vector.shape_cast %broadcast_in_dim3A_120 : vector<16x1xi32> to vector<16xi32>
        %gather3A_122 = tpu.dynamic_gather %get3A_82[%gather3A_121] in [0] : vector<16xf32>, vector<16xi32> -> vector<16xf32>
        %get3A_123 = arith.index_cast %add3A_78 : i32 to index
        %get3A_124 = arith.constant 32 : index
        %get3A_125 = tpu.vector_load %arg13[%get3A_123, %get3A_124] {strides = array<i32>} : memref<80x128xf32, #tpu.memory_space<vmem>>, vector<1x16xf32>,
        %get3A_126 = vector.shape_cast %get3A_125 : vector<1x16xf32> to vector<16xf32>
        %mul3A_127 = arith.mulf %get3A_126, %gather3A_122 : vector<16xf32>
        %swap3A_128 = arith.index_cast %add3A_78 : i32 to index
        %swap3A_129 = arith.constant 32 : index
        %swap3A_130 = tpu.vector_load %arg14[%swap3A_128, %swap3A_129] {strides = array<i32>} : memref<80x128xf32, #tpu.memory_space<vmem>>, vector<1x16xf32>,
        %swap3A_131 = vector.shape_cast %swap3A_130 : vector<1x16xf32> to vector<16xf32>
        %swap3A_132 = vector.shape_cast %mul3A_127 : vector<16xf32> to vector<1x16xf32>
        tpu.vector_store %arg14[%swap3A_128, %swap3A_129], %swap3A_132 {strides = array<i32>} : memref<80x128xf32, #tpu.memory_space<vmem>>, vector<1x16xf32>,
        %get3A_133 = arith.index_cast %add3A_78 : i32 to index
        %get3A_134 = arith.constant 48 : index
        %get3A_135 = tpu.vector_load %arg13[%get3A_133, %get3A_134] {strides = array<i32>} : memref<80x128xf32, #tpu.memory_space<vmem>>, vector<1x16xf32>,
        %get3A_136 = vector.shape_cast %get3A_135 : vector<1x16xf32> to vector<16xf32>
        %mul3A_137 = arith.mulf %get3A_136, %gather3A_122 : vector<16xf32>
        %swap3A_138 = arith.index_cast %add3A_78 : i32 to index
        %swap3A_139 = arith.constant 48 : index
        %swap3A_140 = tpu.vector_load %arg14[%swap3A_138, %swap3A_139] {strides = array<i32>} : memref<80x128xf32, #tpu.memory_space<vmem>>, vector<1x16xf32>,
        %swap3A_141 = vector.shape_cast %swap3A_140 : vector<1x16xf32> to vector<16xf32>
        %swap3A_142 = vector.shape_cast %mul3A_137 : vector<16xf32> to vector<1x16xf32>
        tpu.vector_store %arg14[%swap3A_138, %swap3A_139], %swap3A_142 {strides = array<i32>} : memref<80x128xf32, #tpu.memory_space<vmem>>, vector<1x16xf32>,
        %eq3A = arith.constant 6 : i32
        %eq3A_143 = vector.broadcast %eq3A : i32 to vector<16xi32>
        %eq3A_144 = arith.cmpi eq, %iota3A, %eq3A_143 : vector<16xi32>
        %broadcast_in_dim3A_145 = vector.broadcast %scan3A_76 : i32 to vector<16xi32>
        %lt3A_146 = arith.constant 0 : i32
        %lt3A_147 = vector.broadcast %lt3A_146 : i32 to vector<16xi32>
        %lt3A_148 = arith.cmpi slt, %broadcast_in_dim3A_145, %lt3A_147 : vector<16xi32>
        %add3A_149 = arith.constant 16 : i32
        %add3A_150 = vector.broadcast %add3A_149 : i32 to vector<16xi32>
        %add3A_151 = arith.addi %broadcast_in_dim3A_145, %add3A_150 : vector<16xi32>
        %select_n3A_152 = arith.select %lt3A_148, %add3A_151, %broadcast_in_dim3A_145 : vector<16xi1>, vector<16xi32>
        %broadcast_in_dim3A_153 = vector.shape_cast %select_n3A_152 : vector<16xi32> to vector<16x1xi32>
        %gather3A_154 = vector.shape_cast %broadcast_in_dim3A_153 : vector<16x1xi32> to vector<16xi32>
        %gather3A_155 = tpu.dynamic_gather %get3A_33[%gather3A_154] in [0] : vector<16xf32>, vector<16xi32> -> vector<16xf32>
        %select_n3A_156 = arith.select %eq3A_144, %gather3A_155, %get3A_82 : vector<16xi1>, vector<16xf32>
        %swap3A_157 = arith.index_cast %add3A_78 : i32 to index
        %swap3A_158 = arith.constant 64 : index
        %swap3A_159 = tpu.vector_load %arg14[%swap3A_157, %swap3A_158] {strides = array<i32>} : memref<80x128xf32, #tpu.memory_space<vmem>>, vector<1x16xf32>,
        %swap3A_160 = vector.shape_cast %swap3A_159 : vector<1x16xf32> to vector<16xf32>
        %swap3A_161 = vector.shape_cast %select_n3A_156 : vector<16xf32> to vector<1x16xf32>
        tpu.vector_store %arg14[%swap3A_157, %swap3A_158], %swap3A_161 {strides = array<i32>} : memref<80x128xf32, #tpu.memory_space<vmem>>, vector<1x16xf32>,
      }
      %scan3A_39 = arith.constant 16 : i32
      %get3A_40 = arith.constant 16 : index
      %get3A_41 = tpu.vector_load %arg12[%get3A_40] {strides = array<i32>} : memref<80xf32, #tpu.memory_space<vmem>>, vector<16xf32>,
      %get3A_42 = vector.shape_cast %get3A_41 : vector<16xf32> to vector<16xf32>
      %scan3A_43 = arith.constant 0 : i32
      %scan3A_44 = arith.constant 0 : i32
      %scan3A_45 = arith.constant 16 : i32
      %scan3A_46 = arith.addi %scan3A_44, %scan3A_45 : i32
      %scan3A_47 = arith.constant 1 : i32
      scf.for %scan3A_76 = %scan3A_44 to %scan3A_46 step %scan3A_47  : i32 {
        %add3A_77 = arith.constant 16 : i32
        %add3A_78 = arith.addi %add3A_77, %scan3A_76 : i32
        %get3A_79 = arith.index_cast %add3A_78 : i32 to index
        %get3A_80 = arith.constant 0 : index
        %get3A_81 = tpu.vector_load %arg11[%get3A_79, %get3A_80] {strides = array<i32>} : memref<80x16xf32, #tpu.memory_space<vmem>>, vector<1x16xf32>,
        %get3A_82 = vector.shape_cast %get3A_81 : vector<1x16xf32> to vector<16xf32>
        %broadcast_in_dim3A_83 = arith.constant 4 : i32
        %broadcast_in_dim3A_84 = vector.broadcast %broadcast_in_dim3A_83 : i32 to vector<16xi32>
        %lt3A = arith.constant 0 : i32
        %lt3A_85 = vector.broadcast %lt3A : i32 to vector<16xi32>
        %lt3A_86 = arith.cmpi slt, %broadcast_in_dim3A_84, %lt3A_85 : vector<16xi32>
        %add3A_87 = arith.constant 16 : i32
        %add3A_88 = vector.broadcast %add3A_87 : i32 to vector<16xi32>
        %add3A_89 = arith.addi %broadcast_in_dim3A_84, %add3A_88 : vector<16xi32>
        %select_n3A = arith.select %lt3A_86, %add3A_89, %broadcast_in_dim3A_84 : vector<16xi1>, vector<16xi32>
        %broadcast_in_dim3A_90 = vector.shape_cast %select_n3A : vector<16xi32> to vector<16x1xi32>
        %gather3A = vector.shape_cast %broadcast_in_dim3A_90 : vector<16x1xi32> to vector<16xi32>
        %gather3A_91 = tpu.dynamic_gather %get3A_82[%gather3A] in [0] : vector<16xf32>, vector<16xi32> -> vector<16xf32>
        %get3A_92 = arith.index_cast %add3A_78 : i32 to index
        %get3A_93 = arith.constant 0 : index
        %get3A_94 = tpu.vector_load %arg13[%get3A_92, %get3A_93] {strides = array<i32>} : memref<80x128xf32, #tpu.memory_space<vmem>>, vector<1x16xf32>,
        %get3A_95 = vector.shape_cast %get3A_94 : vector<1x16xf32> to vector<16xf32>
        %mul3A_96 = arith.mulf %get3A_95, %gather3A_91 : vector<16xf32>
        %swap3A = arith.index_cast %add3A_78 : i32 to index
        %swap3A_97 = arith.constant 0 : index
        %swap3A_98 = tpu.vector_load %arg14[%swap3A, %swap3A_97] {strides = array<i32>} : memref<80x128xf32, #tpu.memory_space<vmem>>, vector<1x16xf32>,
        %swap3A_99 = vector.shape_cast %swap3A_98 : vector<1x16xf32> to vector<16xf32>
        %swap3A_100 = vector.shape_cast %mul3A_96 : vector<16xf32> to vector<1x16xf32>
        tpu.vector_store %arg14[%swap3A, %swap3A_97], %swap3A_100 {strides = array<i32>} : memref<80x128xf32, #tpu.memory_space<vmem>>, vector<1x16xf32>,
        %get3A_101 = arith.index_cast %add3A_78 : i32 to index
        %get3A_102 = arith.constant 16 : index
        %get3A_103 = tpu.vector_load %arg13[%get3A_101, %get3A_102] {strides = array<i32>} : memref<80x128xf32, #tpu.memory_space<vmem>>, vector<1x16xf32>,
        %get3A_104 = vector.shape_cast %get3A_103 : vector<1x16xf32> to vector<16xf32>
        %mul3A_105 = arith.mulf %get3A_104, %gather3A_91 : vector<16xf32>
        %swap3A_106 = arith.index_cast %add3A_78 : i32 to index
        %swap3A_107 = arith.constant 16 : index
        %swap3A_108 = tpu.vector_load %arg14[%swap3A_106, %swap3A_107] {strides = array<i32>} : memref<80x128xf32, #tpu.memory_space<vmem>>, vector<1x16xf32>,
        %swap3A_109 = vector.shape_cast %swap3A_108 : vector<1x16xf32> to vector<16xf32>
        %swap3A_110 = vector.shape_cast %mul3A_105 : vector<16xf32> to vector<1x16xf32>
        tpu.vector_store %arg14[%swap3A_106, %swap3A_107], %swap3A_110 {strides = array<i32>} : memref<80x128xf32, #tpu.memory_space<vmem>>, vector<1x16xf32>,
        %broadcast_in_dim3A_111 = arith.constant 5 : i32
        %broadcast_in_dim3A_112 = vector.broadcast %broadcast_in_dim3A_111 : i32 to vector<16xi32>
        %lt3A_113 = arith.constant 0 : i32
        %lt3A_114 = vector.broadcast %lt3A_113 : i32 to vector<16xi32>
        %lt3A_115 = arith.cmpi slt, %broadcast_in_dim3A_112, %lt3A_114 : vector<16xi32>
        %add3A_116 = arith.constant 16 : i32
        %add3A_117 = vector.broadcast %add3A_116 : i32 to vector<16xi32>
        %add3A_118 = arith.addi %broadcast_in_dim3A_112, %add3A_117 : vector<16xi32>
        %select_n3A_119 = arith.select %lt3A_115, %add3A_118, %broadcast_in_dim3A_112 : vector<16xi1>, vector<16xi32>
        %broadcast_in_dim3A_120 = vector.shape_cast %select_n3A_119 : vector<16xi32> to vector<16x1xi32>
        %gather3A_121 = vector.shape_cast %broadcast_in_dim3A_120 : vector<16x1xi32> to vector<16xi32>
        %gather3A_122 = tpu.dynamic_gather %get3A_82[%gather3A_121] in [0] : vector<16xf32>, vector<16xi32> -> vector<16xf32>
        %get3A_123 = arith.index_cast %add3A_78 : i32 to index
        %get3A_124 = arith.constant 32 : index
        %get3A_125 = tpu.vector_load %arg13[%get3A_123, %get3A_124] {strides = array<i32>} : memref<80x128xf32, #tpu.memory_space<vmem>>, vector<1x16xf32>,
        %get3A_126 = vector.shape_cast %get3A_125 : vector<1x16xf32> to vector<16xf32>
        %mul3A_127 = arith.mulf %get3A_126, %gather3A_122 : vector<16xf32>
        %swap3A_128 = arith.index_cast %add3A_78 : i32 to index
        %swap3A_129 = arith.constant 32 : index
        %swap3A_130 = tpu.vector_load %arg14[%swap3A_128, %swap3A_129] {strides = array<i32>} : memref<80x128xf32, #tpu.memory_space<vmem>>, vector<1x16xf32>,
        %swap3A_131 = vector.shape_cast %swap3A_130 : vector<1x16xf32> to vector<16xf32>
        %swap3A_132 = vector.shape_cast %mul3A_127 : vector<16xf32> to vector<1x16xf32>
        tpu.vector_store %arg14[%swap3A_128, %swap3A_129], %swap3A_132 {strides = array<i32>} : memref<80x128xf32, #tpu.memory_space<vmem>>, vector<1x16xf32>,
        %get3A_133 = arith.index_cast %add3A_78 : i32 to index
        %get3A_134 = arith.constant 48 : index
        %get3A_135 = tpu.vector_load %arg13[%get3A_133, %get3A_134] {strides = array<i32>} : memref<80x128xf32, #tpu.memory_space<vmem>>, vector<1x16xf32>,
        %get3A_136 = vector.shape_cast %get3A_135 : vector<1x16xf32> to vector<16xf32>
        %mul3A_137 = arith.mulf %get3A_136, %gather3A_122 : vector<16xf32>
        %swap3A_138 = arith.index_cast %add3A_78 : i32 to index
        %swap3A_139 = arith.constant 48 : index
        %swap3A_140 = tpu.vector_load %arg14[%swap3A_138, %swap3A_139] {strides = array<i32>} : memref<80x128xf32, #tpu.memory_space<vmem>>, vector<1x16xf32>,
        %swap3A_141 = vector.shape_cast %swap3A_140 : vector<1x16xf32> to vector<16xf32>
        %swap3A_142 = vector.shape_cast %mul3A_137 : vector<16xf32> to vector<1x16xf32>
        tpu.vector_store %arg14[%swap3A_138, %swap3A_139], %swap3A_142 {strides = array<i32>} : memref<80x128xf32, #tpu.memory_space<vmem>>, vector<1x16xf32>,
        %eq3A = arith.constant 6 : i32
        %eq3A_143 = vector.broadcast %eq3A : i32 to vector<16xi32>
        %eq3A_144 = arith.cmpi eq, %iota3A, %eq3A_143 : vector<16xi32>
        %broadcast_in_dim3A_145 = vector.broadcast %scan3A_76 : i32 to vector<16xi32>
        %lt3A_146 = arith.constant 0 : i32
        %lt3A_147 = vector.broadcast %lt3A_146 : i32 to vector<16xi32>
        %lt3A_148 = arith.cmpi slt, %broadcast_in_dim3A_145, %lt3A_147 : vector<16xi32>
        %add3A_149 = arith.constant 16 : i32
        %add3A_150 = vector.broadcast %add3A_149 : i32 to vector<16xi32>
        %add3A_151 = arith.addi %broadcast_in_dim3A_145, %add3A_150 : vector<16xi32>
        %select_n3A_152 = arith.select %lt3A_148, %add3A_151, %broadcast_in_dim3A_145 : vector<16xi1>, vector<16xi32>
        %broadcast_in_dim3A_153 = vector.shape_cast %select_n3A_152 : vector<16xi32> to vector<16x1xi32>
        %gather3A_154 = vector.shape_cast %broadcast_in_dim3A_153 : vector<16x1xi32> to vector<16xi32>
        %gather3A_155 = tpu.dynamic_gather %get3A_42[%gather3A_154] in [0] : vector<16xf32>, vector<16xi32> -> vector<16xf32>
        %select_n3A_156 = arith.select %eq3A_144, %gather3A_155, %get3A_82 : vector<16xi1>, vector<16xf32>
        %swap3A_157 = arith.index_cast %add3A_78 : i32 to index
        %swap3A_158 = arith.constant 64 : index
        %swap3A_159 = tpu.vector_load %arg14[%swap3A_157, %swap3A_158] {strides = array<i32>} : memref<80x128xf32, #tpu.memory_space<vmem>>, vector<1x16xf32>,
        %swap3A_160 = vector.shape_cast %swap3A_159 : vector<1x16xf32> to vector<16xf32>
        %swap3A_161 = vector.shape_cast %select_n3A_156 : vector<16xf32> to vector<1x16xf32>
        tpu.vector_store %arg14[%swap3A_157, %swap3A_158], %swap3A_161 {strides = array<i32>} : memref<80x128xf32, #tpu.memory_space<vmem>>, vector<1x16xf32>,
      }
      %scan3A_48 = arith.constant 16 : i32
      %get3A_49 = arith.constant 32 : index
      %get3A_50 = tpu.vector_load %arg12[%get3A_49] {strides = array<i32>} : memref<80xf32, #tpu.memory_space<vmem>>, vector<16xf32>,
      %get3A_51 = vector.shape_cast %get3A_50 : vector<16xf32> to vector<16xf32>
      %scan3A_52 = arith.constant 0 : i32
      %scan3A_53 = arith.constant 0 : i32
      %scan3A_54 = arith.constant 16 : i32
      %scan3A_55 = arith.addi %scan3A_53, %scan3A_54 : i32
      %scan3A_56 = arith.constant 1 : i32
      scf.for %scan3A_76 = %scan3A_53 to %scan3A_55 step %scan3A_56  : i32 {
        %add3A_77 = arith.constant 32 : i32
        %add3A_78 = arith.addi %add3A_77, %scan3A_76 : i32
        %get3A_79 = arith.index_cast %add3A_78 : i32 to index
        %get3A_80 = arith.constant 0 : index
        %get3A_81 = tpu.vector_load %arg11[%get3A_79, %get3A_80] {strides = array<i32>} : memref<80x16xf32, #tpu.memory_space<vmem>>, vector<1x16xf32>,
        %get3A_82 = vector.shape_cast %get3A_81 : vector<1x16xf32> to vector<16xf32>
        %broadcast_in_dim3A_83 = arith.constant 4 : i32
        %broadcast_in_dim3A_84 = vector.broadcast %broadcast_in_dim3A_83 : i32 to vector<16xi32>
        %lt3A = arith.constant 0 : i32
        %lt3A_85 = vector.broadcast %lt3A : i32 to vector<16xi32>
        %lt3A_86 = arith.cmpi slt, %broadcast_in_dim3A_84, %lt3A_85 : vector<16xi32>
        %add3A_87 = arith.constant 16 : i32
        %add3A_88 = vector.broadcast %add3A_87 : i32 to vector<16xi32>
        %add3A_89 = arith.addi %broadcast_in_dim3A_84, %add3A_88 : vector<16xi32>
        %select_n3A = arith.select %lt3A_86, %add3A_89, %broadcast_in_dim3A_84 : vector<16xi1>, vector<16xi32>
        %broadcast_in_dim3A_90 = vector.shape_cast %select_n3A : vector<16xi32> to vector<16x1xi32>
        %gather3A = vector.shape_cast %broadcast_in_dim3A_90 : vector<16x1xi32> to vector<16xi32>
        %gather3A_91 = tpu.dynamic_gather %get3A_82[%gather3A] in [0] : vector<16xf32>, vector<16xi32> -> vector<16xf32>
        %get3A_92 = arith.index_cast %add3A_78 : i32 to index
        %get3A_93 = arith.constant 0 : index
        %get3A_94 = tpu.vector_load %arg13[%get3A_92, %get3A_93] {strides = array<i32>} : memref<80x128xf32, #tpu.memory_space<vmem>>, vector<1x16xf32>,
        %get3A_95 = vector.shape_cast %get3A_94 : vector<1x16xf32> to vector<16xf32>
        %mul3A_96 = arith.mulf %get3A_95, %gather3A_91 : vector<16xf32>
        %swap3A = arith.index_cast %add3A_78 : i32 to index
        %swap3A_97 = arith.constant 0 : index
        %swap3A_98 = tpu.vector_load %arg14[%swap3A, %swap3A_97] {strides = array<i32>} : memref<80x128xf32, #tpu.memory_space<vmem>>, vector<1x16xf32>,
        %swap3A_99 = vector.shape_cast %swap3A_98 : vector<1x16xf32> to vector<16xf32>
        %swap3A_100 = vector.shape_cast %mul3A_96 : vector<16xf32> to vector<1x16xf32>
        tpu.vector_store %arg14[%swap3A, %swap3A_97], %swap3A_100 {strides = array<i32>} : memref<80x128xf32, #tpu.memory_space<vmem>>, vector<1x16xf32>,
        %get3A_101 = arith.index_cast %add3A_78 : i32 to index
        %get3A_102 = arith.constant 16 : index
        %get3A_103 = tpu.vector_load %arg13[%get3A_101, %get3A_102] {strides = array<i32>} : memref<80x128xf32, #tpu.memory_space<vmem>>, vector<1x16xf32>,
        %get3A_104 = vector.shape_cast %get3A_103 : vector<1x16xf32> to vector<16xf32>
        %mul3A_105 = arith.mulf %get3A_104, %gather3A_91 : vector<16xf32>
        %swap3A_106 = arith.index_cast %add3A_78 : i32 to index
        %swap3A_107 = arith.constant 16 : index
        %swap3A_108 = tpu.vector_load %arg14[%swap3A_106, %swap3A_107] {strides = array<i32>} : memref<80x128xf32, #tpu.memory_space<vmem>>, vector<1x16xf32>,
        %swap3A_109 = vector.shape_cast %swap3A_108 : vector<1x16xf32> to vector<16xf32>
        %swap3A_110 = vector.shape_cast %mul3A_105 : vector<16xf32> to vector<1x16xf32>
        tpu.vector_store %arg14[%swap3A_106, %swap3A_107], %swap3A_110 {strides = array<i32>} : memref<80x128xf32, #tpu.memory_space<vmem>>, vector<1x16xf32>,
        %broadcast_in_dim3A_111 = arith.constant 5 : i32
        %broadcast_in_dim3A_112 = vector.broadcast %broadcast_in_dim3A_111 : i32 to vector<16xi32>
        %lt3A_113 = arith.constant 0 : i32
        %lt3A_114 = vector.broadcast %lt3A_113 : i32 to vector<16xi32>
        %lt3A_115 = arith.cmpi slt, %broadcast_in_dim3A_112, %lt3A_114 : vector<16xi32>
        %add3A_116 = arith.constant 16 : i32
        %add3A_117 = vector.broadcast %add3A_116 : i32 to vector<16xi32>
        %add3A_118 = arith.addi %broadcast_in_dim3A_112, %add3A_117 : vector<16xi32>
        %select_n3A_119 = arith.select %lt3A_115, %add3A_118, %broadcast_in_dim3A_112 : vector<16xi1>, vector<16xi32>
        %broadcast_in_dim3A_120 = vector.shape_cast %select_n3A_119 : vector<16xi32> to vector<16x1xi32>
        %gather3A_121 = vector.shape_cast %broadcast_in_dim3A_120 : vector<16x1xi32> to vector<16xi32>
        %gather3A_122 = tpu.dynamic_gather %get3A_82[%gather3A_121] in [0] : vector<16xf32>, vector<16xi32> -> vector<16xf32>
        %get3A_123 = arith.index_cast %add3A_78 : i32 to index
        %get3A_124 = arith.constant 32 : index
        %get3A_125 = tpu.vector_load %arg13[%get3A_123, %get3A_124] {strides = array<i32>} : memref<80x128xf32, #tpu.memory_space<vmem>>, vector<1x16xf32>,
        %get3A_126 = vector.shape_cast %get3A_125 : vector<1x16xf32> to vector<16xf32>
        %mul3A_127 = arith.mulf %get3A_126, %gather3A_122 : vector<16xf32>
        %swap3A_128 = arith.index_cast %add3A_78 : i32 to index
        %swap3A_129 = arith.constant 32 : index
        %swap3A_130 = tpu.vector_load %arg14[%swap3A_128, %swap3A_129] {strides = array<i32>} : memref<80x128xf32, #tpu.memory_space<vmem>>, vector<1x16xf32>,
        %swap3A_131 = vector.shape_cast %swap3A_130 : vector<1x16xf32> to vector<16xf32>
        %swap3A_132 = vector.shape_cast %mul3A_127 : vector<16xf32> to vector<1x16xf32>
        tpu.vector_store %arg14[%swap3A_128, %swap3A_129], %swap3A_132 {strides = array<i32>} : memref<80x128xf32, #tpu.memory_space<vmem>>, vector<1x16xf32>,
        %get3A_133 = arith.index_cast %add3A_78 : i32 to index
        %get3A_134 = arith.constant 48 : index
        %get3A_135 = tpu.vector_load %arg13[%get3A_133, %get3A_134] {strides = array<i32>} : memref<80x128xf32, #tpu.memory_space<vmem>>, vector<1x16xf32>,
        %get3A_136 = vector.shape_cast %get3A_135 : vector<1x16xf32> to vector<16xf32>
        %mul3A_137 = arith.mulf %get3A_136, %gather3A_122 : vector<16xf32>
        %swap3A_138 = arith.index_cast %add3A_78 : i32 to index
        %swap3A_139 = arith.constant 48 : index
        %swap3A_140 = tpu.vector_load %arg14[%swap3A_138, %swap3A_139] {strides = array<i32>} : memref<80x128xf32, #tpu.memory_space<vmem>>, vector<1x16xf32>,
        %swap3A_141 = vector.shape_cast %swap3A_140 : vector<1x16xf32> to vector<16xf32>
        %swap3A_142 = vector.shape_cast %mul3A_137 : vector<16xf32> to vector<1x16xf32>
        tpu.vector_store %arg14[%swap3A_138, %swap3A_139], %swap3A_142 {strides = array<i32>} : memref<80x128xf32, #tpu.memory_space<vmem>>, vector<1x16xf32>,
        %eq3A = arith.constant 6 : i32
        %eq3A_143 = vector.broadcast %eq3A : i32 to vector<16xi32>
        %eq3A_144 = arith.cmpi eq, %iota3A, %eq3A_143 : vector<16xi32>
        %broadcast_in_dim3A_145 = vector.broadcast %scan3A_76 : i32 to vector<16xi32>
        %lt3A_146 = arith.constant 0 : i32
        %lt3A_147 = vector.broadcast %lt3A_146 : i32 to vector<16xi32>
        %lt3A_148 = arith.cmpi slt, %broadcast_in_dim3A_145, %lt3A_147 : vector<16xi32>
        %add3A_149 = arith.constant 16 : i32
        %add3A_150 = vector.broadcast %add3A_149 : i32 to vector<16xi32>
        %add3A_151 = arith.addi %broadcast_in_dim3A_145, %add3A_150 : vector<16xi32>
        %select_n3A_152 = arith.select %lt3A_148, %add3A_151, %broadcast_in_dim3A_145 : vector<16xi1>, vector<16xi32>
        %broadcast_in_dim3A_153 = vector.shape_cast %select_n3A_152 : vector<16xi32> to vector<16x1xi32>
        %gather3A_154 = vector.shape_cast %broadcast_in_dim3A_153 : vector<16x1xi32> to vector<16xi32>
        %gather3A_155 = tpu.dynamic_gather %get3A_51[%gather3A_154] in [0] : vector<16xf32>, vector<16xi32> -> vector<16xf32>
        %select_n3A_156 = arith.select %eq3A_144, %gather3A_155, %get3A_82 : vector<16xi1>, vector<16xf32>
        %swap3A_157 = arith.index_cast %add3A_78 : i32 to index
        %swap3A_158 = arith.constant 64 : index
        %swap3A_159 = tpu.vector_load %arg14[%swap3A_157, %swap3A_158] {strides = array<i32>} : memref<80x128xf32, #tpu.memory_space<vmem>>, vector<1x16xf32>,
        %swap3A_160 = vector.shape_cast %swap3A_159 : vector<1x16xf32> to vector<16xf32>
        %swap3A_161 = vector.shape_cast %select_n3A_156 : vector<16xf32> to vector<1x16xf32>
        tpu.vector_store %arg14[%swap3A_157, %swap3A_158], %swap3A_161 {strides = array<i32>} : memref<80x128xf32, #tpu.memory_space<vmem>>, vector<1x16xf32>,
      }
      %scan3A_57 = arith.constant 16 : i32
      %get3A_58 = arith.constant 48 : index
      %get3A_59 = tpu.vector_load %arg12[%get3A_58] {strides = array<i32>} : memref<80xf32, #tpu.memory_space<vmem>>, vector<16xf32>,
      %get3A_60 = vector.shape_cast %get3A_59 : vector<16xf32> to vector<16xf32>
      %scan3A_61 = arith.constant 0 : i32
      %scan3A_62 = arith.constant 0 : i32
      %scan3A_63 = arith.constant 16 : i32
      %scan3A_64 = arith.addi %scan3A_62, %scan3A_63 : i32
      %scan3A_65 = arith.constant 1 : i32
      scf.for %scan3A_76 = %scan3A_62 to %scan3A_64 step %scan3A_65  : i32 {
        %add3A_77 = arith.constant 48 : i32
        %add3A_78 = arith.addi %add3A_77, %scan3A_76 : i32
        %get3A_79 = arith.index_cast %add3A_78 : i32 to index
        %get3A_80 = arith.constant 0 : index
        %get3A_81 = tpu.vector_load %arg11[%get3A_79, %get3A_80] {strides = array<i32>} : memref<80x16xf32, #tpu.memory_space<vmem>>, vector<1x16xf32>,
        %get3A_82 = vector.shape_cast %get3A_81 : vector<1x16xf32> to vector<16xf32>
        %broadcast_in_dim3A_83 = arith.constant 4 : i32
        %broadcast_in_dim3A_84 = vector.broadcast %broadcast_in_dim3A_83 : i32 to vector<16xi32>
        %lt3A = arith.constant 0 : i32
        %lt3A_85 = vector.broadcast %lt3A : i32 to vector<16xi32>
        %lt3A_86 = arith.cmpi slt, %broadcast_in_dim3A_84, %lt3A_85 : vector<16xi32>
        %add3A_87 = arith.constant 16 : i32
        %add3A_88 = vector.broadcast %add3A_87 : i32 to vector<16xi32>
        %add3A_89 = arith.addi %broadcast_in_dim3A_84, %add3A_88 : vector<16xi32>
        %select_n3A = arith.select %lt3A_86, %add3A_89, %broadcast_in_dim3A_84 : vector<16xi1>, vector<16xi32>
        %broadcast_in_dim3A_90 = vector.shape_cast %select_n3A : vector<16xi32> to vector<16x1xi32>
        %gather3A = vector.shape_cast %broadcast_in_dim3A_90 : vector<16x1xi32> to vector<16xi32>
        %gather3A_91 = tpu.dynamic_gather %get3A_82[%gather3A] in [0] : vector<16xf32>, vector<16xi32> -> vector<16xf32>
        %get3A_92 = arith.index_cast %add3A_78 : i32 to index
        %get3A_93 = arith.constant 0 : index
        %get3A_94 = tpu.vector_load %arg13[%get3A_92, %get3A_93] {strides = array<i32>} : memref<80x128xf32, #tpu.memory_space<vmem>>, vector<1x16xf32>,
        %get3A_95 = vector.shape_cast %get3A_94 : vector<1x16xf32> to vector<16xf32>
        %mul3A_96 = arith.mulf %get3A_95, %gather3A_91 : vector<16xf32>
        %swap3A = arith.index_cast %add3A_78 : i32 to index
        %swap3A_97 = arith.constant 0 : index
        %swap3A_98 = tpu.vector_load %arg14[%swap3A, %swap3A_97] {strides = array<i32>} : memref<80x128xf32, #tpu.memory_space<vmem>>, vector<1x16xf32>,
        %swap3A_99 = vector.shape_cast %swap3A_98 : vector<1x16xf32> to vector<16xf32>
        %swap3A_100 = vector.shape_cast %mul3A_96 : vector<16xf32> to vector<1x16xf32>
        tpu.vector_store %arg14[%swap3A, %swap3A_97], %swap3A_100 {strides = array<i32>} : memref<80x128xf32, #tpu.memory_space<vmem>>, vector<1x16xf32>,
        %get3A_101 = arith.index_cast %add3A_78 : i32 to index
        %get3A_102 = arith.constant 16 : index
        %get3A_103 = tpu.vector_load %arg13[%get3A_101, %get3A_102] {strides = array<i32>} : memref<80x128xf32, #tpu.memory_space<vmem>>, vector<1x16xf32>,
        %get3A_104 = vector.shape_cast %get3A_103 : vector<1x16xf32> to vector<16xf32>
        %mul3A_105 = arith.mulf %get3A_104, %gather3A_91 : vector<16xf32>
        %swap3A_106 = arith.index_cast %add3A_78 : i32 to index
        %swap3A_107 = arith.constant 16 : index
        %swap3A_108 = tpu.vector_load %arg14[%swap3A_106, %swap3A_107] {strides = array<i32>} : memref<80x128xf32, #tpu.memory_space<vmem>>, vector<1x16xf32>,
        %swap3A_109 = vector.shape_cast %swap3A_108 : vector<1x16xf32> to vector<16xf32>
        %swap3A_110 = vector.shape_cast %mul3A_105 : vector<16xf32> to vector<1x16xf32>
        tpu.vector_store %arg14[%swap3A_106, %swap3A_107], %swap3A_110 {strides = array<i32>} : memref<80x128xf32, #tpu.memory_space<vmem>>, vector<1x16xf32>,
        %broadcast_in_dim3A_111 = arith.constant 5 : i32
        %broadcast_in_dim3A_112 = vector.broadcast %broadcast_in_dim3A_111 : i32 to vector<16xi32>
        %lt3A_113 = arith.constant 0 : i32
        %lt3A_114 = vector.broadcast %lt3A_113 : i32 to vector<16xi32>
        %lt3A_115 = arith.cmpi slt, %broadcast_in_dim3A_112, %lt3A_114 : vector<16xi32>
        %add3A_116 = arith.constant 16 : i32
        %add3A_117 = vector.broadcast %add3A_116 : i32 to vector<16xi32>
        %add3A_118 = arith.addi %broadcast_in_dim3A_112, %add3A_117 : vector<16xi32>
        %select_n3A_119 = arith.select %lt3A_115, %add3A_118, %broadcast_in_dim3A_112 : vector<16xi1>, vector<16xi32>
        %broadcast_in_dim3A_120 = vector.shape_cast %select_n3A_119 : vector<16xi32> to vector<16x1xi32>
        %gather3A_121 = vector.shape_cast %broadcast_in_dim3A_120 : vector<16x1xi32> to vector<16xi32>
        %gather3A_122 = tpu.dynamic_gather %get3A_82[%gather3A_121] in [0] : vector<16xf32>, vector<16xi32> -> vector<16xf32>
        %get3A_123 = arith.index_cast %add3A_78 : i32 to index
        %get3A_124 = arith.constant 32 : index
        %get3A_125 = tpu.vector_load %arg13[%get3A_123, %get3A_124] {strides = array<i32>} : memref<80x128xf32, #tpu.memory_space<vmem>>, vector<1x16xf32>,
        %get3A_126 = vector.shape_cast %get3A_125 : vector<1x16xf32> to vector<16xf32>
        %mul3A_127 = arith.mulf %get3A_126, %gather3A_122 : vector<16xf32>
        %swap3A_128 = arith.index_cast %add3A_78 : i32 to index
        %swap3A_129 = arith.constant 32 : index
        %swap3A_130 = tpu.vector_load %arg14[%swap3A_128, %swap3A_129] {strides = array<i32>} : memref<80x128xf32, #tpu.memory_space<vmem>>, vector<1x16xf32>,
        %swap3A_131 = vector.shape_cast %swap3A_130 : vector<1x16xf32> to vector<16xf32>
        %swap3A_132 = vector.shape_cast %mul3A_127 : vector<16xf32> to vector<1x16xf32>
        tpu.vector_store %arg14[%swap3A_128, %swap3A_129], %swap3A_132 {strides = array<i32>} : memref<80x128xf32, #tpu.memory_space<vmem>>, vector<1x16xf32>,
        %get3A_133 = arith.index_cast %add3A_78 : i32 to index
        %get3A_134 = arith.constant 48 : index
        %get3A_135 = tpu.vector_load %arg13[%get3A_133, %get3A_134] {strides = array<i32>} : memref<80x128xf32, #tpu.memory_space<vmem>>, vector<1x16xf32>,
        %get3A_136 = vector.shape_cast %get3A_135 : vector<1x16xf32> to vector<16xf32>
        %mul3A_137 = arith.mulf %get3A_136, %gather3A_122 : vector<16xf32>
        %swap3A_138 = arith.index_cast %add3A_78 : i32 to index
        %swap3A_139 = arith.constant 48 : index
        %swap3A_140 = tpu.vector_load %arg14[%swap3A_138, %swap3A_139] {strides = array<i32>} : memref<80x128xf32, #tpu.memory_space<vmem>>, vector<1x16xf32>,
        %swap3A_141 = vector.shape_cast %swap3A_140 : vector<1x16xf32> to vector<16xf32>
        %swap3A_142 = vector.shape_cast %mul3A_137 : vector<16xf32> to vector<1x16xf32>
        tpu.vector_store %arg14[%swap3A_138, %swap3A_139], %swap3A_142 {strides = array<i32>} : memref<80x128xf32, #tpu.memory_space<vmem>>, vector<1x16xf32>,
        %eq3A = arith.constant 6 : i32
        %eq3A_143 = vector.broadcast %eq3A : i32 to vector<16xi32>
        %eq3A_144 = arith.cmpi eq, %iota3A, %eq3A_143 : vector<16xi32>
        %broadcast_in_dim3A_145 = vector.broadcast %scan3A_76 : i32 to vector<16xi32>
        %lt3A_146 = arith.constant 0 : i32
        %lt3A_147 = vector.broadcast %lt3A_146 : i32 to vector<16xi32>
        %lt3A_148 = arith.cmpi slt, %broadcast_in_dim3A_145, %lt3A_147 : vector<16xi32>
        %add3A_149 = arith.constant 16 : i32
        %add3A_150 = vector.broadcast %add3A_149 : i32 to vector<16xi32>
        %add3A_151 = arith.addi %broadcast_in_dim3A_145, %add3A_150 : vector<16xi32>
        %select_n3A_152 = arith.select %lt3A_148, %add3A_151, %broadcast_in_dim3A_145 : vector<16xi1>, vector<16xi32>
        %broadcast_in_dim3A_153 = vector.shape_cast %select_n3A_152 : vector<16xi32> to vector<16x1xi32>
        %gather3A_154 = vector.shape_cast %broadcast_in_dim3A_153 : vector<16x1xi32> to vector<16xi32>
        %gather3A_155 = tpu.dynamic_gather %get3A_60[%gather3A_154] in [0] : vector<16xf32>, vector<16xi32> -> vector<16xf32>
        %select_n3A_156 = arith.select %eq3A_144, %gather3A_155, %get3A_82 : vector<16xi1>, vector<16xf32>
        %swap3A_157 = arith.index_cast %add3A_78 : i32 to index
        %swap3A_158 = arith.constant 64 : index
        %swap3A_159 = tpu.vector_load %arg14[%swap3A_157, %swap3A_158] {strides = array<i32>} : memref<80x128xf32, #tpu.memory_space<vmem>>, vector<1x16xf32>,
        %swap3A_160 = vector.shape_cast %swap3A_159 : vector<1x16xf32> to vector<16xf32>
        %swap3A_161 = vector.shape_cast %select_n3A_156 : vector<16xf32> to vector<1x16xf32>
        tpu.vector_store %arg14[%swap3A_157, %swap3A_158], %swap3A_161 {strides = array<i32>} : memref<80x128xf32, #tpu.memory_space<vmem>>, vector<1x16xf32>,
      }
      %scan3A_66 = arith.constant 16 : i32
      %get3A_67 = arith.constant 64 : index
      %get3A_68 = tpu.vector_load %arg12[%get3A_67] {strides = array<i32>} : memref<80xf32, #tpu.memory_space<vmem>>, vector<16xf32>,
      %get3A_69 = vector.shape_cast %get3A_68 : vector<16xf32> to vector<16xf32>
      %scan3A_70 = arith.constant 0 : i32
      %scan3A_71 = arith.constant 0 : i32
      %scan3A_72 = arith.constant 16 : i32
      %scan3A_73 = arith.addi %scan3A_71, %scan3A_72 : i32
      %scan3A_74 = arith.constant 1 : i32
      scf.for %scan3A_76 = %scan3A_71 to %scan3A_73 step %scan3A_74  : i32 {
        %add3A_77 = arith.constant 64 : i32
        %add3A_78 = arith.addi %add3A_77, %scan3A_76 : i32
        %get3A_79 = arith.index_cast %add3A_78 : i32 to index
        %get3A_80 = arith.constant 0 : index
        %get3A_81 = tpu.vector_load %arg11[%get3A_79, %get3A_80] {strides = array<i32>} : memref<80x16xf32, #tpu.memory_space<vmem>>, vector<1x16xf32>,
        %get3A_82 = vector.shape_cast %get3A_81 : vector<1x16xf32> to vector<16xf32>
        %broadcast_in_dim3A_83 = arith.constant 4 : i32
        %broadcast_in_dim3A_84 = vector.broadcast %broadcast_in_dim3A_83 : i32 to vector<16xi32>
        %lt3A = arith.constant 0 : i32
        %lt3A_85 = vector.broadcast %lt3A : i32 to vector<16xi32>
        %lt3A_86 = arith.cmpi slt, %broadcast_in_dim3A_84, %lt3A_85 : vector<16xi32>
        %add3A_87 = arith.constant 16 : i32
        %add3A_88 = vector.broadcast %add3A_87 : i32 to vector<16xi32>
        %add3A_89 = arith.addi %broadcast_in_dim3A_84, %add3A_88 : vector<16xi32>
        %select_n3A = arith.select %lt3A_86, %add3A_89, %broadcast_in_dim3A_84 : vector<16xi1>, vector<16xi32>
        %broadcast_in_dim3A_90 = vector.shape_cast %select_n3A : vector<16xi32> to vector<16x1xi32>
        %gather3A = vector.shape_cast %broadcast_in_dim3A_90 : vector<16x1xi32> to vector<16xi32>
        %gather3A_91 = tpu.dynamic_gather %get3A_82[%gather3A] in [0] : vector<16xf32>, vector<16xi32> -> vector<16xf32>
        %get3A_92 = arith.index_cast %add3A_78 : i32 to index
        %get3A_93 = arith.constant 0 : index
        %get3A_94 = tpu.vector_load %arg13[%get3A_92, %get3A_93] {strides = array<i32>} : memref<80x128xf32, #tpu.memory_space<vmem>>, vector<1x16xf32>,
        %get3A_95 = vector.shape_cast %get3A_94 : vector<1x16xf32> to vector<16xf32>
        %mul3A_96 = arith.mulf %get3A_95, %gather3A_91 : vector<16xf32>
        %swap3A = arith.index_cast %add3A_78 : i32 to index
        %swap3A_97 = arith.constant 0 : index
        %swap3A_98 = tpu.vector_load %arg14[%swap3A, %swap3A_97] {strides = array<i32>} : memref<80x128xf32, #tpu.memory_space<vmem>>, vector<1x16xf32>,
        %swap3A_99 = vector.shape_cast %swap3A_98 : vector<1x16xf32> to vector<16xf32>
        %swap3A_100 = vector.shape_cast %mul3A_96 : vector<16xf32> to vector<1x16xf32>
        tpu.vector_store %arg14[%swap3A, %swap3A_97], %swap3A_100 {strides = array<i32>} : memref<80x128xf32, #tpu.memory_space<vmem>>, vector<1x16xf32>,
        %get3A_101 = arith.index_cast %add3A_78 : i32 to index
        %get3A_102 = arith.constant 16 : index
        %get3A_103 = tpu.vector_load %arg13[%get3A_101, %get3A_102] {strides = array<i32>} : memref<80x128xf32, #tpu.memory_space<vmem>>, vector<1x16xf32>,
        %get3A_104 = vector.shape_cast %get3A_103 : vector<1x16xf32> to vector<16xf32>
        %mul3A_105 = arith.mulf %get3A_104, %gather3A_91 : vector<16xf32>
        %swap3A_106 = arith.index_cast %add3A_78 : i32 to index
        %swap3A_107 = arith.constant 16 : index
        %swap3A_108 = tpu.vector_load %arg14[%swap3A_106, %swap3A_107] {strides = array<i32>} : memref<80x128xf32, #tpu.memory_space<vmem>>, vector<1x16xf32>,
        %swap3A_109 = vector.shape_cast %swap3A_108 : vector<1x16xf32> to vector<16xf32>
        %swap3A_110 = vector.shape_cast %mul3A_105 : vector<16xf32> to vector<1x16xf32>
        tpu.vector_store %arg14[%swap3A_106, %swap3A_107], %swap3A_110 {strides = array<i32>} : memref<80x128xf32, #tpu.memory_space<vmem>>, vector<1x16xf32>,
        %broadcast_in_dim3A_111 = arith.constant 5 : i32
        %broadcast_in_dim3A_112 = vector.broadcast %broadcast_in_dim3A_111 : i32 to vector<16xi32>
        %lt3A_113 = arith.constant 0 : i32
        %lt3A_114 = vector.broadcast %lt3A_113 : i32 to vector<16xi32>
        %lt3A_115 = arith.cmpi slt, %broadcast_in_dim3A_112, %lt3A_114 : vector<16xi32>
        %add3A_116 = arith.constant 16 : i32
        %add3A_117 = vector.broadcast %add3A_116 : i32 to vector<16xi32>
        %add3A_118 = arith.addi %broadcast_in_dim3A_112, %add3A_117 : vector<16xi32>
        %select_n3A_119 = arith.select %lt3A_115, %add3A_118, %broadcast_in_dim3A_112 : vector<16xi1>, vector<16xi32>
        %broadcast_in_dim3A_120 = vector.shape_cast %select_n3A_119 : vector<16xi32> to vector<16x1xi32>
        %gather3A_121 = vector.shape_cast %broadcast_in_dim3A_120 : vector<16x1xi32> to vector<16xi32>
        %gather3A_122 = tpu.dynamic_gather %get3A_82[%gather3A_121] in [0] : vector<16xf32>, vector<16xi32> -> vector<16xf32>
        %get3A_123 = arith.index_cast %add3A_78 : i32 to index
        %get3A_124 = arith.constant 32 : index
        %get3A_125 = tpu.vector_load %arg13[%get3A_123, %get3A_124] {strides = array<i32>} : memref<80x128xf32, #tpu.memory_space<vmem>>, vector<1x16xf32>,
        %get3A_126 = vector.shape_cast %get3A_125 : vector<1x16xf32> to vector<16xf32>
        %mul3A_127 = arith.mulf %get3A_126, %gather3A_122 : vector<16xf32>
        %swap3A_128 = arith.index_cast %add3A_78 : i32 to index
        %swap3A_129 = arith.constant 32 : index
        %swap3A_130 = tpu.vector_load %arg14[%swap3A_128, %swap3A_129] {strides = array<i32>} : memref<80x128xf32, #tpu.memory_space<vmem>>, vector<1x16xf32>,
        %swap3A_131 = vector.shape_cast %swap3A_130 : vector<1x16xf32> to vector<16xf32>
        %swap3A_132 = vector.shape_cast %mul3A_127 : vector<16xf32> to vector<1x16xf32>
        tpu.vector_store %arg14[%swap3A_128, %swap3A_129], %swap3A_132 {strides = array<i32>} : memref<80x128xf32, #tpu.memory_space<vmem>>, vector<1x16xf32>,
        %get3A_133 = arith.index_cast %add3A_78 : i32 to index
        %get3A_134 = arith.constant 48 : index
        %get3A_135 = tpu.vector_load %arg13[%get3A_133, %get3A_134] {strides = array<i32>} : memref<80x128xf32, #tpu.memory_space<vmem>>, vector<1x16xf32>,
        %get3A_136 = vector.shape_cast %get3A_135 : vector<1x16xf32> to vector<16xf32>
        %mul3A_137 = arith.mulf %get3A_136, %gather3A_122 : vector<16xf32>
        %swap3A_138 = arith.index_cast %add3A_78 : i32 to index
        %swap3A_139 = arith.constant 48 : index
        %swap3A_140 = tpu.vector_load %arg14[%swap3A_138, %swap3A_139] {strides = array<i32>} : memref<80x128xf32, #tpu.memory_space<vmem>>, vector<1x16xf32>,
        %swap3A_141 = vector.shape_cast %swap3A_140 : vector<1x16xf32> to vector<16xf32>
        %swap3A_142 = vector.shape_cast %mul3A_137 : vector<16xf32> to vector<1x16xf32>
        tpu.vector_store %arg14[%swap3A_138, %swap3A_139], %swap3A_142 {strides = array<i32>} : memref<80x128xf32, #tpu.memory_space<vmem>>, vector<1x16xf32>,
        %eq3A = arith.constant 6 : i32
        %eq3A_143 = vector.broadcast %eq3A : i32 to vector<16xi32>
        %eq3A_144 = arith.cmpi eq, %iota3A, %eq3A_143 : vector<16xi32>
        %broadcast_in_dim3A_145 = vector.broadcast %scan3A_76 : i32 to vector<16xi32>
        %lt3A_146 = arith.constant 0 : i32
        %lt3A_147 = vector.broadcast %lt3A_146 : i32 to vector<16xi32>
        %lt3A_148 = arith.cmpi slt, %broadcast_in_dim3A_145, %lt3A_147 : vector<16xi32>
        %add3A_149 = arith.constant 16 : i32
        %add3A_150 = vector.broadcast %add3A_149 : i32 to vector<16xi32>
        %add3A_151 = arith.addi %broadcast_in_dim3A_145, %add3A_150 : vector<16xi32>
        %select_n3A_152 = arith.select %lt3A_148, %add3A_151, %broadcast_in_dim3A_145 : vector<16xi1>, vector<16xi32>
        %broadcast_in_dim3A_153 = vector.shape_cast %select_n3A_152 : vector<16xi32> to vector<16x1xi32>
        %gather3A_154 = vector.shape_cast %broadcast_in_dim3A_153 : vector<16x1xi32> to vector<16xi32>
        %gather3A_155 = tpu.dynamic_gather %get3A_69[%gather3A_154] in [0] : vector<16xf32>, vector<16xi32> -> vector<16xf32>
        %select_n3A_156 = arith.select %eq3A_144, %gather3A_155, %get3A_82 : vector<16xi1>, vector<16xf32>
        %swap3A_157 = arith.index_cast %add3A_78 : i32 to index
        %swap3A_158 = arith.constant 64 : index
        %swap3A_159 = tpu.vector_load %arg14[%swap3A_157, %swap3A_158] {strides = array<i32>} : memref<80x128xf32, #tpu.memory_space<vmem>>, vector<1x16xf32>,
        %swap3A_160 = vector.shape_cast %swap3A_159 : vector<1x16xf32> to vector<16xf32>
        %swap3A_161 = vector.shape_cast %select_n3A_156 : vector<16xf32> to vector<1x16xf32>
        tpu.vector_store %arg14[%swap3A_157, %swap3A_158], %swap3A_161 {strides = array<i32>} : memref<80x128xf32, #tpu.memory_space<vmem>>, vector<1x16xf32>,
      }
      %scan3A_75 = arith.constant 16 : i32
      "tpu.region"() ({
        %run_scoped3A = tpu.sem_alloc : memref<!tpu.dma_semaphore, #tpu.memory_space<semaphore_mem>>
        %dma_start3A_76 = arith.constant 0 : i32
        %dma_start3A_77 = arith.constant 0 : i32
        %dma_start3A_78 = tpu.memref_slice %arg15[%dma_start3A_76, %dma_start3A_77] : memref<10112x128xf32, #tpu.memory_space<vmem_shared>> -> memref<10112x128xf32, #tpu.memory_space<vmem_shared>>
        tpu.enqueue_indirect_dma source(%arg14 : memref<80x128xf32, #tpu.memory_space<vmem>>) target(%dma_start3A_78 : memref<10112x128xf32, #tpu.memory_space<vmem_shared>>) offsets(%arg10 : memref<80xi32, #tpu.memory_space<vmem>>) semaphore(%run_scoped3A : memref<!tpu.dma_semaphore, #tpu.memory_space<semaphore_mem>>) {add = true}
        %dma_wait3A_79 = arith.constant 0 : i32
        %dma_wait3A_80 = arith.constant 0 : i32
        %dma_wait3A_81 = tpu.memref_slice %arg15[%dma_wait3A_79, %dma_wait3A_80] : memref<10112x128xf32, #tpu.memory_space<vmem_shared>> -> memref<10112x128xf32, #tpu.memory_space<vmem_shared>>
        tpu.wait_indirect_dma semaphore(%run_scoped3A : memref<!tpu.dma_semaphore, #tpu.memory_space<semaphore_mem>>) src(%arg14 : memref<80x128xf32, #tpu.memory_space<vmem>>) dst(%dma_wait3A_81 : memref<10112x128xf32, #tpu.memory_space<vmem_shared>>)
        tpu.yield
      }) : () -> ()
    }
    %scan3A_16 = arith.constant 125 : i32
    %barrier3A_17 = arith.constant 0 : index
    tpu.barrier barrier_id(%barrier3A_17)
    %mul3A_18 = arith.constant 632 : i32
    %mul3A_19 = arith.muli %arg1, %mul3A_18 : i32
    %mul3A_20 = arith.constant 632 : i32
    %mul3A_21 = arith.muli %arg1, %mul3A_20 : i32
    "tpu.region"() ({
      %run_scoped3A = tpu.sem_alloc : memref<!tpu.dma_semaphore, #tpu.memory_space<semaphore_mem>>
      %dma_start3A = arith.constant 0 : i32
      %dma_start3A_22 = tpu.memref_slice %arg8[%arg0, %mul3A_21, %dma_start3A] : memref<2x10112x128xf32, #tpu.memory_space<hbm>> -> memref<1x632x128xf32, #tpu.memory_space<hbm>>
      %dma_start3A_23 = tpu.memref_squeeze %dma_start3A_22 : memref<1x632x128xf32, #tpu.memory_space<hbm>> -> memref<632x128xf32, #tpu.memory_space<hbm>>
      %dma_start3A_24 = arith.constant 0 : i32
      %dma_start3A_25 = tpu.memref_slice %arg15[%mul3A_19, %dma_start3A_24] : memref<10112x128xf32, #tpu.memory_space<vmem_shared>> -> memref<632x128xf32, #tpu.memory_space<vmem_shared>>
      tpu.enqueue_dma source(%dma_start3A_25 : memref<632x128xf32, #tpu.memory_space<vmem_shared>>) target(%dma_start3A_23 : memref<632x128xf32, #tpu.memory_space<hbm>>) target_semaphore(%run_scoped3A : memref<!tpu.dma_semaphore, #tpu.memory_space<semaphore_mem>>)
      %dma_wait3A = arith.constant 0 : i32
      %dma_wait3A_26 = tpu.memref_slice %arg8[%arg0, %mul3A_21, %dma_wait3A] : memref<2x10112x128xf32, #tpu.memory_space<hbm>> -> memref<1x632x128xf32, #tpu.memory_space<hbm>>
      %dma_wait3A_27 = tpu.memref_squeeze %dma_wait3A_26 : memref<1x632x128xf32, #tpu.memory_space<hbm>> -> memref<632x128xf32, #tpu.memory_space<hbm>>
      %dma_wait3A_28 = arith.constant 0 : i32
      %dma_wait3A_29 = tpu.memref_slice %arg15[%mul3A_19, %dma_wait3A_28] : memref<10112x128xf32, #tpu.memory_space<vmem_shared>> -> memref<632x128xf32, #tpu.memory_space<vmem_shared>>
      tpu.wait_dma2 semaphore(%run_scoped3A : memref<!tpu.dma_semaphore, #tpu.memory_space<semaphore_mem>>) src(%dma_wait3A_29 : memref<632x128xf32, #tpu.memory_space<vmem_shared>>) dst(%dma_wait3A_27 : memref<632x128xf32, #tpu.memory_space<hbm>>)
      tpu.yield
    }) : () -> ()
    return
  }
}

module attributes {stable_mosaic.version = 14 : i64} {
  func.func @_tc1_body(%arg0: i32, %arg1: memref<1000x128xf32, #tpu.memory_space<vmem>>, %arg2: memref<128x64xf32, #tpu.memory_space<vmem>>, %arg3: memref<1x64xf32, #tpu.memory_space<vmem>>, %arg4: memref<64x192xf32, #tpu.memory_space<vmem>>, %arg5: memref<192x128xf32, #tpu.memory_space<vmem>>, %arg6: memref<64x64xf32, #tpu.memory_space<vmem>>, %arg7: memref<1000x128xf32, #tpu.memory_space<vmem>>, %arg8: memref<1000x128xf32, #tpu.memory_space<vmem>>, %arg9: memref<1000x128xf32, #tpu.memory_space<vmem>>, %arg10: memref<1000x16xf32, #tpu.memory_space<vmem>>, %arg11: memref<1000x64xf32, #tpu.memory_space<vmem>>) attributes {dimension_semantics = [#tpu.dimension_semantics<arbitrary>], iteration_bounds = array<i64: 10>, scalar_prefetch = 0 : i64, scratch_operands = 0 : i64, tpu.core_type = #tpu.core_type<tc>, window_params = [{transform_indices = @transform_0, window_bounds = array<i64: 1000, 128>}, {pipeline_mode = #tpu.pipeline_mode<synchronous>, transform_indices = @transform_1, window_bounds = array<i64: 128, 64>}, {pipeline_mode = #tpu.pipeline_mode<synchronous>, transform_indices = @transform_2, window_bounds = array<i64: 1, 64>}, {pipeline_mode = #tpu.pipeline_mode<synchronous>, transform_indices = @transform_3, window_bounds = array<i64: 64, 192>}, {pipeline_mode = #tpu.pipeline_mode<synchronous>, transform_indices = @transform_4, window_bounds = array<i64: 192, 128>}, {pipeline_mode = #tpu.pipeline_mode<synchronous>, transform_indices = @transform_5, window_bounds = array<i64: 64, 64>}, {transform_indices = @transform_6, window_bounds = array<i64: 1000, 128>}, {transform_indices = @transform_7, window_bounds = array<i64: 1000, 128>}, {transform_indices = @transform_8, window_bounds = array<i64: 1000, 128>}, {transform_indices = @transform_9, window_bounds = array<i64: 1000, 16>}, {transform_indices = @transform_10, window_bounds = array<i64: 1000, 64>}]} {
    %get3A = arith.constant 0 : index
    %get3A_0 = arith.constant 0 : index
    %get3A_1 = vector.load %arg1[%get3A, %get3A_0] : memref<1000x128xf32, #tpu.memory_space<vmem>>, vector<1000x128xf32>
    %get3A_2 = arith.constant 0 : index
    %get3A_3 = arith.constant 0 : index
    %get3A_4 = vector.load %arg2[%get3A_2, %get3A_3] : memref<128x64xf32, #tpu.memory_space<vmem>>, vector<128x64xf32>
    %dot_general3A = arith.constant dense<0.000000e+00> : vector<1000x64xf32>
    %dot_general3A_5 = tpu.matmul %get3A_1, %get3A_4, %dot_general3A {dimension_numbers = #tpu.dot_dimension_numbers<[1], [0], [0], [1], [0, 0, 1, 1], [], []>, transpose_lhs_hint = false} : vector<1000x128xf32>, vector<128x64xf32>, vector<1000x64xf32> -> vector<1000x64xf32>
    %get3A_6 = arith.constant 0 : index
    %get3A_7 = arith.constant 0 : index
    %get3A_8 = vector.load %arg3[%get3A_6, %get3A_7] : memref<1x64xf32, #tpu.memory_space<vmem>>, vector<1x64xf32>
    %add3A = vector.broadcast %get3A_8 : vector<1x64xf32> to vector<1000x64xf32>
    %add3A_9 = arith.addf %dot_general3A_5, %add3A : vector<1000x64xf32>
    %get3A_10 = arith.constant 0 : index
    %get3A_11 = arith.constant 0 : index
    %get3A_12 = vector.load %arg4[%get3A_10, %get3A_11] : memref<64x192xf32, #tpu.memory_space<vmem>>, vector<64x192xf32>
    %dot_general3A_13 = arith.constant dense<0.000000e+00> : vector<1000x192xf32>
    %dot_general3A_14 = tpu.matmul %add3A_9, %get3A_12, %dot_general3A_13 {dimension_numbers = #tpu.dot_dimension_numbers<[1], [0], [0], [1], [0, 0, 1, 1], [], []>, transpose_lhs_hint = false} : vector<1000x64xf32>, vector<64x192xf32>, vector<1000x192xf32> -> vector<1000x192xf32>
    %get3A_15 = arith.constant 0 : index
    %get3A_16 = arith.constant 0 : index
    %get3A_17 = vector.load %arg5[%get3A_15, %get3A_16] : memref<192x128xf32, #tpu.memory_space<vmem>>, vector<192x128xf32>
    %dot_general3A_18 = arith.constant dense<0.000000e+00> : vector<1000x128xf32>
    %dot_general3A_19 = tpu.matmul %dot_general3A_14, %get3A_17, %dot_general3A_18 {dimension_numbers = #tpu.dot_dimension_numbers<[1], [0], [0], [1], [0, 0, 1, 1], [], []>, transpose_lhs_hint = false} : vector<1000x192xf32>, vector<192x128xf32>, vector<1000x128xf32> -> vector<1000x128xf32>
    %slice3A = vector.extract_strided_slice %dot_general3A_19 {offsets = [0, 0], sizes = [1000, 6], strides = [1, 1]} : vector<1000x128xf32> to vector<1000x6xf32>
    %slice3A_20 = vector.extract_strided_slice %dot_general3A_19 {offsets = [0, 6], sizes = [1000, 6], strides = [1, 1]} : vector<1000x128xf32> to vector<1000x6xf32>
    %add3A_21 = arith.addf %slice3A, %slice3A_20 : vector<1000x6xf32>
    %gt3A = arith.constant 0.000000e+00 : f32
    %gt3A_22 = vector.broadcast %gt3A : f32 to vector<1000x6xf32>
    %gt3A_23 = arith.cmpf ogt, %add3A_21, %gt3A_22 : vector<1000x6xf32>
    %mul3A = arith.constant 2.000000e-01 : f32
    %mul3A_24 = vector.broadcast %mul3A : f32 to vector<1000x6xf32>
    %mul3A_25 = arith.mulf %add3A_21, %mul3A_24 : vector<1000x6xf32>
    %select_n3A = arith.select %gt3A_23, %add3A_21, %mul3A_25 : vector<1000x6xi1>, vector<1000x6xf32>
    %exp3A = math.exp %select_n3A : vector<1000x6xf32>
    %jit3A = arith.constant 0 : i32
    %convert_element_type3A = arith.sitofp %jit3A : i32 to f32
    %pad3A = vector.broadcast %convert_element_type3A : f32 to vector<1000x10xf32>
    %pad3A_26 = tpu.concatenate %exp3A, %pad3A in 1 : vector<1000x6xf32>, vector<1000x10xf32> -> vector<1000x16xf32>
    %swap3A = arith.constant 0 : index
    %swap3A_27 = arith.constant 0 : index
    %swap3A_28 = vector.load %arg10[%swap3A, %swap3A_27] : memref<1000x16xf32, #tpu.memory_space<vmem>>, vector<1000x16xf32>
    tpu.vector_store %arg10[%swap3A, %swap3A_27], %pad3A_26 {strides = array<i32>} : memref<1000x16xf32, #tpu.memory_space<vmem>>, vector<1000x16xf32>,
    %slice3A_29 = vector.extract_strided_slice %dot_general3A_14 {offsets = [0, 0], sizes = [1000, 128], strides = [1, 1]} : vector<1000x192xf32> to vector<1000x128xf32>
    %swap3A_30 = arith.constant 0 : index
    %swap3A_31 = arith.constant 0 : index
    %swap3A_32 = vector.load %arg7[%swap3A_30, %swap3A_31] : memref<1000x128xf32, #tpu.memory_space<vmem>>, vector<1000x128xf32>
    tpu.vector_store %arg7[%swap3A_30, %swap3A_31], %slice3A_29 {strides = array<i32>} : memref<1000x128xf32, #tpu.memory_space<vmem>>, vector<1000x128xf32>,
    %slice3A_33 = vector.extract_strided_slice %dot_general3A_14 {offsets = [0, 128], sizes = [1000, 64], strides = [1, 1]} : vector<1000x192xf32> to vector<1000x64xf32>
    %jit3A_34 = arith.constant 0 : i32
    %convert_element_type3A_35 = arith.sitofp %jit3A_34 : i32 to f32
    %pad3A_36 = vector.broadcast %convert_element_type3A_35 : f32 to vector<1000x64xf32>
    %pad3A_37 = tpu.concatenate %slice3A_33, %pad3A_36 in 1 : vector<1000x64xf32>, vector<1000x64xf32> -> vector<1000x128xf32>
    %swap3A_38 = arith.constant 0 : index
    %swap3A_39 = arith.constant 0 : index
    %swap3A_40 = vector.load %arg8[%swap3A_38, %swap3A_39] : memref<1000x128xf32, #tpu.memory_space<vmem>>, vector<1000x128xf32>
    tpu.vector_store %arg8[%swap3A_38, %swap3A_39], %pad3A_37 {strides = array<i32>} : memref<1000x128xf32, #tpu.memory_space<vmem>>, vector<1000x128xf32>,
    %swap3A_41 = arith.constant 0 : index
    %swap3A_42 = arith.constant 0 : index
    %swap3A_43 = vector.load %arg9[%swap3A_41, %swap3A_42] : memref<1000x128xf32, #tpu.memory_space<vmem>>, vector<1000x128xf32>
    tpu.vector_store %arg9[%swap3A_41, %swap3A_42], %dot_general3A_19 {strides = array<i32>} : memref<1000x128xf32, #tpu.memory_space<vmem>>, vector<1000x128xf32>,
    %get3A_44 = arith.constant 0 : index
    %get3A_45 = arith.constant 0 : index
    %get3A_46 = vector.load %arg6[%get3A_44, %get3A_45] : memref<64x64xf32, #tpu.memory_space<vmem>>, vector<64x64xf32>
    %dot_general3A_47 = arith.constant dense<0.000000e+00> : vector<1000x64xf32>
    %dot_general3A_48 = tpu.matmul %add3A_9, %get3A_46, %dot_general3A_47 {dimension_numbers = #tpu.dot_dimension_numbers<[1], [0], [0], [1], [0, 0, 1, 1], [], []>, transpose_lhs_hint = false} : vector<1000x64xf32>, vector<64x64xf32>, vector<1000x64xf32> -> vector<1000x64xf32>
    %swap3A_49 = arith.constant 0 : index
    %swap3A_50 = arith.constant 0 : index
    %swap3A_51 = vector.load %arg11[%swap3A_49, %swap3A_50] : memref<1000x64xf32, #tpu.memory_space<vmem>>, vector<1000x64xf32>
    tpu.vector_store %arg11[%swap3A_49, %swap3A_50], %dot_general3A_48 {strides = array<i32>} : memref<1000x64xf32, #tpu.memory_space<vmem>>, vector<1000x64xf32>,
    return
  }
  func.func @transform_0(%arg0: i32) -> (i32, i32) {
    %c0_i32 = arith.constant 0 : i32
    %c0_i32_0 = arith.constant 0 : i32
    return %arg0, %c0_i32 : i32, i32
  }
  func.func @transform_1(%arg0: i32) -> (i32, i32) {
    %c0_i32 = arith.constant 0 : i32
    %c0_i32_0 = arith.constant 0 : i32
    %c0_i32_1 = arith.constant 0 : i32
    return %c0_i32, %c0_i32_0 : i32, i32
  }
  func.func @transform_2(%arg0: i32) -> (i32, i32) {
    %c0_i32 = arith.constant 0 : i32
    %c0_i32_0 = arith.constant 0 : i32
    %c0_i32_1 = arith.constant 0 : i32
    return %c0_i32, %c0_i32_0 : i32, i32
  }
  func.func @transform_3(%arg0: i32) -> (i32, i32) {
    %c0_i32 = arith.constant 0 : i32
    %c0_i32_0 = arith.constant 0 : i32
    %c0_i32_1 = arith.constant 0 : i32
    return %c0_i32, %c0_i32_0 : i32, i32
  }
  func.func @transform_4(%arg0: i32) -> (i32, i32) {
    %c0_i32 = arith.constant 0 : i32
    %c0_i32_0 = arith.constant 0 : i32
    %c0_i32_1 = arith.constant 0 : i32
    return %c0_i32, %c0_i32_0 : i32, i32
  }
  func.func @transform_5(%arg0: i32) -> (i32, i32) {
    %c0_i32 = arith.constant 0 : i32
    %c0_i32_0 = arith.constant 0 : i32
    %c0_i32_1 = arith.constant 0 : i32
    return %c0_i32, %c0_i32_0 : i32, i32
  }
  func.func @transform_6(%arg0: i32) -> (i32, i32) {
    %c0_i32 = arith.constant 0 : i32
    %c0_i32_0 = arith.constant 0 : i32
    return %arg0, %c0_i32 : i32, i32
  }
  func.func @transform_7(%arg0: i32) -> (i32, i32) {
    %c0_i32 = arith.constant 0 : i32
    %c0_i32_0 = arith.constant 0 : i32
    return %arg0, %c0_i32 : i32, i32
  }
  func.func @transform_8(%arg0: i32) -> (i32, i32) {
    %c0_i32 = arith.constant 0 : i32
    %c0_i32_0 = arith.constant 0 : i32
    return %arg0, %c0_i32 : i32, i32
  }
  func.func @transform_9(%arg0: i32) -> (i32, i32) {
    %c0_i32 = arith.constant 0 : i32
    %c0_i32_0 = arith.constant 0 : i32
    return %arg0, %c0_i32 : i32, i32
  }
  func.func @transform_10(%arg0: i32) -> (i32, i32) {
    %c0_i32 = arith.constant 0 : i32
    %c0_i32_0 = arith.constant 0 : i32
    return %arg0, %c0_i32 : i32, i32
  }
}

module attributes {stable_mosaic.version = 14 : i64} {
  func.func @_tc4_body(%arg0: i32, %arg1: memref<1000x192xf32, #tpu.memory_space<vmem>>, %arg2: memref<2x1000x128xf32, #tpu.memory_space<vmem>>, %arg3: memref<1000x8xf32, #tpu.memory_space<vmem>>, %arg4: memref<1000x64xf32, #tpu.memory_space<vmem>>, %arg5: memref<1x64xf32, #tpu.memory_space<vmem>>, %arg6: memref<1000x32xf32, #tpu.memory_space<vmem>>, %arg7: memref<1x32xf32, #tpu.memory_space<vmem>>, %arg8: memref<1000x288xf32, #tpu.memory_space<vmem>>) attributes {dimension_semantics = [#tpu.dimension_semantics<arbitrary>], iteration_bounds = array<i64: 10>, scalar_prefetch = 0 : i64, scratch_operands = 0 : i64, tpu.core_type = #tpu.core_type<tc>, window_params = [{transform_indices = @transform_0, window_bounds = array<i64: 1000, 192>}, {transform_indices = @transform_1, window_bounds = array<i64: 2, 1000, 128>}, {transform_indices = @transform_2, window_bounds = array<i64: 1000, 8>}, {transform_indices = @transform_3, window_bounds = array<i64: 1000, 64>}, {pipeline_mode = #tpu.pipeline_mode<synchronous>, transform_indices = @transform_4, window_bounds = array<i64: 1, 64>}, {transform_indices = @transform_5, window_bounds = array<i64: 1000, 32>}, {pipeline_mode = #tpu.pipeline_mode<synchronous>, transform_indices = @transform_6, window_bounds = array<i64: 1, 32>}, {transform_indices = @transform_7, window_bounds = array<i64: 1000, 288>}]} {
    %get3A = arith.constant 0 : index
    %get3A_0 = arith.constant 0 : index
    %get3A_1 = vector.load %arg3[%get3A, %get3A_0] : memref<1000x8xf32, #tpu.memory_space<vmem>>, vector<1000x1xf32>
    %get3A_2 = arith.constant 0 : index
    %get3A_3 = arith.constant 1 : index
    %get3A_4 = vector.load %arg3[%get3A_2, %get3A_3] : memref<1000x8xf32, #tpu.memory_space<vmem>>, vector<1000x1xf32>
    %get3A_5 = arith.constant 0 : index
    %get3A_6 = arith.constant 0 : index
    %get3A_7 = arith.constant 0 : index
    %get3A_8 = vector.load %arg2[%get3A_5, %get3A_6, %get3A_7] : memref<2x1000x128xf32, #tpu.memory_space<vmem>>, vector<1x1000x128xf32>
    %get3A_9 = vector.shape_cast %get3A_8 : vector<1x1000x128xf32> to vector<1000x128xf32>
    %get3A_10 = arith.constant 1 : index
    %get3A_11 = arith.constant 0 : index
    %get3A_12 = arith.constant 0 : index
    %get3A_13 = vector.load %arg2[%get3A_10, %get3A_11, %get3A_12] : memref<2x1000x128xf32, #tpu.memory_space<vmem>>, vector<1x1000x128xf32>
    %get3A_14 = vector.shape_cast %get3A_13 : vector<1x1000x128xf32> to vector<1000x128xf32>
    %add3A = arith.addf %get3A_9, %get3A_14 : vector<1000x128xf32>
    %slice3A = vector.extract_strided_slice %add3A {offsets = [0, 0], sizes = [1000, 64], strides = [1, 1]} : vector<1000x128xf32> to vector<1000x64xf32>
    %mul3A = vector.broadcast %get3A_1 : vector<1000x1xf32> to vector<1000x64xf32>
    %mul3A_15 = arith.mulf %slice3A, %mul3A : vector<1000x64xf32>
    %get3A_16 = arith.constant 0 : index
    %get3A_17 = arith.constant 0 : index
    %get3A_18 = vector.load %arg4[%get3A_16, %get3A_17] : memref<1000x64xf32, #tpu.memory_space<vmem>>, vector<1000x64xf32>
    %mul3A_19 = arith.mulf %get3A_1, %get3A_1 : vector<1000x1xf32>
    %mul3A_20 = vector.broadcast %mul3A_19 : vector<1000x1xf32> to vector<1000x64xf32>
    %mul3A_21 = arith.mulf %get3A_18, %mul3A_20 : vector<1000x64xf32>
    %add3A_22 = arith.addf %mul3A_15, %mul3A_21 : vector<1000x64xf32>
    %get3A_23 = arith.constant 0 : index
    %get3A_24 = arith.constant 0 : index
    %get3A_25 = vector.load %arg5[%get3A_23, %get3A_24] : memref<1x64xf32, #tpu.memory_space<vmem>>, vector<1x64xf32>
    %add3A_26 = vector.broadcast %get3A_25 : vector<1x64xf32> to vector<1000x64xf32>
    %add3A_27 = arith.addf %add3A_22, %add3A_26 : vector<1000x64xf32>
    %gt3A = arith.constant 0.000000e+00 : f32
    %gt3A_28 = vector.broadcast %gt3A : f32 to vector<1000x64xf32>
    %gt3A_29 = arith.cmpf ogt, %add3A_27, %gt3A_28 : vector<1000x64xf32>
    %mul3A_30 = arith.constant 0.00999999977 : f32
    %mul3A_31 = vector.broadcast %mul3A_30 : f32 to vector<1000x64xf32>
    %mul3A_32 = arith.mulf %add3A_27, %mul3A_31 : vector<1000x64xf32>
    %select_n3A = arith.select %gt3A_29, %add3A_27, %mul3A_32 : vector<1000x64xi1>, vector<1000x64xf32>
    %slice3A_33 = vector.extract_strided_slice %add3A {offsets = [0, 64], sizes = [1000, 32], strides = [1, 1]} : vector<1000x128xf32> to vector<1000x32xf32>
    %mul3A_34 = vector.broadcast %get3A_4 : vector<1000x1xf32> to vector<1000x32xf32>
    %mul3A_35 = arith.mulf %slice3A_33, %mul3A_34 : vector<1000x32xf32>
    %get3A_36 = arith.constant 0 : index
    %get3A_37 = arith.constant 0 : index
    %get3A_38 = vector.load %arg6[%get3A_36, %get3A_37] : memref<1000x32xf32, #tpu.memory_space<vmem>>, vector<1000x32xf32>
    %add3A_39 = arith.addf %mul3A_35, %get3A_38 : vector<1000x32xf32>
    %get3A_40 = arith.constant 0 : index
    %get3A_41 = arith.constant 0 : index
    %get3A_42 = vector.load %arg7[%get3A_40, %get3A_41] : memref<1x32xf32, #tpu.memory_space<vmem>>, vector<1x32xf32>
    %add3A_43 = vector.broadcast %get3A_42 : vector<1x32xf32> to vector<1000x32xf32>
    %add3A_44 = arith.addf %add3A_39, %add3A_43 : vector<1000x32xf32>
    %max3A = arith.constant 0.000000e+00 : f32
    %max3A_45 = vector.broadcast %max3A : f32 to vector<1000x32xf32>
    %max3A_46 = arith.maximumf %add3A_44, %max3A_45 : vector<1000x32xf32>
    %get3A_47 = arith.constant 0 : index
    %get3A_48 = arith.constant 0 : index
    %get3A_49 = vector.load %arg1[%get3A_47, %get3A_48] : memref<1000x192xf32, #tpu.memory_space<vmem>>, vector<1000x192xf32>
    %concatenate3A = tpu.concatenate %get3A_49, %select_n3A, %max3A_46 in 1 : vector<1000x192xf32>, vector<1000x64xf32>, vector<1000x32xf32> -> vector<1000x288xf32>
    %tanh3A = math.tanh %concatenate3A : vector<1000x288xf32>
    %swap3A = arith.constant 0 : index
    %swap3A_50 = arith.constant 0 : index
    %swap3A_51 = vector.load %arg8[%swap3A, %swap3A_50] : memref<1000x288xf32, #tpu.memory_space<vmem>>, vector<1000x288xf32>
    tpu.vector_store %arg8[%swap3A, %swap3A_50], %tanh3A {strides = array<i32>} : memref<1000x288xf32, #tpu.memory_space<vmem>>, vector<1000x288xf32>,
    return
  }
  func.func @transform_0(%arg0: i32) -> (i32, i32) {
    %c0_i32 = arith.constant 0 : i32
    %c0_i32_0 = arith.constant 0 : i32
    return %arg0, %c0_i32 : i32, i32
  }
  func.func @transform_1(%arg0: i32) -> (i32, i32, i32) {
    %c0_i32 = arith.constant 0 : i32
    %c0_i32_0 = arith.constant 0 : i32
    %c0_i32_1 = arith.constant 0 : i32
    return %c0_i32, %arg0, %c0_i32_0 : i32, i32, i32
  }
  func.func @transform_2(%arg0: i32) -> (i32, i32) {
    %c0_i32 = arith.constant 0 : i32
    %c0_i32_0 = arith.constant 0 : i32
    return %arg0, %c0_i32 : i32, i32
  }
  func.func @transform_3(%arg0: i32) -> (i32, i32) {
    %c0_i32 = arith.constant 0 : i32
    %c0_i32_0 = arith.constant 0 : i32
    return %arg0, %c0_i32 : i32, i32
  }
  func.func @transform_4(%arg0: i32) -> (i32, i32) {
    %c0_i32 = arith.constant 0 : i32
    %c0_i32_0 = arith.constant 0 : i32
    %c0_i32_1 = arith.constant 0 : i32
    return %c0_i32, %c0_i32_0 : i32, i32
  }
  func.func @transform_5(%arg0: i32) -> (i32, i32) {
    %c0_i32 = arith.constant 0 : i32
    %c0_i32_0 = arith.constant 0 : i32
    return %arg0, %c0_i32 : i32, i32
  }
  func.func @transform_6(%arg0: i32) -> (i32, i32) {
    %c0_i32 = arith.constant 0 : i32
    %c0_i32_0 = arith.constant 0 : i32
    %c0_i32_1 = arith.constant 0 : i32
    return %c0_i32, %c0_i32_0 : i32, i32
  }
  func.func @transform_7(%arg0: i32) -> (i32, i32) {
    %c0_i32 = arith.constant 0 : i32
    %c0_i32_0 = arith.constant 0 : i32
    return %arg0, %c0_i32 : i32, i32
  }
}

module attributes {stable_mosaic.version = 14 : i64} {
  func.func @_tc3_body(%arg0: i32, %arg1: memref<2x1000x128xf32, #tpu.memory_space<vmem>>, %arg2: memref<2x1000x128xf32, #tpu.memory_space<vmem>>, %arg3: memref<1000x16xf32, #tpu.memory_space<vmem>>, %arg4: memref<1000x128xf32, #tpu.memory_space<vmem>>, %arg5: memref<1000x128xf32, #tpu.memory_space<vmem>>, %arg6: memref<1000x64xf32, #tpu.memory_space<vmem>>, %arg7: memref<1x192xf32, #tpu.memory_space<vmem>>, %arg8: memref<16x192xf32, #tpu.memory_space<vmem>>, %arg9: memref<192x32xf32, #tpu.memory_space<vmem>>, %arg10: memref<192x32xf32, #tpu.memory_space<vmem>>, %arg11: memref<1000x192xf32, #tpu.memory_space<vmem>>, %arg12: memref<1000x128xf32, #tpu.memory_space<vmem>>, %arg13: memref<1000x32xf32, #tpu.memory_space<vmem>>, %arg14: memref<1000x8xf32, #tpu.memory_space<vmem>>) attributes {dimension_semantics = [#tpu.dimension_semantics<arbitrary>], iteration_bounds = array<i64: 10>, scalar_prefetch = 0 : i64, scratch_operands = 0 : i64, tpu.core_type = #tpu.core_type<tc>, window_params = [{transform_indices = @transform_0, window_bounds = array<i64: 2, 1000, 128>}, {transform_indices = @transform_1, window_bounds = array<i64: 2, 1000, 128>}, {transform_indices = @transform_2, window_bounds = array<i64: 1000, 16>}, {transform_indices = @transform_3, window_bounds = array<i64: 1000, 128>}, {transform_indices = @transform_4, window_bounds = array<i64: 1000, 128>}, {transform_indices = @transform_5, window_bounds = array<i64: 1000, 64>}, {pipeline_mode = #tpu.pipeline_mode<synchronous>, transform_indices = @transform_6, window_bounds = array<i64: 1, 192>}, {pipeline_mode = #tpu.pipeline_mode<synchronous>, transform_indices = @transform_7, window_bounds = array<i64: 16, 192>}, {pipeline_mode = #tpu.pipeline_mode<synchronous>, transform_indices = @transform_8, window_bounds = array<i64: 192, 32>}, {pipeline_mode = #tpu.pipeline_mode<synchronous>, transform_indices = @transform_9, window_bounds = array<i64: 192, 32>}, {transform_indices = @transform_10, window_bounds = array<i64: 1000, 192>}, {transform_indices = @transform_11, window_bounds = array<i64: 1000, 128>}, {transform_indices = @transform_12, window_bounds = array<i64: 1000, 32>}, {transform_indices = @transform_13, window_bounds = array<i64: 1000, 8>}]} {
    %get3A = arith.constant 0 : index
    %get3A_0 = arith.constant 0 : index
    %get3A_1 = arith.constant 0 : index
    %get3A_2 = vector.load %arg2[%get3A, %get3A_0, %get3A_1] : memref<2x1000x128xf32, #tpu.memory_space<vmem>>, vector<1x1000x128xf32>
    %get3A_3 = vector.shape_cast %get3A_2 : vector<1x1000x128xf32> to vector<1000x128xf32>
    %get3A_4 = arith.constant 1 : index
    %get3A_5 = arith.constant 0 : index
    %get3A_6 = arith.constant 0 : index
    %get3A_7 = vector.load %arg2[%get3A_4, %get3A_5, %get3A_6] : memref<2x1000x128xf32, #tpu.memory_space<vmem>>, vector<1x1000x128xf32>
    %get3A_8 = vector.shape_cast %get3A_7 : vector<1x1000x128xf32> to vector<1000x128xf32>
    %add3A = arith.addf %get3A_3, %get3A_8 : vector<1000x128xf32>
    %slice3A = vector.extract_strided_slice %add3A {offsets = [0, 64], sizes = [1000, 16], strides = [1, 1]} : vector<1000x128xf32> to vector<1000x16xf32>
    %jit3A = arith.constant 0 : i32
    %convert_element_type3A = arith.sitofp %jit3A : i32 to f32
    %slice3A_9 = vector.extract_strided_slice %slice3A {offsets = [0, 6], sizes = [1000, 1], strides = [1, 1]} : vector<1000x16xf32> to vector<1000x1xf32>
    %add3A_10 = arith.constant 1.000000e+00 : f32
    %add3A_11 = vector.broadcast %add3A_10 : f32 to vector<1000x1xf32>
    %add3A_12 = arith.addf %slice3A_9, %add3A_11 : vector<1000x1xf32>
    %rsqrt3A = math.rsqrt %add3A_12 : vector<1000x1xf32>
    %gt3A = arith.constant 0.000000e+00 : f32
    %gt3A_13 = vector.broadcast %gt3A : f32 to vector<1000x1xf32>
    %gt3A_14 = arith.cmpf ogt, %slice3A_9, %gt3A_13 : vector<1000x1xf32>
    %gt3A_15 = arith.constant 0.000000e+00 : f32
    %gt3A_16 = vector.broadcast %gt3A_15 : f32 to vector<1000x1xf32>
    %gt3A_17 = arith.cmpf ogt, %slice3A_9, %gt3A_16 : vector<1000x1xf32>
    %jit3A_18 = arith.constant 1.000000e+00 : f32
    %broadcast_in_dim3A = vector.broadcast %jit3A_18 : f32 to vector<1000x1xf32>
    %select_n3A = arith.select %gt3A_17, %slice3A_9, %broadcast_in_dim3A : vector<1000x1xi1>, vector<1000x1xf32>
    %rsqrt3A_19 = math.rsqrt %select_n3A : vector<1000x1xf32>
    %jit3A_20 = arith.constant 0.000000e+00 : f32
    %broadcast_in_dim3A_21 = vector.broadcast %jit3A_20 : f32 to vector<1000x1xf32>
    %select_n3A_22 = arith.select %gt3A_14, %rsqrt3A_19, %broadcast_in_dim3A_21 : vector<1000x1xi1>, vector<1000x1xf32>
    %get3A_23 = arith.constant 0 : index
    %get3A_24 = arith.constant 0 : index
    %get3A_25 = vector.load %arg3[%get3A_23, %get3A_24] : memref<1000x16xf32, #tpu.memory_space<vmem>>, vector<1000x16xf32>
    %get3A_26 = arith.constant 0 : index
    %get3A_27 = arith.constant 0 : index
    %get3A_28 = vector.load %arg8[%get3A_26, %get3A_27] : memref<16x192xf32, #tpu.memory_space<vmem>>, vector<16x192xf32>
    %dot_general3A = arith.constant dense<0.000000e+00> : vector<1000x192xf32>
    %dot_general3A_29 = tpu.matmul %get3A_25, %get3A_28, %dot_general3A {dimension_numbers = #tpu.dot_dimension_numbers<[1], [0], [0], [1], [0, 0, 1, 1], [], []>, transpose_lhs_hint = false} : vector<1000x16xf32>, vector<16x192xf32>, vector<1000x192xf32> -> vector<1000x192xf32>
    %get3A_30 = arith.constant 0 : index
    %get3A_31 = arith.constant 0 : index
    %get3A_32 = vector.load %arg8[%get3A_30, %get3A_31] : memref<16x192xf32, #tpu.memory_space<vmem>>, vector<16x192xf32>
    %dot_general3A_33 = arith.constant dense<0.000000e+00> : vector<1000x192xf32>
    %dot_general3A_34 = tpu.matmul %slice3A, %get3A_32, %dot_general3A_33 {dimension_numbers = #tpu.dot_dimension_numbers<[1], [0], [0], [1], [0, 0, 1, 1], [], []>, transpose_lhs_hint = false} : vector<1000x16xf32>, vector<16x192xf32>, vector<1000x192xf32> -> vector<1000x192xf32>
    %get3A_35 = arith.constant 0 : index
    %get3A_36 = arith.constant 0 : index
    %get3A_37 = arith.constant 0 : index
    %get3A_38 = vector.load %arg1[%get3A_35, %get3A_36, %get3A_37] : memref<2x1000x128xf32, #tpu.memory_space<vmem>>, vector<1x1000x128xf32>
    %get3A_39 = vector.shape_cast %get3A_38 : vector<1x1000x128xf32> to vector<1000x128xf32>
    %get3A_40 = arith.constant 1 : index
    %get3A_41 = arith.constant 0 : index
    %get3A_42 = arith.constant 0 : index
    %get3A_43 = vector.load %arg1[%get3A_40, %get3A_41, %get3A_42] : memref<2x1000x128xf32, #tpu.memory_space<vmem>>, vector<1x1000x128xf32>
    %get3A_44 = vector.shape_cast %get3A_43 : vector<1x1000x128xf32> to vector<1000x128xf32>
    %add3A_45 = arith.addf %get3A_39, %get3A_44 : vector<1000x128xf32>
    %slice3A_46 = vector.extract_strided_slice %add3A {offsets = [0, 0], sizes = [1000, 64], strides = [1, 1]} : vector<1000x128xf32> to vector<1000x64xf32>
    %concatenate3A = tpu.concatenate %add3A_45, %slice3A_46 in 1 : vector<1000x128xf32>, vector<1000x64xf32> -> vector<1000x192xf32>
    %get3A_47 = arith.constant 0 : index
    %get3A_48 = arith.constant 0 : index
    %get3A_49 = vector.load %arg4[%get3A_47, %get3A_48] : memref<1000x128xf32, #tpu.memory_space<vmem>>, vector<1000x128xf32>
    %get3A_50 = arith.constant 0 : index
    %get3A_51 = arith.constant 0 : index
    %get3A_52 = vector.load %arg5[%get3A_50, %get3A_51] : memref<1000x128xf32, #tpu.memory_space<vmem>>, vector<1000x64xf32>
    %concatenate3A_53 = tpu.concatenate %get3A_49, %get3A_52 in 1 : vector<1000x128xf32>, vector<1000x64xf32> -> vector<1000x192xf32>
    %mul3A = arith.mulf %dot_general3A_29, %concatenate3A_53 : vector<1000x192xf32>
    %add3A_54 = arith.addf %concatenate3A, %mul3A : vector<1000x192xf32>
    %add3A_55 = arith.addf %dot_general3A_34, %dot_general3A_29 : vector<1000x192xf32>
    %add3A_56 = arith.constant 1.000000e-16 : f32
    %add3A_57 = vector.broadcast %add3A_56 : f32 to vector<1000x192xf32>
    %add3A_58 = arith.addf %add3A_55, %add3A_57 : vector<1000x192xf32>
    %div3A = arith.divf %add3A_54, %add3A_58 : vector<1000x192xf32>
    %get3A_59 = arith.constant 0 : index
    %get3A_60 = arith.constant 0 : index
    %get3A_61 = vector.load %arg7[%get3A_59, %get3A_60] : memref<1x192xf32, #tpu.memory_space<vmem>>, vector<1x192xf32>
    %add3A_62 = vector.broadcast %get3A_61 : vector<1x192xf32> to vector<1000x192xf32>
    %add3A_63 = arith.addf %div3A, %add3A_62 : vector<1000x192xf32>
    %gt3A_64 = arith.constant 0.000000e+00 : f32
    %gt3A_65 = vector.broadcast %gt3A_64 : f32 to vector<1000x192xf32>
    %gt3A_66 = arith.cmpf ogt, %add3A_63, %gt3A_65 : vector<1000x192xf32>
    %mul3A_67 = arith.constant 0.00999999977 : f32
    %mul3A_68 = vector.broadcast %mul3A_67 : f32 to vector<1000x192xf32>
    %mul3A_69 = arith.mulf %add3A_63, %mul3A_68 : vector<1000x192xf32>
    %select_n3A_70 = arith.select %gt3A_66, %add3A_63, %mul3A_69 : vector<1000x192xi1>, vector<1000x192xf32>
    %swap3A = arith.constant 0 : index
    %swap3A_71 = arith.constant 0 : index
    %swap3A_72 = vector.load %arg11[%swap3A, %swap3A_71] : memref<1000x192xf32, #tpu.memory_space<vmem>>, vector<1000x192xf32>
    tpu.vector_store %arg11[%swap3A, %swap3A_71], %select_n3A_70 {strides = array<i32>} : memref<1000x192xf32, #tpu.memory_space<vmem>>, vector<1000x192xf32>,
    %get3A_73 = arith.constant 0 : index
    %get3A_74 = arith.constant 0 : index
    %get3A_75 = vector.load %arg9[%get3A_73, %get3A_74] : memref<192x32xf32, #tpu.memory_space<vmem>>, vector<192x32xf32>
    %dot_general3A_76 = arith.constant dense<0.000000e+00> : vector<1000x32xf32>
    %dot_general3A_77 = tpu.matmul %select_n3A_70, %get3A_75, %dot_general3A_76 {dimension_numbers = #tpu.dot_dimension_numbers<[1], [0], [0], [1], [0, 0, 1, 1], [], []>, transpose_lhs_hint = false} : vector<1000x192xf32>, vector<192x32xf32>, vector<1000x32xf32> -> vector<1000x32xf32>
    %mul3A_78 = vector.broadcast %select_n3A_22 : vector<1000x1xf32> to vector<1000x32xf32>
    %mul3A_79 = arith.mulf %dot_general3A_77, %mul3A_78 : vector<1000x32xf32>
    %get3A_80 = arith.constant 0 : index
    %get3A_81 = arith.constant 0 : index
    %get3A_82 = vector.load %arg6[%get3A_80, %get3A_81] : memref<1000x64xf32, #tpu.memory_space<vmem>>, vector<1000x64xf32>
    %mul3A_83 = vector.broadcast %rsqrt3A : vector<1000x1xf32> to vector<1000x64xf32>
    %mul3A_84 = arith.mulf %get3A_82, %mul3A_83 : vector<1000x64xf32>
    %broadcast_in_dim3A_85 = arith.constant 0.000000e+00 : f32
    %broadcast_in_dim3A_86 = vector.broadcast %broadcast_in_dim3A_85 : f32 to vector<1000x32xf32>
    %concatenate3A_87 = tpu.concatenate %mul3A_84, %mul3A_79, %broadcast_in_dim3A_86 in 1 : vector<1000x64xf32>, vector<1000x32xf32>, vector<1000x32xf32> -> vector<1000x128xf32>
    %swap3A_88 = arith.constant 0 : index
    %swap3A_89 = arith.constant 0 : index
    %swap3A_90 = vector.load %arg12[%swap3A_88, %swap3A_89] : memref<1000x128xf32, #tpu.memory_space<vmem>>, vector<1000x128xf32>
    tpu.vector_store %arg12[%swap3A_88, %swap3A_89], %concatenate3A_87 {strides = array<i32>} : memref<1000x128xf32, #tpu.memory_space<vmem>>, vector<1000x128xf32>,
    %get3A_91 = arith.constant 0 : index
    %get3A_92 = arith.constant 0 : index
    %get3A_93 = vector.load %arg10[%get3A_91, %get3A_92] : memref<192x32xf32, #tpu.memory_space<vmem>>, vector<192x32xf32>
    %dot_general3A_94 = arith.constant dense<0.000000e+00> : vector<1000x32xf32>
    %dot_general3A_95 = tpu.matmul %select_n3A_70, %get3A_93, %dot_general3A_94 {dimension_numbers = #tpu.dot_dimension_numbers<[1], [0], [0], [1], [0, 0, 1, 1], [], []>, transpose_lhs_hint = false} : vector<1000x192xf32>, vector<192x32xf32>, vector<1000x32xf32> -> vector<1000x32xf32>
    %swap3A_96 = arith.constant 0 : index
    %swap3A_97 = arith.constant 0 : index
    %swap3A_98 = vector.load %arg13[%swap3A_96, %swap3A_97] : memref<1000x32xf32, #tpu.memory_space<vmem>>, vector<1000x32xf32>
    tpu.vector_store %arg13[%swap3A_96, %swap3A_97], %dot_general3A_95 {strides = array<i32>} : memref<1000x32xf32, #tpu.memory_space<vmem>>, vector<1000x32xf32>,
    %broadcast_in_dim3A_99 = arith.constant 0.000000e+00 : f32
    %broadcast_in_dim3A_100 = vector.broadcast %broadcast_in_dim3A_99 : f32 to vector<1000x6xf32>
    %concatenate3A_101 = tpu.concatenate %rsqrt3A, %select_n3A_22, %broadcast_in_dim3A_100 in 1 : vector<1000x1xf32>, vector<1000x1xf32>, vector<1000x6xf32> -> vector<1000x8xf32>
    %swap3A_102 = arith.constant 0 : index
    %swap3A_103 = arith.constant 0 : index
    %swap3A_104 = vector.load %arg14[%swap3A_102, %swap3A_103] : memref<1000x8xf32, #tpu.memory_space<vmem>>, vector<1000x8xf32>
    tpu.vector_store %arg14[%swap3A_102, %swap3A_103], %concatenate3A_101 {strides = array<i32>} : memref<1000x8xf32, #tpu.memory_space<vmem>>, vector<1000x8xf32>,
    return
  }
  func.func @transform_0(%arg0: i32) -> (i32, i32, i32) {
    %c0_i32 = arith.constant 0 : i32
    %c0_i32_0 = arith.constant 0 : i32
    %c0_i32_1 = arith.constant 0 : i32
    return %c0_i32, %arg0, %c0_i32_0 : i32, i32, i32
  }
  func.func @transform_1(%arg0: i32) -> (i32, i32, i32) {
    %c0_i32 = arith.constant 0 : i32
    %c0_i32_0 = arith.constant 0 : i32
    %c0_i32_1 = arith.constant 0 : i32
    return %c0_i32, %arg0, %c0_i32_0 : i32, i32, i32
  }
  func.func @transform_2(%arg0: i32) -> (i32, i32) {
    %c0_i32 = arith.constant 0 : i32
    %c0_i32_0 = arith.constant 0 : i32
    return %arg0, %c0_i32 : i32, i32
  }
  func.func @transform_3(%arg0: i32) -> (i32, i32) {
    %c0_i32 = arith.constant 0 : i32
    %c0_i32_0 = arith.constant 0 : i32
    return %arg0, %c0_i32 : i32, i32
  }
  func.func @transform_4(%arg0: i32) -> (i32, i32) {
    %c0_i32 = arith.constant 0 : i32
    %c0_i32_0 = arith.constant 0 : i32
    return %arg0, %c0_i32 : i32, i32
  }
  func.func @transform_5(%arg0: i32) -> (i32, i32) {
    %c0_i32 = arith.constant 0 : i32
    %c0_i32_0 = arith.constant 0 : i32
    return %arg0, %c0_i32 : i32, i32
  }
  func.func @transform_6(%arg0: i32) -> (i32, i32) {
    %c0_i32 = arith.constant 0 : i32
    %c0_i32_0 = arith.constant 0 : i32
    %c0_i32_1 = arith.constant 0 : i32
    return %c0_i32, %c0_i32_0 : i32, i32
  }
  func.func @transform_7(%arg0: i32) -> (i32, i32) {
    %c0_i32 = arith.constant 0 : i32
    %c0_i32_0 = arith.constant 0 : i32
    %c0_i32_1 = arith.constant 0 : i32
    return %c0_i32, %c0_i32_0 : i32, i32
  }
  func.func @transform_8(%arg0: i32) -> (i32, i32) {
    %c0_i32 = arith.constant 0 : i32
    %c0_i32_0 = arith.constant 0 : i32
    %c0_i32_1 = arith.constant 0 : i32
    return %c0_i32, %c0_i32_0 : i32, i32
  }
  func.func @transform_9(%arg0: i32) -> (i32, i32) {
    %c0_i32 = arith.constant 0 : i32
    %c0_i32_0 = arith.constant 0 : i32
    %c0_i32_1 = arith.constant 0 : i32
    return %c0_i32, %c0_i32_0 : i32, i32
  }
  func.func @transform_10(%arg0: i32) -> (i32, i32) {
    %c0_i32 = arith.constant 0 : i32
    %c0_i32_0 = arith.constant 0 : i32
    return %arg0, %c0_i32 : i32, i32
  }
  func.func @transform_11(%arg0: i32) -> (i32, i32) {
    %c0_i32 = arith.constant 0 : i32
    %c0_i32_0 = arith.constant 0 : i32
    return %arg0, %c0_i32 : i32, i32
  }
  func.func @transform_12(%arg0: i32) -> (i32, i32) {
    %c0_i32 = arith.constant 0 : i32
    %c0_i32_0 = arith.constant 0 : i32
    return %arg0, %c0_i32 : i32, i32
  }
  func.func @transform_13(%arg0: i32) -> (i32, i32) {
    %c0_i32 = arith.constant 0 : i32
    %c0_i32_0 = arith.constant 0 : i32
    return %arg0, %c0_i32 : i32, i32
  }
}

</mosaic_0001>

<sc_bundles>
// kernel: kernel.12.cloned.1.call-start
scs
__scs_entry_jumppad:
0x0: {  	(pc) =	sbr.rel $0x88, $3  }
0x1: {  	(tag) =	ssettag $0x0;
	lr =	simm.s32 $0x1  }
0x2: {  	[smem:$0x3F91] =	sst lr;
	_ =	strace $0xD0000000  }
0x3: {  	_ = 	snop  }
0x4: {  	_ = 	snop  }
0x5: {  	_ = 	snop  }
0x6: {  	_ = 	snop  }
0x7: {  	_ = 	snop  }
__scs_overlays_trampoline_lowered:
0x8: {  	[smem:$0x3FA0] =	sst s0  }
0x9: {  	[smem:$0x3FA1] =	sst s1  }
0xa: {  	[smem:$0x3FA2] =	sst s2  }
0xb: {  	[smem:$0x3FA3] =	sst s3  }
0xc: {  	[smem:$0x3FA4] =	sst s4  }
0xd: {  	[smem:$0x3FA5] =	sst s5  }
0xe: {  	[smem:$0x3FA6] =	sst s6  }
0xf: {  	[smem:$0x3FA7] =	sst s7  }
0x10: {  	[smem:$0x3FA8] =	sst s8  }
0x11: {  	[smem:$0x3FA9] =	sst s9;
	s0 =	simm.s32 @!p0 $0x0  }
0x12: {  	s1 =	sld [smem:$0x3F8F];
	s0 =	simm.s32 @p0 $0x1  }
0x13: {  	[smem:$0x3FAA] =	sst s0;
	s0 =	simm.s32 @!p1 $0x0  }
0x14: {  	s2 =	sld [smem:$0x3F8E];
	s0 =	simm.s32 @p1 $0x1  }
0x15: {  	[smem:$0x3FAB] =	sst s0;
	s0 =	simm.s32 @!p2 $0x0  }
0x16: {  	s3 =	sld [smem:$0x3FDB];
	s0 =	simm.s32 @p2 $0x1  }
0x17: {  	s4 =	simm.s32 $0x1BF5;
	[smem:$0x3FAD] =	sst s0  }
0x18: {  	s0 =	sld [smem:$0x3F90];
	_ =	swait.ge [sflag:s4], $0x0  }
0x19: {  	s7 =	sld [smem:$0x3F91]  }
0x1a: {  	s8 =	sadd.s32 $0xFFFFE003, lr  }
0x1b: {  	s9 =	sadd.s32 $0xFFFFFEF7, lr;
	s5 =	simm.s32 $0xFFFFFFFF;
	p2 =	slt.u32 s8, $0xFFFFF086  }
0x1c: {  	p1 =	slt.u32 s9, $0xF7A;
	s5 =	simm.s32 @!p2 $0x0  }
0x1d: {  	s5 =	simm.s32 @p1 $0x1;
	p0 =	seq.s32 s7, s2  }
0x1e: {  	s7 =	smul.u32 @!p0 $0xF7A, s2;
	p2 =	seq.s32 @!p0 s5, $0x0  }
0x1f: {  	s9 =	smul.u32 $0xF7A, s1;
	s8 =	simm.s32 @!p0 $0x1BF5;
	p2 =	por !p2, p0  }
0x20: {  	[sflag:s8] =	ssyncset.s32 @!p0 $0xFFFFF086;
	s6 =	sadd.s32 @!p0 s3, s7;
	s7 =	simm.s32 @!p0 $0x108  }
0x21: {  	s3 =	sadd.s32 s3, s9;
	s6 =	sadd.s32 @!p0 $0x88, s6;
	s7 =	simm.s32 @p2 $0x1082  }
0x22: {  	[simem:s7], [sflag:s8] =	dma.local @!p0 [hbm:s6], $0xF7A  }
0x23: {  	s9 =	sor.u32 $0xD0000000, s2;
	s6 =	simm.s32 $0x108;
	_ =	swait.ge @!p0 [sflag:s8], $0x0  }
0x24: {  	s3 =	sadd.s32 $0x88, s3;
	s6 =	simm.s32 @!p1 $0x1082;
	[sflag:s4] =	ssyncset.s32 $0xFFFFF086  }
0x25: {  	[simem:s6], [sflag:s4] =	dma.local [hbm:s3], $0xF7A  }
0x26: {  	[smem:$0x3F91] =	sst s1;
	(tag) =	ssettag s2;
	_ =	strace s9  }
0x27: {  	s1 =	sld [smem:$0x3FA1]  }
0x28: {  	s2 =	sld [smem:$0x3FA2]  }
0x29: {  	s4 =	sld [smem:$0x3FA4]  }
0x2a: {  	p0 =	seq.s32 s5, $0x0;
	s5 =	sld [smem:$0x3FA5]  }
0x2b: {  	s6 =	sld [smem:$0x3FA6]  }
0x2c: {  	s7 =	sld [smem:$0x3FA7]  }
0x2d: {  	s3 =	simm.s32 $0x108;
	s8 =	sld [smem:$0x3FA8]  }
0x2e: {  	s3 =	simm.s32 @!p0 $0x1082;
	s9 =	sld [smem:$0x3FA9]  }
0x2f: {  	lr =	sadd.s32 s0, s3;
	s0 =	sld [smem:$0x3FA0]  }
0x30: {  	s3 =	sld [smem:$0x3FA3]  }
0x31: {  	[smem:$0x3FAC] =	sst s10  }
0x32: {  	s10 =	sld [smem:$0x3FAA];
	_ =	sdelay $0x3  }
0x33: {  	p0 =	seq.s32 s10, $0x1;
	s10 =	sld [smem:$0x3FAC];
	_ =	sdelay $0x3  }
0x34: {  	[smem:$0x3FAC] =	sst s10  }
0x35: {  	s10 =	sld [smem:$0x3FAB];
	_ =	sdelay $0x3  }
0x36: {  	p1 =	seq.s32 s10, $0x1;
	s10 =	sld [smem:$0x3FAC];
	_ =	sdelay $0x3  }
0x37: {  	[smem:$0x3FAC] =	sst s10  }
0x38: {  	s10 =	sld [smem:$0x3FAD]  }
0x39: {  	_ = 	snop;
	(pc) =	sbr.ind lr, $3  }
0x3a: {  	_ = 	snop  }
0x3b: {  	_ = 	snop  }
0x3c: {  	p2 =	seq.s32 s10, $0x1;
	s10 =	sld [smem:$0x3FAC]  }
0x3d: {  	_ =	shalt  }
0x3e: {  	_ =	shalt  }
0x3f: {  	_ =	shalt  }
0x40: {  	_ =	shalt  }
0x41: {  	_ =	shalt  }
0x42: {  	_ =	shalt  }
0x43: {  	_ =	shalt  }
0x44: {  	_ =	shalt  }
0x45: {  	_ =	shalt  }
0x46: {  	_ =	shalt  }
0x47: {  	_ =	shalt  }
0x48: {  	_ =	shalt  }
0x49: {  	_ =	shalt  }
0x4a: {  	_ =	shalt  }
0x4b: {  	_ =	shalt  }
0x4c: {  	_ =	shalt  }
0x4d: {  	_ =	shalt  }
0x4e: {  	_ =	shalt  }
0x4f: {  	_ =	shalt  }
0x50: {  	_ =	shalt  }
0x51: {  	_ =	shalt  }
0x52: {  	_ =	shalt  }
0x53: {  	_ =	shalt  }
0x54: {  	_ =	shalt  }
0x55: {  	_ =	shalt  }
0x56: {  	_ =	shalt  }
0x57: {  	_ =	shalt  }
0x58: {  	_ =	shalt  }
0x59: {  	_ =	shalt  }
0x5a: {  	_ =	shalt  }
0x5b: {  	_ =	shalt  }
0x5c: {  	_ =	shalt  }
0x5d: {  	_ =	shalt  }
0x5e: {  	_ =	shalt  }
0x5f: {  	_ =	shalt  }
0x60: {  	_ =	shalt  }
0x61: {  	_ =	shalt  }
0x62: {  	_ =	shalt  }
0x63: {  	_ =	shalt  }
0x64: {  	_ =	shalt  }
0x65: {  	_ =	shalt  }
0x66: {  	_ =	shalt  }
0x67: {  	_ =	shalt  }
0x68: {  	_ =	shalt  }
0x69: {  	_ =	shalt  }
0x6a: {  	_ =	shalt  }
0x6b: {  	_ =	shalt  }
0x6c: {  	_ =	shalt  }
0x6d: {  	_ =	shalt  }
0x6e: {  	_ =	shalt  }
0x6f: {  	_ =	shalt  }
0x70: {  	_ =	shalt  }
0x71: {  	_ =	shalt  }
0x72: {  	_ =	shalt  }
0x73: {  	_ =	shalt  }
0x74: {  	_ =	shalt  }
0x75: {  	_ =	shalt  }
0x76: {  	_ =	shalt  }
0x77: {  	_ =	shalt  }
0x78: {  	_ =	shalt  }
0x79: {  	_ =	shalt  }
0x7a: {  	_ =	shalt  }
0x7b: {  	_ =	shalt  }
0x7c: {  	_ =	shalt  }
0x7d: {  	_ =	shalt  }
0x7e: {  	_ =	shalt  }
0x7f: {  	_ =	shalt  }
0x80: {  	_ =	shalt  }
0x81: {  	_ =	shalt  }
0x82: {  	_ =	shalt  }
0x83: {  	_ =	shalt  }
0x84: {  	_ =	shalt  }
0x85: {  	_ =	shalt  }
0x86: {  	_ =	shalt  }
0x87: {  	_ =	shalt  }
.Lfunc_end0:
.L_simem_size_0:
called_computation.1_lowered:
.L_overlay_start_0:
0x88: {  	s2 =	sld [smem:$0x3FD9]  }
0x89: {  	s3 =	sld [smem:$0x3FFE];
	_ =	sdelay $0x1  }
0x8a: {  	s1 =	srdreg.scid  }
0x8b: {  	s0 =	sand.u32 $0x1, s1  }
0x8c: {  	s17 =	sshll.u32 s0, $0xA;
	s2 =	sadd.s32 s3, s2  }
0x8d: {  	s2 =	sadd.s32 s2, s17  }
0x8e: {  	[smem:$0x3FB8] =	sst s2  }
0x8f: {  	_ = 	snop  }
0x90: {  	s18 =	sld [smem:$0x3FD0];
	(tm) =	ssettm $0x1  }
0x91: {  	s19 =	sld [smem:$0x3FFB];
	_ =	sdelay $0x3  }
0x92: {  	_ =	strace s19  }
0x93: {  	s2 =	sld [smem:$0x3FFC];
	_ =	sdelay $0x3  }
0x94: {  	_ =	strace s2  }
0x95: {  	s2 =	sld [smem:$0x3FFD];
	_ =	sdelay $0x3  }
0x96: {  	_ =	strace s2  }
0x97: {  	_ =	strace $0x8FFFFFFF  }
0x98: {  	s20 =	sld [smem:$0x3FDB];
	_ =	sdelay $0x1  }
0x99: {  	s4 =	simm.s32 $_scs_section_size  }
0x9a: {  	s5 =	simm.s32 $_size__tile_overlayer_lowered;
	s6 =	simm.s32 $_tile_overlayer_lowered  }
0x9b: {  	s7 =	simm.s32 $0x1BFF;
	s21 =	sshll.u32 s6, $0x1;
	s4 =	sadd.s32 s4, s20  }
0x9c: {  	s22 =	simm.s32 $0x0;
	s5 =	sshll.u32 s5, $0x1;
	s6 =	sadd.s32 s21, s4  }
0x9d: {  	[timem:s22], [sflag:s7] =	dma.local [hbm:s6], s5  }
0x9e: {  	_ =	swait.ge [sflag:s7], s5  }
0x9f: {  	s5 =	ssub.s32 $0x0, s5;
	[sflag:s7] =	ssyncset.done $0x0  }
0xa0: {  	[sflag:s7] =	ssyncadd.s32 s5;
	_ =	sdelay $0x1  }
0xa1: {  	s23 =	simm.s32 $0x1B8B  }
0xa2: {  	_ =	swait.ge [sflag:s23], $0x1  }
0xa3: {  	[sflag:s23] =	ssyncset.done $0x0  }
0xa4: {  	[sflag:s23] =	ssyncadd.s32 $0xFFFFFFFF  }
0xa5: {  	s5 =	sld [smem:$0x0]  }
0xa6: {  	s6 =	sand.u32 $0xFFFFFFFE, s1  }
0xa7: {  	p0 =	sne.s32 s1, s6  }
0xa8: {  	s6 =	sshll.u32 @p0 s6, $0xE  }
0xa9: {  	s6 =	sadd.s32 @p0 $0x11B8D, s6;
	s7 =	sshll.u32 @p0 s5, $0x11  }
0xaa: {  	s6 =	sor.u32 @p0 s7, s6  }
0xab: {  	[sflag:s6] =	ssyncadd.remote.s32 @p0 $0x1;
	_ =	sdelay $0x1  }
0xac: {  	s6 =	simm.s32 @p0 $0x1B8D  }
0xad: {  	_ =	swait.eq @p0 [sflag:s6], $0x1  }
0xae: {  	[sflag:s6] =	ssyncadd.s32 @p0 $0xFFFFFFFF  }
0xaf: {  	s7 =	sshll.u32 @!p0 s1, $0xE  }
0xb0: {  	s7 =	sor.u32 @!p0 $0x4000, s7;
	s6 =	simm.s32 @!p0 $0x1B8D  }
0xb1: {  	s5 =	sshll.u32 @!p0 s5, $0x11;
	s7 =	sadd.s32 @!p0 $0x11B8D, s7;
	_ =	swait.eq @!p0 [sflag:s6], $0x1  }
0xb2: {  	s5 =	sor.u32 @!p0 s5, s7;
	[sflag:s6] =	ssyncadd.s32 @!p0 $0xFFFFFFFF  }
0xb3: {  	s25 =	simm.s32 $0x1B8E;
	s24 =	sld [smem:$0x3FFE];
	[sflag:s5] =	ssyncadd.remote.s32 @!p0 $0x1  }
0xb4: {  	s26 =	simm.s32 $execute0_lowered;
	[smem:$0x3FD2] =	sst s25  }
0xb5: {  	s6 =	sshll.u32 s26, $0x1;
	_ =	strace $0x8000004C;
	[dreg:$0x1] =	wrdreg $0xFFFFFFFF  }
0xb6: {  	s28 =	simm.s32 $_size_execute0_lowered;
	s4 =	sadd.s32 s4, s6;
	[dreg:$0x0] =	wrdreg $0x0  }
0xb7: {  	s6 =	sshll.u32 s28, $0x1;
	[dreg:$0x2] =	wrdreg s4  }
0xb8: {  	[dreg:$0x3] =	wrdreg s6  }
0xb9: {  	[dreg:$0x4] =	wrdreg $0xC0  }
0xba: {  	_ =	task [dreg:s22], $0x5FFFF  }
0xbb: {  	[dreg:$0x1] =	wrdreg $0xFFFFFFFF  }
0xbc: {  	[dreg:$0x0] =	wrdreg $0x60  }
0xbd: {  	[dreg:$0x2] =	wrdreg s24  }
0xbe: {  	[dreg:$0x3] =	wrdreg s18  }
0xbf: {  	[dreg:$0x4] =	wrdreg $0x79000  }
0xc0: {  	[dreg:$0x5] =	wrdreg $0x9  }
0xc1: {  	_ =	task.clear_ibuf [dreg:s22], $0x6FFFF;
	_ =	strace $0x9000004C  }
0xc2: {  	s29 =	simm.s32 $0x9;
	_ =	strace $0x8000004E  }
0xc3: {  	_ =	swait.ge [sflag:s29], $0x1  }
0xc4: {  	[sflag:s29] =	ssyncadd.s32 $0xFFFFFFFF  }
0xc5: {  	_ =	strace $0x9000004E  }
0xc6: {  	_ =	sfence  }
0xc7: {  	s30 =	sld [smem:$0x0];
	_ =	sdelay $0x2  }
0xc8: {  	s31 =	sshll.u32 s1, $0xD;
	s1 =	sshrl.u32 s1, $0x2  }
0xc9: {  	s4 =	sand.u32 $0x4000, s31;
	s1 =	sadd.s32 s1, s30  }
0xca: {  	s0 =	sor.u32 s4, s0;
	s1 =	sshll.u32 s1, $0x11  }
0xcb: {  	s0 =	sor.u32 s1, s0  }
0xcc: {  	s0 =	sadd.s32 $0x8F2B, s0  }
0xcd: {  	[sflag:s0] =	ssyncadd.remote.s32 $0x1  }
0xce: {  	_ =	sfence.sel $0xFFFF  }
0xcf: {  	[dreg:$0x0] =	wrdreg $0xFFFFFFFF;
	(pc) =	sbr.abs _section_cstart, $3  }
0xd0: {  	[dreg:$0x1] =	wrdreg $0xFFFFFFFF  }
0xd1: {  	_ =	task.clear_ibuf [dreg:s22], $0x2FFFF;
	_ =	strace $0x9FFFFFFF  }
0xd2: {  	(tm) =	ssettm $0x7FFFFFFF  }
0xd3: {  	_ =	shalt  }
tec
execute0_lowered:
.L_overlay_start_1:
0x0: {  	(tag) =	ssettag $0x1  }
0x1: {  	s8 =	rddreg [dreg:$0x0]  }
0x2: {  	s11 =	rddreg [dreg:$0x1]  }
0x3: {  	s1 =	rddreg [dreg:$0x2]  }
0x4: {  	s0 =	rddreg [dreg:$0x3]  }
0x5: {  	s3 =	simm.s32 $0x0;
	s2 =	stileid.u32;
	s10 =	srdreg.scid  }
0x6: {  	s16 =	simm.s32 $0x100;
	s17 =	simm.s32 $0x50;
	s18 =	simm.s32 $0x2900  }
0x7: {  	s19 =	simm.s32 $0x1;
	s20 =	simm.s32 $0x5100;
	s25 =	simm.s32 $0x0  }
0x8: {  	[smem:$0x7FF] =	sst s3;
	s4 =	sadd.s32 $0xD600, s8;
	s5 =	sadd.s32 $0x3800, s8  }
0x9: {  	s9 =	smul.u32 $0x13C00, s2;
	s6 =	sadd.s32 $0xB3C00, s8;
	s7 =	sadd.s32 $0x3E600, s8  }
0xa: {  	s10 =	sand.u32 $0x1, s10;
	s14 =	smul.u32 $0x4F000, s2;
	s31 =	sshll.u32 s2, $0x6  }
0xb: {  	_ =	strace $0x8000004D;
	s13 =	ssub.s32 $0x2, s10;
	s15 =	smul.u32 $0x13C000, s10  }
0xc: {  	s10 =	sshll.u32 s10, $0x4;
	s12 =	sshrl.u32 s9, $0x3;
	s29 =	sshrl.u32 s13, $0x1  }
0xd: {  	s30 =	sshrl.u32 s14, $0x2;
	s10 =	sor.u32 s2, s10;
	s14 =	simm.s32 $0x2  }
0xe: {  	s8 =	sadd.s32 s12, s8;
	s12 =	ssub.s32 s13, s29;
	s13 =	sadd.s32 s30, s1  }
0xf: {  	s9 =	sadd.s32 s9, s15;
	s10 =	smul.u32 $0x2710, s10;
	s8 =	sadd.s32 $0x595C00, s8  }
0x10: {  	v0 =	vimm.s32 $0x0;
	s15 =	sshrl.u32 s9, $0x3;
	s9 =	sor.u32 $0x1C02, s31;
	s12 =	smax.u32 s12, $0x1  }
0x11: {  	v1 =	vimm.s32 $0x1;
	v2 =	vimm.s32 $0x2;
	v3 =	vimm.s32 $0x3;
	s13 =	sshrl.u32 s13, $0x3;
	s11 =	sadd.s32 s11, s15;
	s15 =	simm.s32 $0x80  }
.LBB2_1:
0x12: {  	[spmem:s13], [sflag:s9] =	dma.local [hbm:s8], $0x2780  }
0x13: {  	_ =	swait.ge [sflag:s14], $0x2780  }
0x14: {  	[sflag:s14] =	ssyncset.done $0x0  }
0x15: {  	[sflag:s14] =	ssyncadd.s32 $0xFFFFD880  }
0x16: {  	s21 =	simm.s32 $0x0;
	[bflag:$0x0] =	sbarrier.arrive $0xFFFF  }
.LBB2_2:
0x17: {  	s22 =	smul.u32 $0x50, s21;
	_ =	sdelay $0x1  }
0x18: {  	s22 =	sadd.s32 s10, s22  }
0x19: {  	s23 =	sshrl.u32 s22, $0x3  }
0x1a: {  	s24 =	sadd.s32 s4, s23  }
0x1b: {  	[tilespmem:s25], [sflag:$0x2] =	stream.linear.gather [hbm4b:s24+s25], $0x50, $0x38;
	[tilespmem:$0x1B500] =	vst v63  }
0x1c: {  	_ =	swait.ge [sflag:s14], $0x50  }
0x1d: {  	[sflag:s14] =	ssyncset.done $0x0  }
0x1e: {  	s23 =	sadd.s32 s5, s23;
	[sflag:s14] =	ssyncadd.s32 $0xFFFFFFB0  }
0x1f: {  	[tilespmem:s15], [sflag:$0x2] =	stream.linear.gather [hbm4b:s23+s25], $0x50, $0x38;
	[tilespmem:$0x1B500] =	vst v63  }
0x20: {  	_ =	swait.ge [sflag:s14], $0x50  }
0x21: {  	s22 =	sshll.u32 s22, $0x4;
	[sflag:s14] =	ssyncset.done $0x0  }
0x22: {  	s22 =	sadd.s32 s6, s22;
	[sflag:s14] =	ssyncadd.s32 $0xFFFFFFB0  }
0x23: {  	[tilespmem:s16], [sflag:$0x2] =	stream.linear.gather [hbm4b:s22+s25], $0x2800, $0x38;
	[tilespmem:$0x1B500] =	vst v63  }
0x24: {  	_ =	swait.ge [sflag:s14], $0x2800  }
0x25: {  	[sflag:s14] =	ssyncset.done $0x0  }
0x26: {  	[sflag:s14] =	ssyncadd.s32 $0xFFFFD800  }
0x27: {  	[tilespmem:s18], [sflag:$0x1] =	stream.indirect.gather [hbm4b:s7+s17], $0x80, s25, s17, $0xb8;
	[tilespmem:$0x1B500] =	vst v63  }
0x28: {  	_ =	swait.ge [sflag:s19], $0x2800  }
0x29: {  	[sflag:s19] =	ssyncset.done $0x0  }
0x2a: {  	s23 =	simm.s32 $0x0;
	[sflag:s19] =	ssyncadd.s32 $0xFFFFD800  }
0x2b: {  	v5 =	vld [tilespmem:s23+$0x100]  }
0x2c: {  	v9 =	vld [tilespmem:s23+$0x2900]  }
0x2d: {  	v11 =	vld [tilespmem:s23+$0x2970]  }
0x2e: {  	v13 =	vld [tilespmem:s23+$0x2910]  }
0x2f: {  	v7 =	vld [tilespmem:s23+$0x2920]  }
0x30: {  	v6 =	vld [tilespmem:s23+$0x2930];
	v15 =	vperm.xlane v5, v0;
	v4 =	vperm.xlane v5, v3  }
0x31: {  	v8 =	vld [tilespmem:s23+$0x2940];
	v10 =	vperm.xlane v5, v1  }
0x32: {  	v12 =	vmul.f32 v9, v15;
	v9 =	vld [tilespmem:s23+$0x2950];
	v14 =	vmul.f32 v11, v4  }
0x33: {  	s24 =	simm.s32 $0x400;
	s22 =	simm.s32 $0x80;
	v5 =	vperm.xlane v5, v2;
	v13 =	vmul.f32 v13, v15;
	v11 =	vld [tilespmem:s23+$0x2960]  }
.LBB2_3:
0x34: {  	p0 =	sne.s32 s24, $0x9E00;
	v15 =	vld [tilespmem:s22+$0x100];
	v7 =	vmul.f32 v7, v10;
	[tilespmem:s23+$0x5170] =	vst v14  }
0x35: {  	v14 =	vld [tilespmem:s22+$0x2900];
	[tilespmem:s23+$0x5100] =	vst v12;
	v6 =	vmul.f32 v6, v10  }
0x36: {  	v16 =	vld [tilespmem:s22+$0x2970];
	[tilespmem:s23+$0x5110] =	vst v13;
	v8 =	vmul.f32 v8, v5  }
0x37: {  	v13 =	vld [tilespmem:s22+$0x2910];
	[tilespmem:s23+$0x5120] =	vst v7;
	v9 =	vmul.f32 v9, v5  }
.Ltmp0:
0x38: {  	v7 =	vld [tilespmem:s22+$0x2920];
	[tilespmem:s23+$0x5130] =	vst v6;
	v11 =	vmul.f32 v11, v4;
	(pc) =	sbr.rel @p0 .LBB2_3-.Ltmp0, $4  }
0x39: {  	v17 =	vperm.xlane v15, v0;
	v6 =	vld [tilespmem:s22+$0x2930];
	v4 =	vperm.xlane v15, v3;
	[tilespmem:s23+$0x5140] =	vst v8  }
0x3a: {  	v10 =	vperm.xlane v15, v1;
	v5 =	vperm.xlane v15, v2;
	v8 =	vld [tilespmem:s22+$0x2940];
	[tilespmem:s23+$0x5150] =	vst v9  }
0x3b: {  	v12 =	vmul.f32 v14, v17;
	v9 =	vld [tilespmem:s22+$0x2950];
	v14 =	vmul.f32 v16, v4;
	[tilespmem:s23+$0x5160] =	vst v11;
	s23 =	smov.u32 s22  }
0x3c: {  	s22 =	sshra.s32 s24, $0x2;
	s24 =	sadd.s32 $0x200, s24;
	v13 =	vmul.f32 v13, v17;
	v11 =	vld [tilespmem:s23+$0x2960]  }
0x3d: {  	v15 =	vld [tilespmem:s22+$0x100];
	[tilespmem:s23+$0x5170] =	vst v14  }
0x3e: {  	v7 =	vmul.f32 v7, v10;
	v14 =	vld [tilespmem:s22+$0x2900];
	[tilespmem:s23+$0x5100] =	vst v12  }
0x3f: {  	v6 =	vmul.f32 v6, v10;
	v12 =	vld [tilespmem:s22+$0x2970];
	[tilespmem:s23+$0x5110] =	vst v13  }
0x40: {  	v8 =	vmul.f32 v8, v5;
	v13 =	vld [tilespmem:s22+$0x2910];
	[tilespmem:s23+$0x5120] =	vst v7  }
0x41: {  	v5 =	vmul.f32 v9, v5;
	v7 =	vld [tilespmem:s22+$0x2920];
	[tilespmem:s23+$0x5130] =	vst v6  }
0x42: {  	v6 =	vld [tilespmem:s22+$0x2930];
	[tilespmem:s23+$0x5140] =	vst v8;
	v57 =	vperm.xlane v15, v3  }
0x43: {  	v4 =	vmul.f32 v11, v4;
	v8 =	vld [tilespmem:s22+$0x2940];
	[tilespmem:s23+$0x5150] =	vst v5;
	v5 =	vperm.xlane v15, v0  }
0x44: {  	v59 =	vmul.f32 v12, v57  }
0x45: {  	v58 =	vld [tilespmem:s22+$0x2950];
	[tilespmem:s23+$0x5160] =	vst v4;
	v4 =	vperm.xlane v15, v1;
	v60 =	vmul.f32 v14, v5  }
0x46: {  	v61 =	vld [tilespmem:s22+$0x2960];
	v5 =	vmul.f32 v13, v5;
	[tilespmem:s22+$0x5170] =	vst v59  }
0x47: {  	v62 =	vperm.xlane v15, v2;
	v7 =	vmul.f32 v7, v4;
	[tilespmem:s22+$0x5100] =	vst v60  }
0x48: {  	v4 =	vmul.f32 v6, v4;
	[tilespmem:s22+$0x5110] =	vst v5  }
0x49: {  	v5 =	vmul.f32 v8, v62;
	[tilespmem:s22+$0x5120] =	vst v7  }
0x4a: {  	v63 =	vmul.f32 v58, v62;
	[tilespmem:s22+$0x5130] =	vst v4  }
0x4b: {  	s21 =	sadd.s32 $0x1, s21;
	v4 =	vmul.f32 v61, v57;
	[tilespmem:s22+$0x5140] =	vst v5  }
0x4c: {  	p0 =	sne.s32 s21, $0x7D;
	[tilespmem:s22+$0x5150] =	vst v63  }
.Ltmp1:
0x4d: {  	[tilespmem:s22+$0x5160] =	vst v4;
	(pc) =	sbr.rel @p0 .LBB2_2-.Ltmp1, $4  }
0x4e: {  	[spmem:s1] =	stream.indirect.scatter.add.f32 [tilespmem:s20], [sflag:$0x2], $0x80, s15, s17, $0xb8;
	[tilespmem:$0x1B500] =	vst v63  }
0x4f: {  	_ =	swait.ge [sflag:s14], $0x2800  }
0x50: {  	[sflag:s14] =	ssyncset.done $0x0  }
0x51: {  	[sflag:s14] =	ssyncadd.s32 $0xFFFFD800  }
0x52: {  	s3 =	sadd.s32 $0x1, s3  }
0x53: {  	p0 =	sne.s32 s3, s12  }
.Ltmp2:
0x54: {  	[bflag:$0x0] =	sbarrier.arrive $0xFFFF;
	(pc) =	sbr.rel @p0 .LBB2_1-.Ltmp2, $4  }
0x55: {  	[hbm:s11], [sflag:s9] =	dma.local [spmem:s13], $0x2780  }
0x56: {  	_ =	swait.ge [sflag:s14], $0x2780  }
0x57: {  	[sflag:s14] =	ssyncset.done $0x0  }
0x58: {  	[sflag:s14] =	ssyncadd.s32 $0xFFFFD880  }
0x59: {  	_ =	sfence.sel $0x180000  }
0x5a: {  	[bflag:$0x0] =	sbarrier.arrive $0xFFFF  }
0x5b: {  	p0 =	sne.s32 s2, $0x0;
	_ =	strace $0x9000004D  }
0x5c: {  	s0 =	sadd.s32 @!p0 $0x100000, s0;
	[bflag:$0x2] =	sbarrier.arrive $0xFFFF  }
0x5d: {  	[sflag:s0] =	ssyncadd.tile.s32 @!p0 $0x1;
	_ =	shalt  }
.Lfunc_end2:
_tile_overlayer_lowered:
.L_overlay_start_2:
0x5e: {  	(tag) =	ssettag $0x2  }
0x5f: {  	s0 =	rddreg [dreg:$0x0];
	s2 =	stileid.u32  }
0x60: {  	s1 =	rddreg [dreg:$0x1];
	p0 =	sne.s32 s2, $0x0  }
0x61: {  	s3 =	rddreg [dreg:$0x2];
	[bflag:$0x3] =	sbarrier.arrive $0xFFFF;
	s2 =	simm.s32 @!p0 $0x1C02  }
0x62: {  	[timem:s3], [sflag:s2] =	dma.local @!p0 [hbm:s0], s1  }
0x63: {  	s0 =	simm.s32 @!p0 $0x2  }
0x64: {  	_ =	swait.ge @!p0 [sflag:s0], s1  }
0x65: {  	s1 =	ssub.s32 @!p0 $0x0, s1;
	[sflag:s0] =	ssyncset.done @!p0 $0x0  }
0x66: {  	[sflag:s0] =	ssyncadd.s32 @!p0 s1  }
0x67: {  	[bflag:$0x3] =	sbarrier.arrive $0xFFFF  }
0x68: {  	_ =	shalt  }

// kernel: kernel.15.cloned.1.call-start
scs
__scs_entry_jumppad:
0x0: {  	(pc) =	sbr.rel $0x88, $3  }
0x1: {  	(tag) =	ssettag $0x0;
	lr =	simm.s32 $0x1  }
0x2: {  	[smem:$0x3F91] =	sst lr;
	_ =	strace $0xD0000000  }
0x3: {  	_ = 	snop  }
0x4: {  	_ = 	snop  }
0x5: {  	_ = 	snop  }
0x6: {  	_ = 	snop  }
0x7: {  	_ = 	snop  }
__scs_overlays_trampoline_lowered:
0x8: {  	[smem:$0x3FA0] =	sst s0  }
0x9: {  	[smem:$0x3FA1] =	sst s1  }
0xa: {  	[smem:$0x3FA2] =	sst s2  }
0xb: {  	[smem:$0x3FA3] =	sst s3  }
0xc: {  	[smem:$0x3FA4] =	sst s4  }
0xd: {  	[smem:$0x3FA5] =	sst s5  }
0xe: {  	[smem:$0x3FA6] =	sst s6  }
0xf: {  	[smem:$0x3FA7] =	sst s7  }
0x10: {  	[smem:$0x3FA8] =	sst s8  }
0x11: {  	[smem:$0x3FA9] =	sst s9;
	s0 =	simm.s32 @!p0 $0x0  }
0x12: {  	s1 =	sld [smem:$0x3F8F];
	s0 =	simm.s32 @p0 $0x1  }
0x13: {  	[smem:$0x3FAA] =	sst s0;
	s0 =	simm.s32 @!p1 $0x0  }
0x14: {  	s2 =	sld [smem:$0x3F8E];
	s0 =	simm.s32 @p1 $0x1  }
0x15: {  	[smem:$0x3FAB] =	sst s0;
	s0 =	simm.s32 @!p2 $0x0  }
0x16: {  	s3 =	sld [smem:$0x3FDB];
	s0 =	simm.s32 @p2 $0x1  }
0x17: {  	s4 =	simm.s32 $0x1BF5;
	[smem:$0x3FAD] =	sst s0  }
0x18: {  	s0 =	sld [smem:$0x3F90];
	_ =	swait.ge [sflag:s4], $0x0  }
0x19: {  	s7 =	sld [smem:$0x3F91]  }
0x1a: {  	s8 =	sadd.s32 $0xFFFFE003, lr  }
0x1b: {  	s9 =	sadd.s32 $0xFFFFFEF7, lr;
	s5 =	simm.s32 $0xFFFFFFFF;
	p2 =	slt.u32 s8, $0xFFFFF086  }
0x1c: {  	p1 =	slt.u32 s9, $0xF7A;
	s5 =	simm.s32 @!p2 $0x0  }
0x1d: {  	s5 =	simm.s32 @p1 $0x1;
	p0 =	seq.s32 s7, s2  }
0x1e: {  	s7 =	smul.u32 @!p0 $0xF7A, s2;
	p2 =	seq.s32 @!p0 s5, $0x0  }
0x1f: {  	s9 =	smul.u32 $0xF7A, s1;
	s8 =	simm.s32 @!p0 $0x1BF5;
	p2 =	por !p2, p0  }
0x20: {  	[sflag:s8] =	ssyncset.s32 @!p0 $0xFFFFF086;
	s6 =	sadd.s32 @!p0 s3, s7;
	s7 =	simm.s32 @!p0 $0x108  }
0x21: {  	s3 =	sadd.s32 s3, s9;
	s6 =	sadd.s32 @!p0 $0x88, s6;
	s7 =	simm.s32 @p2 $0x1082  }
0x22: {  	[simem:s7], [sflag:s8] =	dma.local @!p0 [hbm:s6], $0xF7A  }
0x23: {  	s9 =	sor.u32 $0xD0000000, s2;
	s6 =	simm.s32 $0x108;
	_ =	swait.ge @!p0 [sflag:s8], $0x0  }
0x24: {  	s3 =	sadd.s32 $0x88, s3;
	s6 =	simm.s32 @!p1 $0x1082;
	[sflag:s4] =	ssyncset.s32 $0xFFFFF086  }
0x25: {  	[simem:s6], [sflag:s4] =	dma.local [hbm:s3], $0xF7A  }
0x26: {  	[smem:$0x3F91] =	sst s1;
	(tag) =	ssettag s2;
	_ =	strace s9  }
0x27: {  	s1 =	sld [smem:$0x3FA1]  }
0x28: {  	s2 =	sld [smem:$0x3FA2]  }
0x29: {  	s4 =	sld [smem:$0x3FA4]  }
0x2a: {  	p0 =	seq.s32 s5, $0x0;
	s5 =	sld [smem:$0x3FA5]  }
0x2b: {  	s6 =	sld [smem:$0x3FA6]  }
0x2c: {  	s7 =	sld [smem:$0x3FA7]  }
0x2d: {  	s3 =	simm.s32 $0x108;
	s8 =	sld [smem:$0x3FA8]  }
0x2e: {  	s3 =	simm.s32 @!p0 $0x1082;
	s9 =	sld [smem:$0x3FA9]  }
0x2f: {  	lr =	sadd.s32 s0, s3;
	s0 =	sld [smem:$0x3FA0]  }
0x30: {  	s3 =	sld [smem:$0x3FA3]  }
0x31: {  	[smem:$0x3FAC] =	sst s10  }
0x32: {  	s10 =	sld [smem:$0x3FAA];
	_ =	sdelay $0x3  }
0x33: {  	p0 =	seq.s32 s10, $0x1;
	s10 =	sld [smem:$0x3FAC];
	_ =	sdelay $0x3  }
0x34: {  	[smem:$0x3FAC] =	sst s10  }
0x35: {  	s10 =	sld [smem:$0x3FAB];
	_ =	sdelay $0x3  }
0x36: {  	p1 =	seq.s32 s10, $0x1;
	s10 =	sld [smem:$0x3FAC];
	_ =	sdelay $0x3  }
0x37: {  	[smem:$0x3FAC] =	sst s10  }
0x38: {  	s10 =	sld [smem:$0x3FAD]  }
0x39: {  	_ = 	snop;
	(pc) =	sbr.ind lr, $3  }
0x3a: {  	_ = 	snop  }
0x3b: {  	_ = 	snop  }
0x3c: {  	p2 =	seq.s32 s10, $0x1;
	s10 =	sld [smem:$0x3FAC]  }
0x3d: {  	_ =	shalt  }
0x3e: {  	_ =	shalt  }
0x3f: {  	_ =	shalt  }
0x40: {  	_ =	shalt  }
0x41: {  	_ =	shalt  }
0x42: {  	_ =	shalt  }
0x43: {  	_ =	shalt  }
0x44: {  	_ =	shalt  }
0x45: {  	_ =	shalt  }
0x46: {  	_ =	shalt  }
0x47: {  	_ =	shalt  }
0x48: {  	_ =	shalt  }
0x49: {  	_ =	shalt  }
0x4a: {  	_ =	shalt  }
0x4b: {  	_ =	shalt  }
0x4c: {  	_ =	shalt  }
0x4d: {  	_ =	shalt  }
0x4e: {  	_ =	shalt  }
0x4f: {  	_ =	shalt  }
0x50: {  	_ =	shalt  }
0x51: {  	_ =	shalt  }
0x52: {  	_ =	shalt  }
0x53: {  	_ =	shalt  }
0x54: {  	_ =	shalt  }
0x55: {  	_ =	shalt  }
0x56: {  	_ =	shalt  }
0x57: {  	_ =	shalt  }
0x58: {  	_ =	shalt  }
0x59: {  	_ =	shalt  }
0x5a: {  	_ =	shalt  }
0x5b: {  	_ =	shalt  }
0x5c: {  	_ =	shalt  }
0x5d: {  	_ =	shalt  }
0x5e: {  	_ =	shalt  }
0x5f: {  	_ =	shalt  }
0x60: {  	_ =	shalt  }
0x61: {  	_ =	shalt  }
0x62: {  	_ =	shalt  }
0x63: {  	_ =	shalt  }
0x64: {  	_ =	shalt  }
0x65: {  	_ =	shalt  }
0x66: {  	_ =	shalt  }
0x67: {  	_ =	shalt  }
0x68: {  	_ =	shalt  }
0x69: {  	_ =	shalt  }
0x6a: {  	_ =	shalt  }
0x6b: {  	_ =	shalt  }
0x6c: {  	_ =	shalt  }
0x6d: {  	_ =	shalt  }
0x6e: {  	_ =	shalt  }
0x6f: {  	_ =	shalt  }
0x70: {  	_ =	shalt  }
0x71: {  	_ =	shalt  }
0x72: {  	_ =	shalt  }
0x73: {  	_ =	shalt  }
0x74: {  	_ =	shalt  }
0x75: {  	_ =	shalt  }
0x76: {  	_ =	shalt  }
0x77: {  	_ =	shalt  }
0x78: {  	_ =	shalt  }
0x79: {  	_ =	shalt  }
0x7a: {  	_ =	shalt  }
0x7b: {  	_ =	shalt  }
0x7c: {  	_ =	shalt  }
0x7d: {  	_ =	shalt  }
0x7e: {  	_ =	shalt  }
0x7f: {  	_ =	shalt  }
0x80: {  	_ =	shalt  }
0x81: {  	_ =	shalt  }
0x82: {  	_ =	shalt  }
0x83: {  	_ =	shalt  }
0x84: {  	_ =	shalt  }
0x85: {  	_ =	shalt  }
0x86: {  	_ =	shalt  }
0x87: {  	_ =	shalt  }
.Lfunc_end0:
.L_simem_size_0:
called_computation.2_lowered:
.L_overlay_start_0:
0x88: {  	s2 =	sld [smem:$0x3FD9]  }
0x89: {  	s3 =	sld [smem:$0x3FFE];
	_ =	sdelay $0x1  }
0x8a: {  	s1 =	srdreg.scid  }
0x8b: {  	s0 =	sand.u32 $0x1, s1  }
0x8c: {  	s17 =	sshll.u32 s0, $0xA;
	s2 =	sadd.s32 s3, s2  }
0x8d: {  	s2 =	sadd.s32 s2, s17  }
0x8e: {  	[smem:$0x3FB8] =	sst s2  }
0x8f: {  	_ = 	snop  }
0x90: {  	s2 =	sld [smem:$0x3FC7];
	(tm) =	ssettm $0x1  }
0x91: {  	s18 =	sld [smem:$0x3FFB];
	_ =	sdelay $0x3  }
0x92: {  	_ =	strace s18  }
0x93: {  	s3 =	sld [smem:$0x3FFC];
	_ =	sdelay $0x3  }
0x94: {  	_ =	strace s3  }
0x95: {  	s3 =	sld [smem:$0x3FFD];
	_ =	sdelay $0x3  }
0x96: {  	_ =	strace s3  }
0x97: {  	_ =	strace $0x8FFFFFFF  }
0x98: {  	s19 =	sld [smem:$0x3FDB];
	_ =	sdelay $0x1  }
0x99: {  	s4 =	simm.s32 $_scs_section_size  }
0x9a: {  	s5 =	simm.s32 $_size__tile_overlayer_lowered;
	s6 =	simm.s32 $_tile_overlayer_lowered  }
0x9b: {  	s22 =	simm.s32 $0x1BFF;
	s21 =	sshll.u32 s6, $0x1;
	s3 =	sadd.s32 s4, s19  }
0x9c: {  	s7 =	simm.s32 $0x0;
	s20 =	sshll.u32 s5, $0x1;
	s5 =	sadd.s32 s21, s3  }
0x9d: {  	[timem:s7], [sflag:s22] =	dma.local [hbm:s5], s20  }
0x9e: {  	_ =	swait.ge [sflag:s22], s20  }
0x9f: {  	s4 =	ssub.s32 $0x0, s20;
	[sflag:s22] =	ssyncset.done $0x0  }
0xa0: {  	[sflag:s22] =	ssyncadd.s32 s4;
	_ =	sdelay $0x1  }
0xa1: {  	s23 =	simm.s32 $0x1B8B  }
0xa2: {  	_ =	swait.ge [sflag:s23], $0x1  }
0xa3: {  	[sflag:s23] =	ssyncset.done $0x0  }
0xa4: {  	s25 =	simm.s32 $0x1B8E;
	s24 =	sld [smem:$0x3FFE];
	[sflag:s23] =	ssyncadd.s32 $0xFFFFFFFF  }
0xa5: {  	s26 =	simm.s32 $execute0_lowered;
	[smem:$0x3FD2] =	sst s25  }
0xa6: {  	s5 =	sshll.u32 s26, $0x1;
	_ =	strace $0x80000049;
	[dreg:$0x1] =	wrdreg $0xFFFFFFFF  }
0xa7: {  	s28 =	simm.s32 $_size_execute0_lowered;
	s3 =	sadd.s32 s3, s5;
	[dreg:$0x0] =	wrdreg $0x0  }
0xa8: {  	s5 =	sshll.u32 s28, $0x1;
	[dreg:$0x2] =	wrdreg s3  }
0xa9: {  	[dreg:$0x3] =	wrdreg s5  }
0xaa: {  	[dreg:$0x4] =	wrdreg $0xC0  }
0xab: {  	_ =	task [dreg:s7], $0x5FFFF  }
0xac: {  	[dreg:$0x1] =	wrdreg $0xFFFFFFFF  }
0xad: {  	[dreg:$0x0] =	wrdreg $0x60  }
0xae: {  	[dreg:$0x2] =	wrdreg s24  }
0xaf: {  	[dreg:$0x3] =	wrdreg s2  }
0xb0: {  	[dreg:$0x4] =	wrdreg $0x79800  }
0xb1: {  	[dreg:$0x5] =	wrdreg $0xA  }
0xb2: {  	_ =	task.clear_ibuf [dreg:s7], $0x6FFFF;
	_ =	strace $0x90000049  }
0xb3: {  	s29 =	simm.s32 $0xA;
	_ =	strace $0x8000004B  }
0xb4: {  	_ =	swait.ge [sflag:s29], $0x1  }
0xb5: {  	[sflag:s29] =	ssyncadd.s32 $0xFFFFFFFF  }
0xb6: {  	_ =	strace $0x9000004B  }
0xb7: {  	_ =	sfence  }
0xb8: {  	s30 =	sld [smem:$0x0];
	_ =	sdelay $0x2  }
0xb9: {  	s31 =	sshll.u32 s1, $0xD;
	s1 =	sshrl.u32 s1, $0x2  }
0xba: {  	s3 =	sand.u32 $0x4000, s31;
	s1 =	sadd.s32 s1, s30  }
0xbb: {  	s0 =	sor.u32 s3, s0;
	s1 =	sshll.u32 s1, $0x11  }
0xbc: {  	s0 =	sor.u32 s1, s0  }
0xbd: {  	s0 =	sadd.s32 $0x8F2B, s0  }
0xbe: {  	[sflag:s0] =	ssyncadd.remote.s32 $0x1  }
0xbf: {  	_ =	sfence.sel $0xFFFF  }
0xc0: {  	[dreg:$0x0] =	wrdreg $0xFFFFFFFF;
	(pc) =	sbr.abs _section_cstart, $3  }
0xc1: {  	[dreg:$0x1] =	wrdreg $0xFFFFFFFF  }
0xc2: {  	_ =	task.clear_ibuf [dreg:s7], $0x2FFFF;
	_ =	strace $0x9FFFFFFF  }
0xc3: {  	(tm) =	ssettm $0x7FFFFFFF  }
tec
execute0_lowered:
.L_overlay_start_1:
0x0: {  	(tag) =	ssettag $0x1  }
0x1: {  	s9 =	rddreg [dreg:$0x0]  }
0x2: {  	s2 =	rddreg [dreg:$0x1]  }
0x3: {  	s3 =	rddreg [dreg:$0x2]  }
0x4: {  	s0 =	rddreg [dreg:$0x3]  }
0x5: {  	s4 =	simm.s32 $0x0;
	s1 =	stileid.u32;
	s5 =	srdreg.scid  }
0x6: {  	s17 =	simm.s32 $0x2900;
	s18 =	simm.s32 $0x50;
	s19 =	simm.s32 $0x2980  }
0x7: {  	s20 =	simm.s32 $0x1;
	s21 =	simm.s32 $0x5180;
	[smem:$0x7FF] =	sst s4  }
0x8: {  	s10 =	smul.u32 $0x13C00, s1;
	s11 =	sand.u32 $0x1, s5;
	s5 =	sadd.s32 $0xD600, s9  }
0x9: {  	s6 =	sadd.s32 $0x3800, s9;
	s7 =	sadd.s32 $0xB3C00, s9;
	s8 =	sadd.s32 $0x65800, s9  }
0xa: {  	s14 =	smul.u32 $0x4F000, s1;
	s31 =	sshll.u32 s1, $0x6;
	_ =	strace $0x8000004A  }
0xb: {  	s12 =	smul.u32 $0x13C000, s11;
	s26 =	ssub.s32 $0x2, s11;
	s29 =	sshll.u32 s11, $0x4  }
0xc: {  	s13 =	sshrl.u32 s10, $0x3;
	s28 =	sshrl.u32 s26, $0x1;
	s11 =	sor.u32 s1, s29  }
0xd: {  	s30 =	sshrl.u32 s14, $0x2;
	s13 =	sadd.s32 s13, s9;
	s10 =	sadd.s32 s10, s12  }
0xe: {  	s16 =	ssub.s32 s26, s28;
	s14 =	sadd.s32 s30, s3;
	s10 =	sshrl.u32 s10, $0x3  }
0xf: {  	s11 =	smul.u32 $0x2710, s11;
	s14 =	sshrl.u32 s14, $0x3;
	s15 =	sadd.s32 s10, s9  }
0x10: {  	v0 =	vimm.f32 $0.0e+00;
	s9 =	sadd.s32 $0x595C00, s13;
	s10 =	sor.u32 $0x1C02, s31;
	s13 =	smax.u32 s16, $0x1  }
0x11: {  	v1 =	vimm.s32 $0x4;
	v2 =	vimm.s32 $0x5;
	vm0 =	vcmask $0x171C;
	s16 =	simm.s32 $0x80;
	s12 =	sadd.s32 $0x5BD400, s15;
	s15 =	simm.s32 $0x2  }
.LBB2_1:
0x12: {  	[spmem:s14], [sflag:s10] =	dma.local [hbm:s9], $0x2780  }
0x13: {  	_ =	swait.ge [sflag:s15], $0x2780  }
0x14: {  	[sflag:s15] =	ssyncset.done $0x0  }
0x15: {  	[sflag:s15] =	ssyncadd.s32 $0xFFFFD880  }
0x16: {  	s22 =	simm.s32 $0x200;
	s23 =	simm.s32 $0x0;
	[bflag:$0x0] =	sbarrier.arrive $0xFFFF  }
.LBB2_2:
0x17: {  	p0 =	sne.s32 s22, $0x9E00;
	[tilespmem:s23+$0x51F0] =	vst v0;
	s24 =	smov.u32 s22;
	s22 =	sadd.s32 $0x200, s22  }
.Ltmp0:
0x18: {  	[tilespmem:s23+$0x51D0] =	vst v0;
	(pc) =	sbr.rel @p0 .LBB2_2-.Ltmp0, $2  }
0x19: {  	[tilespmem:s23+$0x51E0] =	vst v0;
	_ =	sdelay $0x2  }
0x1a: {  	s23 =	sshra.s32 s24, $0x2  }
0x1b: {  	[tilespmem:s23+$0x51F0] =	vst v0  }
0x1c: {  	[tilespmem:s23+$0x51D0] =	vst v0  }
0x1d: {  	s22 =	simm.s32 $0x0;
	[tilespmem:s23+$0x51E0] =	vst v0;
	s23 =	simm.s32 $0x0  }
.LBB2_4:
0x1e: {  	s24 =	smul.u32 $0x50, s23;
	_ =	sdelay $0x1  }
0x1f: {  	s24 =	sadd.s32 s11, s24  }
0x20: {  	s25 =	sshrl.u32 s24, $0x3  }
0x21: {  	s26 =	sadd.s32 s5, s25  }
0x22: {  	[tilespmem:s22], [sflag:$0x2] =	stream.linear.gather [hbm4b:s26+s22], $0x50, $0x38;
	[tilespmem:$0x1B580] =	vst v63  }
0x23: {  	_ =	swait.ge [sflag:s15], $0x50  }
0x24: {  	[sflag:s15] =	ssyncset.done $0x0  }
0x25: {  	s31 =	sadd.s32 s6, s25;
	[sflag:s15] =	ssyncadd.s32 $0xFFFFFFB0  }
0x26: {  	[tilespmem:s16], [sflag:$0x2] =	stream.linear.gather [hbm4b:s31+s22], $0x50, $0x38;
	[tilespmem:$0x1B580] =	vst v63  }
0x27: {  	_ =	swait.ge [sflag:s15], $0x50  }
0x28: {  	s24 =	sshll.u32 s24, $0x4;
	[sflag:s15] =	ssyncset.done $0x0  }
0x29: {  	s30 =	simm.s32 $0x100;
	s24 =	sadd.s32 s7, s24;
	[sflag:s15] =	ssyncadd.s32 $0xFFFFFFB0  }
0x2a: {  	[tilespmem:s30], [sflag:$0x2] =	stream.linear.gather [hbm4b:s24+s22], $0x2800, $0x38;
	[tilespmem:$0x1B580] =	vst v63  }
0x2b: {  	_ =	swait.ge [sflag:s15], $0x2800  }
0x2c: {  	[sflag:s15] =	ssyncset.done $0x0  }
0x2d: {  	s31 =	sadd.s32 s2, s25;
	[sflag:s15] =	ssyncadd.s32 $0xFFFFD800  }
0x2e: {  	[tilespmem:s17], [sflag:$0x2] =	stream.linear.gather [hbm4b:s31+s22], $0x50, $0x38;
	[tilespmem:$0x1B580] =	vst v63  }
0x2f: {  	_ =	swait.ge [sflag:s15], $0x50  }
0x30: {  	[sflag:s15] =	ssyncset.done $0x0  }
0x31: {  	[sflag:s15] =	ssyncadd.s32 $0xFFFFFFB0  }
0x32: {  	[tilespmem:s19], [sflag:$0x1] =	stream.indirect.gather [hbm4b:s8+s18], $0x80, s22, s18, $0xb8;
	[tilespmem:$0x1B580] =	vst v63  }
0x33: {  	_ =	swait.ge [sflag:s20], $0x2800  }
0x34: {  	[sflag:s20] =	ssyncset.done $0x0  }
0x35: {  	[sflag:s20] =	ssyncadd.s32 $0xFFFFD800  }
0x36: {  	v4 =	vld [tilespmem:s30+$0x0]  }
0x37: {  	s24 =	simm.s32 $0x29A0  }
0x38: {  	v3 =	vld [tilespmem:s24+$0xFFFFFFE0];
	_ =	sdelay $0x2  }
0x39: {  	v5 =	vperm.xlane v4, v1;
	_ =	sdelay $0x1  }
0x3a: {  	v6 =	vmul.f32 v3, v5  }
0x3b: {  	s25 =	simm.s32 $0x51A0  }
0x3c: {  	v3 =	vld [tilespmem:$0x2900];
	[tilespmem:s25+$0xFFFFFFE0] =	vst v6  }
0x3d: {  	v6 =	vld [tilespmem:s24+$0xFFFFFFF0];
	_ =	sdelay $0x4  }
0x3e: {  	v5 =	vmul.f32 v6, v5;
	_ =	sdelay $0x1  }
0x3f: {  	[tilespmem:s25+$0xFFFFFFF0] =	vst v5  }
0x40: {  	v5 =	vld [tilespmem:s24+$0x0];
	_ =	sdelay $0x2  }
0x41: {  	v6 =	vperm.xlane v4, v2;
	_ =	sdelay $0x1  }
0x42: {  	v5 =	vmul.f32 v5, v6;
	_ =	sdelay $0x1  }
0x43: {  	[tilespmem:s25+$0x0] =	vst v5  }
0x44: {  	v5 =	vld [tilespmem:s24+$0x10];
	_ =	sdelay $0x1  }
0x45: {  	v7 =	vmov s22  }
0x46: {  	v7 =	vperm.xlane v3, v7;
	_ =	sdelay $0x1  }
0x47: {  	v4 =	vsel vm0, v4, v7;
	v5 =	vmul.f32 v5, v6  }
0x48: {  	[tilespmem:s25+$0x20] =	vst v4  }
0x49: {  	s28 =	simm.s32 $0x180;
	[tilespmem:s25+$0x10] =	vst v5  }
0x4a: {  	s29 =	simm.s32 $0x2;
	s26 =	simm.s32 $0x1;
	v4 =	vld [tilespmem:s28+$0x0]  }
.LBB2_5:
0x4b: {  	p0 =	sne.s32 s29, $0xF;
	s24 =	sadd.s32 $0x80, s24  }
0x4c: {  	v6 =	vmov s26;
	s26 =	smov.u32 s29;
	v5 =	vld [tilespmem:s24+$0xFFFFFFE0]  }
0x4d: {  	v6 =	vperm.xlane v3, v6;
	_ =	sdelay $0x1  }
0x4e: {  	v7 =	vperm.xlane v4, v1;
	v6 =	vsel vm0, v4, v6;
	_ =	sdelay $0x1  }
0x4f: {  	v5 =	vmul.f32 v5, v7  }
0x50: {  	s25 =	sadd.s32 $0x80, s25  }
0x51: {  	[tilespmem:s25+$0xFFFFFFE0] =	vst v5  }
0x52: {  	v5 =	vld [tilespmem:s24+$0xFFFFFFF0];
	_ =	sdelay $0x4  }
0x53: {  	v5 =	vmul.f32 v5, v7;
	_ =	sdelay $0x1  }
0x54: {  	[tilespmem:s25+$0xFFFFFFF0] =	vst v5  }
0x55: {  	v5 =	vld [tilespmem:s24+$0x0];
	_ =	sdelay $0x2  }
0x56: {  	v4 =	vperm.xlane v4, v2;
	_ =	sdelay $0x1  }
0x57: {  	v5 =	vmul.f32 v5, v4;
	_ =	sdelay $0x1  }
0x58: {  	[tilespmem:s25+$0x0] =	vst v5  }
0x59: {  	v5 =	vld [tilespmem:s24+$0x10];
	[tilespmem:s25+$0x20] =	vst v6;
	_ =	sdelay $0x3  }
.Ltmp1:
0x5a: {  	(pc) =	sbr.rel @p0 .LBB2_5-.Ltmp1, $3  }
0x5b: {  	v4 =	vmul.f32 v5, v4;
	_ =	sdelay $0x1  }
0x5c: {  	s28 =	sadd.s32 $0x80, s28;
	[tilespmem:s25+$0x10] =	vst v4  }
0x5d: {  	s29 =	sadd.s32 $0x1, s29;
	v4 =	vld [tilespmem:s28+$0x0]  }
0x5e: {  	s24 =	sadd.s32 $0x80, s24  }
0x5f: {  	v5 =	vld [tilespmem:s24+$0xFFFFFFE0];
	_ =	sdelay $0x2  }
0x60: {  	v6 =	vperm.xlane v4, v1;
	_ =	sdelay $0x1  }
0x61: {  	v5 =	vmul.f32 v5, v6  }
0x62: {  	s25 =	sadd.s32 $0x80, s25  }
0x63: {  	[tilespmem:s25+$0xFFFFFFE0] =	vst v5  }
0x64: {  	v5 =	vld [tilespmem:s24+$0xFFFFFFF0];
	_ =	sdelay $0x4  }
0x65: {  	v5 =	vmul.f32 v5, v6;
	_ =	sdelay $0x1  }
0x66: {  	[tilespmem:s25+$0xFFFFFFF0] =	vst v5  }
0x67: {  	v5 =	vld [tilespmem:s24+$0x0];
	_ =	sdelay $0x2  }
0x68: {  	v6 =	vperm.xlane v4, v2;
	_ =	sdelay $0x1  }
0x69: {  	v5 =	vmul.f32 v5, v6;
	_ =	sdelay $0x1  }
0x6a: {  	[tilespmem:s25+$0x0] =	vst v5  }
0x6b: {  	v5 =	vld [tilespmem:s24+$0x10];
	_ =	sdelay $0x1  }
0x6c: {  	v7 =	vmov s26  }
0x6d: {  	v3 =	vperm.xlane v3, v7;
	_ =	sdelay $0x1  }
0x6e: {  	v3 =	vsel vm0, v4, v3;
	v4 =	vmul.f32 v5, v6  }
0x6f: {  	[tilespmem:s25+$0x20] =	vst v3  }
0x70: {  	s30 =	simm.s32 $0x900;
	[tilespmem:s25+$0x10] =	vst v4  }
0x71: {  	v4 =	vld [tilespmem:s30+$0x0]  }
0x72: {  	s24 =	simm.s32 $0x31B0  }
0x73: {  	v3 =	vld [tilespmem:s24+$0xFFFFFFD0];
	_ =	sdelay $0x2  }
0x74: {  	v5 =	vperm.xlane v4, v1;
	_ =	sdelay $0x1  }
0x75: {  	v6 =	vmul.f32 v3, v5  }
0x76: {  	s25 =	simm.s32 $0x59C0  }
0x77: {  	v3 =	vld [tilespmem:$0x2910];
	[tilespmem:s25+$0xFFFFFFC0] =	vst v6  }
0x78: {  	v6 =	vld [tilespmem:s24+$0xFFFFFFE0];
	_ =	sdelay $0x4  }
0x79: {  	v5 =	vmul.f32 v6, v5;
	_ =	sdelay $0x1  }
0x7a: {  	[tilespmem:s25+$0xFFFFFFD0] =	vst v5  }
0x7b: {  	v5 =	vld [tilespmem:s24+$0xFFFFFFF0];
	_ =	sdelay $0x2  }
0x7c: {  	v6 =	vperm.xlane v4, v2;
	_ =	sdelay $0x1  }
0x7d: {  	v5 =	vmul.f32 v5, v6;
	_ =	sdelay $0x1  }
0x7e: {  	[tilespmem:s25+$0xFFFFFFE0] =	vst v5  }
0x7f: {  	v5 =	vld [tilespmem:s24+$0x0]  }
0x80: {  	s31 =	simm.s32 $0x0  }
0x81: {  	v7 =	vmov s31  }
0x82: {  	v7 =	vperm.xlane v3, v7;
	_ =	sdelay $0x1  }
0x83: {  	v4 =	vsel vm0, v4, v7;
	v5 =	vmul.f32 v5, v6  }
0x84: {  	[tilespmem:s25+$0x0] =	vst v4  }
0x85: {  	s28 =	simm.s32 $0x980;
	[tilespmem:s25+$0xFFFFFFF0] =	vst v5  }
0x86: {  	s26 =	simm.s32 $0x1;
	s29 =	simm.s32 $0x2;
	v4 =	vld [tilespmem:s28+$0x0]  }
.LBB2_7:
0x87: {  	p0 =	sne.s32 s29, $0xF;
	s24 =	sadd.s32 $0x80, s24  }
0x88: {  	v6 =	vmov s26;
	s26 =	smov.u32 s29;
	v5 =	vld [tilespmem:s24+$0xFFFFFFD0]  }
0x89: {  	v6 =	vperm.xlane v3, v6;
	_ =	sdelay $0x1  }
0x8a: {  	v7 =	vperm.xlane v4, v1;
	v6 =	vsel vm0, v4, v6;
	_ =	sdelay $0x1  }
0x8b: {  	v5 =	vmul.f32 v5, v7  }
0x8c: {  	s25 =	sadd.s32 $0x80, s25  }
0x8d: {  	[tilespmem:s25+$0xFFFFFFC0] =	vst v5  }
0x8e: {  	v5 =	vld [tilespmem:s24+$0xFFFFFFE0];
	_ =	sdelay $0x4  }
0x8f: {  	v5 =	vmul.f32 v5, v7;
	_ =	sdelay $0x1  }
0x90: {  	[tilespmem:s25+$0xFFFFFFD0] =	vst v5  }
0x91: {  	v5 =	vld [tilespmem:s24+$0xFFFFFFF0];
	_ =	sdelay $0x2  }
0x92: {  	v4 =	vperm.xlane v4, v2;
	_ =	sdelay $0x1  }
0x93: {  	v5 =	vmul.f32 v5, v4;
	_ =	sdelay $0x1  }
0x94: {  	[tilespmem:s25+$0xFFFFFFE0] =	vst v5  }
0x95: {  	v5 =	vld [tilespmem:s24+$0x0];
	[tilespmem:s25+$0x0] =	vst v6;
	_ =	sdelay $0x3  }
.Ltmp2:
0x96: {  	(pc) =	sbr.rel @p0 .LBB2_7-.Ltmp2, $3  }
0x97: {  	v4 =	vmul.f32 v5, v4;
	_ =	sdelay $0x1  }
0x98: {  	s28 =	sadd.s32 $0x80, s28;
	[tilespmem:s25+$0xFFFFFFF0] =	vst v4  }
0x99: {  	s29 =	sadd.s32 $0x1, s29;
	v4 =	vld [tilespmem:s28+$0x0]  }
0x9a: {  	s24 =	sadd.s32 $0x80, s24  }
0x9b: {  	v5 =	vld [tilespmem:s24+$0xFFFFFFD0];
	_ =	sdelay $0x2  }
0x9c: {  	v6 =	vperm.xlane v4, v1;
	_ =	sdelay $0x1  }
0x9d: {  	v5 =	vmul.f32 v5, v6  }
0x9e: {  	s25 =	sadd.s32 $0x80, s25  }
0x9f: {  	[tilespmem:s25+$0xFFFFFFC0] =	vst v5  }
0xa0: {  	v5 =	vld [tilespmem:s24+$0xFFFFFFE0];
	_ =	sdelay $0x4  }
0xa1: {  	v5 =	vmul.f32 v5, v6;
	_ =	sdelay $0x1  }
0xa2: {  	[tilespmem:s25+$0xFFFFFFD0] =	vst v5  }
0xa3: {  	v5 =	vld [tilespmem:s24+$0xFFFFFFF0];
	_ =	sdelay $0x2  }
0xa4: {  	v6 =	vperm.xlane v4, v2;
	_ =	sdelay $0x1  }
0xa5: {  	v5 =	vmul.f32 v5, v6;
	_ =	sdelay $0x1  }
0xa6: {  	[tilespmem:s25+$0xFFFFFFE0] =	vst v5  }
0xa7: {  	v5 =	vld [tilespmem:s24+$0x0];
	_ =	sdelay $0x1  }
0xa8: {  	v7 =	vmov s26  }
0xa9: {  	v3 =	vperm.xlane v3, v7;
	_ =	sdelay $0x1  }
0xaa: {  	v3 =	vsel vm0, v4, v3;
	v4 =	vmul.f32 v5, v6  }
0xab: {  	[tilespmem:s25+$0x0] =	vst v3  }
0xac: {  	s30 =	simm.s32 $0x1100;
	[tilespmem:s25+$0xFFFFFFF0] =	vst v4  }
0xad: {  	v4 =	vld [tilespmem:s30+$0x0]  }
0xae: {  	s24 =	simm.s32 $0x39B0  }
0xaf: {  	v3 =	vld [tilespmem:s24+$0xFFFFFFD0];
	_ =	sdelay $0x2  }
0xb0: {  	v5 =	vperm.xlane v4, v1;
	_ =	sdelay $0x1  }
0xb1: {  	v6 =	vmul.f32 v3, v5  }
0xb2: {  	s25 =	simm.s32 $0x61C0  }
0xb3: {  	v3 =	vld [tilespmem:$0x2920];
	[tilespmem:s25+$0xFFFFFFC0] =	vst v6  }
0xb4: {  	v6 =	vld [tilespmem:s24+$0xFFFFFFE0];
	_ =	sdelay $0x4  }
0xb5: {  	v5 =	vmul.f32 v6, v5;
	_ =	sdelay $0x1  }
0xb6: {  	[tilespmem:s25+$0xFFFFFFD0] =	vst v5  }
0xb7: {  	v5 =	vld [tilespmem:s24+$0xFFFFFFF0];
	_ =	sdelay $0x2  }
0xb8: {  	v6 =	vperm.xlane v4, v2;
	_ =	sdelay $0x1  }
0xb9: {  	v5 =	vmul.f32 v5, v6;
	_ =	sdelay $0x1  }
0xba: {  	[tilespmem:s25+$0xFFFFFFE0] =	vst v5  }
0xbb: {  	v5 =	vld [tilespmem:s24+$0x0]  }
0xbc: {  	s31 =	simm.s32 $0x0  }
0xbd: {  	v7 =	vmov s31  }
0xbe: {  	v7 =	vperm.xlane v3, v7;
	_ =	sdelay $0x1  }
0xbf: {  	v4 =	vsel vm0, v4, v7;
	v5 =	vmul.f32 v5, v6  }
0xc0: {  	[tilespmem:s25+$0x0] =	vst v4  }
0xc1: {  	s28 =	simm.s32 $0x1180;
	[tilespmem:s25+$0xFFFFFFF0] =	vst v5  }
0xc2: {  	s26 =	simm.s32 $0x1;
	s29 =	simm.s32 $0x2;
	v4 =	vld [tilespmem:s28+$0x0]  }
.LBB2_9:
0xc3: {  	p0 =	sne.s32 s29, $0xF;
	s24 =	sadd.s32 $0x80, s24  }
0xc4: {  	v6 =	vmov s26;
	s26 =	smov.u32 s29;
	v5 =	vld [tilespmem:s24+$0xFFFFFFD0]  }
0xc5: {  	v6 =	vperm.xlane v3, v6;
	_ =	sdelay $0x1  }
0xc6: {  	v7 =	vperm.xlane v4, v1;
	v6 =	vsel vm0, v4, v6;
	_ =	sdelay $0x1  }
0xc7: {  	v5 =	vmul.f32 v5, v7  }
0xc8: {  	s25 =	sadd.s32 $0x80, s25  }
0xc9: {  	[tilespmem:s25+$0xFFFFFFC0] =	vst v5  }
0xca: {  	v5 =	vld [tilespmem:s24+$0xFFFFFFE0];
	_ =	sdelay $0x4  }
0xcb: {  	v5 =	vmul.f32 v5, v7;
	_ =	sdelay $0x1  }
0xcc: {  	[tilespmem:s25+$0xFFFFFFD0] =	vst v5  }
0xcd: {  	v5 =	vld [tilespmem:s24+$0xFFFFFFF0];
	_ =	sdelay $0x2  }
0xce: {  	v4 =	vperm.xlane v4, v2;
	_ =	sdelay $0x1  }
0xcf: {  	v5 =	vmul.f32 v5, v4;
	_ =	sdelay $0x1  }
0xd0: {  	[tilespmem:s25+$0xFFFFFFE0] =	vst v5  }
0xd1: {  	v5 =	vld [tilespmem:s24+$0x0];
	[tilespmem:s25+$0x0] =	vst v6;
	_ =	sdelay $0x3  }
.Ltmp3:
0xd2: {  	(pc) =	sbr.rel @p0 .LBB2_9-.Ltmp3, $3  }
0xd3: {  	v4 =	vmul.f32 v5, v4;
	_ =	sdelay $0x1  }
0xd4: {  	s28 =	sadd.s32 $0x80, s28;
	[tilespmem:s25+$0xFFFFFFF0] =	vst v4  }
0xd5: {  	s29 =	sadd.s32 $0x1, s29;
	v4 =	vld [tilespmem:s28+$0x0]  }
0xd6: {  	s24 =	sadd.s32 $0x80, s24  }
0xd7: {  	v5 =	vld [tilespmem:s24+$0xFFFFFFD0];
	_ =	sdelay $0x2  }
0xd8: {  	v6 =	vperm.xlane v4, v1;
	_ =	sdelay $0x1  }
0xd9: {  	v5 =	vmul.f32 v5, v6  }
0xda: {  	s25 =	sadd.s32 $0x80, s25  }
0xdb: {  	[tilespmem:s25+$0xFFFFFFC0] =	vst v5  }
0xdc: {  	v5 =	vld [tilespmem:s24+$0xFFFFFFE0];
	_ =	sdelay $0x4  }
0xdd: {  	v5 =	vmul.f32 v5, v6;
	_ =	sdelay $0x1  }
0xde: {  	[tilespmem:s25+$0xFFFFFFD0] =	vst v5  }
0xdf: {  	v5 =	vld [tilespmem:s24+$0xFFFFFFF0];
	_ =	sdelay $0x2  }
0xe0: {  	v6 =	vperm.xlane v4, v2;
	_ =	sdelay $0x1  }
0xe1: {  	v5 =	vmul.f32 v5, v6;
	_ =	sdelay $0x1  }
0xe2: {  	[tilespmem:s25+$0xFFFFFFE0] =	vst v5  }
0xe3: {  	v5 =	vld [tilespmem:s24+$0x0];
	_ =	sdelay $0x1  }
0xe4: {  	v7 =	vmov s26  }
0xe5: {  	v3 =	vperm.xlane v3, v7;
	_ =	sdelay $0x1  }
0xe6: {  	v3 =	vsel vm0, v4, v3;
	v4 =	vmul.f32 v5, v6  }
0xe7: {  	[tilespmem:s25+$0x0] =	vst v3  }
0xe8: {  	s30 =	simm.s32 $0x1900;
	[tilespmem:s25+$0xFFFFFFF0] =	vst v4  }
0xe9: {  	v4 =	vld [tilespmem:s30+$0x0]  }
0xea: {  	s24 =	simm.s32 $0x41B0  }
0xeb: {  	v3 =	vld [tilespmem:s24+$0xFFFFFFD0];
	_ =	sdelay $0x2  }
0xec: {  	v5 =	vperm.xlane v4, v1;
	_ =	sdelay $0x1  }
0xed: {  	v6 =	vmul.f32 v3, v5  }
0xee: {  	s25 =	simm.s32 $0x69C0  }
0xef: {  	v3 =	vld [tilespmem:$0x2930];
	[tilespmem:s25+$0xFFFFFFC0] =	vst v6  }
0xf0: {  	v6 =	vld [tilespmem:s24+$0xFFFFFFE0];
	_ =	sdelay $0x4  }
0xf1: {  	v5 =	vmul.f32 v6, v5;
	_ =	sdelay $0x1  }
0xf2: {  	[tilespmem:s25+$0xFFFFFFD0] =	vst v5  }
0xf3: {  	v5 =	vld [tilespmem:s24+$0xFFFFFFF0];
	_ =	sdelay $0x2  }
0xf4: {  	v6 =	vperm.xlane v4, v2;
	_ =	sdelay $0x1  }
0xf5: {  	v5 =	vmul.f32 v5, v6;
	_ =	sdelay $0x1  }
0xf6: {  	[tilespmem:s25+$0xFFFFFFE0] =	vst v5  }
0xf7: {  	v5 =	vld [tilespmem:s24+$0x0]  }
0xf8: {  	s31 =	simm.s32 $0x0  }
0xf9: {  	v7 =	vmov s31  }
0xfa: {  	v7 =	vperm.xlane v3, v7;
	_ =	sdelay $0x1  }
0xfb: {  	v4 =	vsel vm0, v4, v7;
	v5 =	vmul.f32 v5, v6  }
0xfc: {  	[tilespmem:s25+$0x0] =	vst v4  }
0xfd: {  	s28 =	simm.s32 $0x1980;
	[tilespmem:s25+$0xFFFFFFF0] =	vst v5  }
0xfe: {  	s26 =	simm.s32 $0x1;
	s29 =	simm.s32 $0x2;
	v4 =	vld [tilespmem:s28+$0x0]  }
.LBB2_11:
0xff: {  	p0 =	sne.s32 s29, $0xF;
	s24 =	sadd.s32 $0x80, s24  }
0x100: {  	v6 =	vmov s26;
	s26 =	smov.u32 s29;
	v5 =	vld [tilespmem:s24+$0xFFFFFFD0]  }
0x101: {  	v6 =	vperm.xlane v3, v6;
	_ =	sdelay $0x1  }
0x102: {  	v7 =	vperm.xlane v4, v1;
	v6 =	vsel vm0, v4, v6;
	_ =	sdelay $0x1  }
0x103: {  	v5 =	vmul.f32 v5, v7  }
0x104: {  	s25 =	sadd.s32 $0x80, s25  }
0x105: {  	[tilespmem:s25+$0xFFFFFFC0] =	vst v5  }
0x106: {  	v5 =	vld [tilespmem:s24+$0xFFFFFFE0];
	_ =	sdelay $0x4  }
0x107: {  	v5 =	vmul.f32 v5, v7;
	_ =	sdelay $0x1  }
0x108: {  	[tilespmem:s25+$0xFFFFFFD0] =	vst v5  }
0x109: {  	v5 =	vld [tilespmem:s24+$0xFFFFFFF0];
	_ =	sdelay $0x2  }
0x10a: {  	v4 =	vperm.xlane v4, v2;
	_ =	sdelay $0x1  }
0x10b: {  	v5 =	vmul.f32 v5, v4;
	_ =	sdelay $0x1  }
0x10c: {  	[tilespmem:s25+$0xFFFFFFE0] =	vst v5  }
0x10d: {  	v5 =	vld [tilespmem:s24+$0x0];
	[tilespmem:s25+$0x0] =	vst v6;
	_ =	sdelay $0x3  }
.Ltmp4:
0x10e: {  	(pc) =	sbr.rel @p0 .LBB2_11-.Ltmp4, $3  }
0x10f: {  	v4 =	vmul.f32 v5, v4;
	_ =	sdelay $0x1  }
0x110: {  	s28 =	sadd.s32 $0x80, s28;
	[tilespmem:s25+$0xFFFFFFF0] =	vst v4  }
0x111: {  	s29 =	sadd.s32 $0x1, s29;
	v4 =	vld [tilespmem:s28+$0x0]  }
0x112: {  	s24 =	sadd.s32 $0x80, s24  }
0x113: {  	v5 =	vld [tilespmem:s24+$0xFFFFFFD0];
	_ =	sdelay $0x2  }
0x114: {  	v6 =	vperm.xlane v4, v1;
	_ =	sdelay $0x1  }
0x115: {  	v5 =	vmul.f32 v5, v6  }
0x116: {  	s25 =	sadd.s32 $0x80, s25  }
0x117: {  	[tilespmem:s25+$0xFFFFFFC0] =	vst v5  }
0x118: {  	v5 =	vld [tilespmem:s24+$0xFFFFFFE0];
	_ =	sdelay $0x4  }
0x119: {  	v5 =	vmul.f32 v5, v6;
	_ =	sdelay $0x1  }
0x11a: {  	[tilespmem:s25+$0xFFFFFFD0] =	vst v5  }
0x11b: {  	v5 =	vld [tilespmem:s24+$0xFFFFFFF0];
	_ =	sdelay $0x2  }
0x11c: {  	v6 =	vperm.xlane v4, v2;
	_ =	sdelay $0x1  }
0x11d: {  	v5 =	vmul.f32 v5, v6;
	_ =	sdelay $0x1  }
0x11e: {  	[tilespmem:s25+$0xFFFFFFE0] =	vst v5  }
0x11f: {  	v5 =	vld [tilespmem:s24+$0x0];
	_ =	sdelay $0x1  }
0x120: {  	v7 =	vmov s26  }
0x121: {  	v3 =	vperm.xlane v3, v7;
	_ =	sdelay $0x1  }
0x122: {  	v3 =	vsel vm0, v4, v3;
	v4 =	vmul.f32 v5, v6  }
0x123: {  	[tilespmem:s25+$0x0] =	vst v3  }
0x124: {  	s30 =	simm.s32 $0x2100;
	[tilespmem:s25+$0xFFFFFFF0] =	vst v4  }
0x125: {  	v4 =	vld [tilespmem:s30+$0x0]  }
0x126: {  	s24 =	simm.s32 $0x49B0  }
0x127: {  	v3 =	vld [tilespmem:s24+$0xFFFFFFD0];
	_ =	sdelay $0x2  }
0x128: {  	v5 =	vperm.xlane v4, v1;
	_ =	sdelay $0x1  }
0x129: {  	v6 =	vmul.f32 v3, v5  }
0x12a: {  	s25 =	simm.s32 $0x71C0  }
0x12b: {  	v3 =	vld [tilespmem:$0x2940];
	[tilespmem:s25+$0xFFFFFFC0] =	vst v6  }
0x12c: {  	v6 =	vld [tilespmem:s24+$0xFFFFFFE0];
	_ =	sdelay $0x4  }
0x12d: {  	v5 =	vmul.f32 v6, v5;
	_ =	sdelay $0x1  }
0x12e: {  	[tilespmem:s25+$0xFFFFFFD0] =	vst v5  }
0x12f: {  	v5 =	vld [tilespmem:s24+$0xFFFFFFF0];
	_ =	sdelay $0x2  }
0x130: {  	v6 =	vperm.xlane v4, v2;
	_ =	sdelay $0x1  }
0x131: {  	v5 =	vmul.f32 v5, v6;
	_ =	sdelay $0x1  }
0x132: {  	[tilespmem:s25+$0xFFFFFFE0] =	vst v5  }
0x133: {  	v5 =	vld [tilespmem:s24+$0x0]  }
0x134: {  	s31 =	simm.s32 $0x0  }
0x135: {  	v7 =	vmov s31  }
0x136: {  	v7 =	vperm.xlane v3, v7;
	_ =	sdelay $0x1  }
0x137: {  	v4 =	vsel vm0, v4, v7;
	v5 =	vmul.f32 v5, v6  }
0x138: {  	[tilespmem:s25+$0x0] =	vst v4  }
0x139: {  	s28 =	simm.s32 $0x2180;
	[tilespmem:s25+$0xFFFFFFF0] =	vst v5  }
0x13a: {  	s26 =	simm.s32 $0x1;
	s29 =	simm.s32 $0x2;
	v4 =	vld [tilespmem:s28+$0x0]  }
.LBB2_13:
0x13b: {  	p0 =	sne.s32 s29, $0xF;
	s24 =	sadd.s32 $0x80, s24  }
0x13c: {  	v6 =	vmov s26;
	s26 =	smov.u32 s29;
	v5 =	vld [tilespmem:s24+$0xFFFFFFD0]  }
0x13d: {  	v6 =	vperm.xlane v3, v6;
	_ =	sdelay $0x1  }
0x13e: {  	v7 =	vperm.xlane v4, v1;
	v6 =	vsel vm0, v4, v6;
	_ =	sdelay $0x1  }
0x13f: {  	v5 =	vmul.f32 v5, v7  }
0x140: {  	s25 =	sadd.s32 $0x80, s25  }
0x141: {  	[tilespmem:s25+$0xFFFFFFC0] =	vst v5  }
0x142: {  	v5 =	vld [tilespmem:s24+$0xFFFFFFE0];
	_ =	sdelay $0x4  }
0x143: {  	v5 =	vmul.f32 v5, v7;
	_ =	sdelay $0x1  }
0x144: {  	[tilespmem:s25+$0xFFFFFFD0] =	vst v5  }
0x145: {  	v5 =	vld [tilespmem:s24+$0xFFFFFFF0];
	_ =	sdelay $0x2  }
0x146: {  	v4 =	vperm.xlane v4, v2;
	_ =	sdelay $0x1  }
0x147: {  	v5 =	vmul.f32 v5, v4;
	_ =	sdelay $0x1  }
0x148: {  	[tilespmem:s25+$0xFFFFFFE0] =	vst v5  }
0x149: {  	v5 =	vld [tilespmem:s24+$0x0];
	[tilespmem:s25+$0x0] =	vst v6;
	_ =	sdelay $0x3  }
.Ltmp5:
0x14a: {  	(pc) =	sbr.rel @p0 .LBB2_13-.Ltmp5, $3  }
0x14b: {  	v4 =	vmul.f32 v5, v4;
	_ =	sdelay $0x1  }
0x14c: {  	s28 =	sadd.s32 $0x80, s28;
	[tilespmem:s25+$0xFFFFFFF0] =	vst v4  }
0x14d: {  	s29 =	sadd.s32 $0x1, s29;
	v4 =	vld [tilespmem:s28+$0x0]  }
0x14e: {  	s24 =	sadd.s32 $0x80, s24  }
0x14f: {  	v5 =	vld [tilespmem:s24+$0xFFFFFFD0];
	_ =	sdelay $0x2  }
0x150: {  	v6 =	vperm.xlane v4, v1;
	_ =	sdelay $0x1  }
0x151: {  	v5 =	vmul.f32 v5, v6  }
0x152: {  	s25 =	sadd.s32 $0x80, s25  }
0x153: {  	[tilespmem:s25+$0xFFFFFFC0] =	vst v5  }
0x154: {  	v5 =	vld [tilespmem:s24+$0xFFFFFFE0];
	_ =	sdelay $0x4  }
0x155: {  	v5 =	vmul.f32 v5, v6;
	_ =	sdelay $0x1  }
0x156: {  	[tilespmem:s25+$0xFFFFFFD0] =	vst v5  }
0x157: {  	v5 =	vld [tilespmem:s24+$0xFFFFFFF0];
	_ =	sdelay $0x2  }
0x158: {  	v62 =	vperm.xlane v4, v2;
	_ =	sdelay $0x1  }
0x159: {  	v5 =	vmul.f32 v5, v62;
	_ =	sdelay $0x1  }
0x15a: {  	[tilespmem:s25+$0xFFFFFFE0] =	vst v5  }
0x15b: {  	v5 =	vld [tilespmem:s24+$0x0];
	_ =	sdelay $0x1  }
0x15c: {  	v7 =	vmov s26  }
0x15d: {  	v3 =	vperm.xlane v3, v7;
	_ =	sdelay $0x1  }
0x15e: {  	s23 =	sadd.s32 $0x1, s23;
	v3 =	vsel vm0, v4, v3;
	v63 =	vmul.f32 v5, v62  }
0x15f: {  	p0 =	sne.s32 s23, $0x7D;
	[tilespmem:s25+$0x0] =	vst v3  }
.Ltmp6:
0x160: {  	[tilespmem:s25+$0xFFFFFFF0] =	vst v63;
	(pc) =	sbr.rel @p0 .LBB2_4-.Ltmp6, $4  }
0x161: {  	[spmem:s3] =	stream.indirect.scatter.add.f32 [tilespmem:s21], [sflag:$0x2], $0x80, s16, s18, $0xb8;
	[tilespmem:$0x1B580] =	vst v63  }
0x162: {  	_ =	swait.ge [sflag:s15], $0x2800  }
0x163: {  	[sflag:s15] =	ssyncset.done $0x0  }
0x164: {  	[sflag:s15] =	ssyncadd.s32 $0xFFFFD800  }
0x165: {  	s4 =	sadd.s32 $0x1, s4  }
0x166: {  	p0 =	sne.s32 s4, s13  }
.Ltmp7:
0x167: {  	[bflag:$0x0] =	sbarrier.arrive $0xFFFF;
	(pc) =	sbr.rel @p0 .LBB2_1-.Ltmp7, $4  }
0x168: {  	[hbm:s12], [sflag:s10] =	dma.local [spmem:s14], $0x2780  }
0x169: {  	_ =	swait.ge [sflag:s15], $0x2780  }
0x16a: {  	[sflag:s15] =	ssyncset.done $0x0  }
0x16b: {  	[sflag:s15] =	ssyncadd.s32 $0xFFFFD880  }
0x16c: {  	_ =	sfence.sel $0x180000  }
0x16d: {  	[bflag:$0x0] =	sbarrier.arrive $0xFFFF  }
0x16e: {  	p0 =	sne.s32 s1, $0x0;
	_ =	strace $0x9000004A  }
0x16f: {  	s0 =	sadd.s32 @!p0 $0x100000, s0;
	[bflag:$0x2] =	sbarrier.arrive $0xFFFF  }
0x170: {  	[sflag:s0] =	ssyncadd.tile.s32 @!p0 $0x1;
	_ =	shalt  }
.Lfunc_end2:
_tile_overlayer_lowered:
.L_overlay_start_2:
0x171: {  	(tag) =	ssettag $0x2  }
0x172: {  	s0 =	rddreg [dreg:$0x0];
	s2 =	stileid.u32  }
0x173: {  	s1 =	rddreg [dreg:$0x1];
	p0 =	sne.s32 s2, $0x0  }
0x174: {  	s3 =	rddreg [dreg:$0x2];
	[bflag:$0x3] =	sbarrier.arrive $0xFFFF;
	s2 =	simm.s32 @!p0 $0x1C02  }
0x175: {  	[timem:s3], [sflag:s2] =	dma.local @!p0 [hbm:s0], s1  }
0x176: {  	s0 =	simm.s32 @!p0 $0x2  }
0x177: {  	_ =	swait.ge @!p0 [sflag:s0], s1  }
0x178: {  	s1 =	ssub.s32 @!p0 $0x0, s1;
	[sflag:s0] =	ssyncset.done @!p0 $0x0  }
0x179: {  	[sflag:s0] =	ssyncadd.s32 @!p0 s1  }
0x17a: {  	[bflag:$0x3] =	sbarrier.arrive $0xFFFF  }
0x17b: {  	_ =	shalt  }

// kernel: kernel.18.cloned.1.call-start
scs
__scs_entry_jumppad:
0x0: {  	(pc) =	sbr.rel $0x88, $3  }
0x1: {  	(tag) =	ssettag $0x0;
	lr =	simm.s32 $0x1  }
0x2: {  	[smem:$0x3F91] =	sst lr;
	_ =	strace $0xD0000000  }
0x3: {  	_ = 	snop  }
0x4: {  	_ = 	snop  }
0x5: {  	_ = 	snop  }
0x6: {  	_ = 	snop  }
0x7: {  	_ = 	snop  }
__scs_overlays_trampoline_lowered:
0x8: {  	[smem:$0x3FA0] =	sst s0  }
0x9: {  	[smem:$0x3FA1] =	sst s1  }
0xa: {  	[smem:$0x3FA2] =	sst s2  }
0xb: {  	[smem:$0x3FA3] =	sst s3  }
0xc: {  	[smem:$0x3FA4] =	sst s4  }
0xd: {  	[smem:$0x3FA5] =	sst s5  }
0xe: {  	[smem:$0x3FA6] =	sst s6  }
0xf: {  	[smem:$0x3FA7] =	sst s7  }
0x10: {  	[smem:$0x3FA8] =	sst s8  }
0x11: {  	[smem:$0x3FA9] =	sst s9;
	s0 =	simm.s32 @!p0 $0x0  }
0x12: {  	s1 =	sld [smem:$0x3F8F];
	s0 =	simm.s32 @p0 $0x1  }
0x13: {  	[smem:$0x3FAA] =	sst s0;
	s0 =	simm.s32 @!p1 $0x0  }
0x14: {  	s2 =	sld [smem:$0x3F8E];
	s0 =	simm.s32 @p1 $0x1  }
0x15: {  	[smem:$0x3FAB] =	sst s0;
	s0 =	simm.s32 @!p2 $0x0  }
0x16: {  	s3 =	sld [smem:$0x3FDB];
	s0 =	simm.s32 @p2 $0x1  }
0x17: {  	s4 =	simm.s32 $0x1BF5;
	[smem:$0x3FAD] =	sst s0  }
0x18: {  	s0 =	sld [smem:$0x3F90];
	_ =	swait.ge [sflag:s4], $0x0  }
0x19: {  	s7 =	sld [smem:$0x3F91]  }
0x1a: {  	s8 =	sadd.s32 $0xFFFFE003, lr  }
0x1b: {  	s9 =	sadd.s32 $0xFFFFFEF7, lr;
	s5 =	simm.s32 $0xFFFFFFFF;
	p2 =	slt.u32 s8, $0xFFFFF086  }
0x1c: {  	p1 =	slt.u32 s9, $0xF7A;
	s5 =	simm.s32 @!p2 $0x0  }
0x1d: {  	s5 =	simm.s32 @p1 $0x1;
	p0 =	seq.s32 s7, s2  }
0x1e: {  	s7 =	smul.u32 @!p0 $0xF7A, s2;
	p2 =	seq.s32 @!p0 s5, $0x0  }
0x1f: {  	s9 =	smul.u32 $0xF7A, s1;
	s8 =	simm.s32 @!p0 $0x1BF5;
	p2 =	por !p2, p0  }
0x20: {  	[sflag:s8] =	ssyncset.s32 @!p0 $0xFFFFF086;
	s6 =	sadd.s32 @!p0 s3, s7;
	s7 =	simm.s32 @!p0 $0x108  }
0x21: {  	s3 =	sadd.s32 s3, s9;
	s6 =	sadd.s32 @!p0 $0x88, s6;
	s7 =	simm.s32 @p2 $0x1082  }
0x22: {  	[simem:s7], [sflag:s8] =	dma.local @!p0 [hbm:s6], $0xF7A  }
0x23: {  	s9 =	sor.u32 $0xD0000000, s2;
	s6 =	simm.s32 $0x108;
	_ =	swait.ge @!p0 [sflag:s8], $0x0  }
0x24: {  	s3 =	sadd.s32 $0x88, s3;
	s6 =	simm.s32 @!p1 $0x1082;
	[sflag:s4] =	ssyncset.s32 $0xFFFFF086  }
0x25: {  	[simem:s6], [sflag:s4] =	dma.local [hbm:s3], $0xF7A  }
0x26: {  	[smem:$0x3F91] =	sst s1;
	(tag) =	ssettag s2;
	_ =	strace s9  }
0x27: {  	s1 =	sld [smem:$0x3FA1]  }
0x28: {  	s2 =	sld [smem:$0x3FA2]  }
0x29: {  	s4 =	sld [smem:$0x3FA4]  }
0x2a: {  	p0 =	seq.s32 s5, $0x0;
	s5 =	sld [smem:$0x3FA5]  }
0x2b: {  	s6 =	sld [smem:$0x3FA6]  }
0x2c: {  	s7 =	sld [smem:$0x3FA7]  }
0x2d: {  	s3 =	simm.s32 $0x108;
	s8 =	sld [smem:$0x3FA8]  }
0x2e: {  	s3 =	simm.s32 @!p0 $0x1082;
	s9 =	sld [smem:$0x3FA9]  }
0x2f: {  	lr =	sadd.s32 s0, s3;
	s0 =	sld [smem:$0x3FA0]  }
0x30: {  	s3 =	sld [smem:$0x3FA3]  }
0x31: {  	[smem:$0x3FAC] =	sst s10  }
0x32: {  	s10 =	sld [smem:$0x3FAA];
	_ =	sdelay $0x3  }
0x33: {  	p0 =	seq.s32 s10, $0x1;
	s10 =	sld [smem:$0x3FAC];
	_ =	sdelay $0x3  }
0x34: {  	[smem:$0x3FAC] =	sst s10  }
0x35: {  	s10 =	sld [smem:$0x3FAB];
	_ =	sdelay $0x3  }
0x36: {  	p1 =	seq.s32 s10, $0x1;
	s10 =	sld [smem:$0x3FAC];
	_ =	sdelay $0x3  }
0x37: {  	[smem:$0x3FAC] =	sst s10  }
0x38: {  	s10 =	sld [smem:$0x3FAD]  }
0x39: {  	_ = 	snop;
	(pc) =	sbr.ind lr, $3  }
0x3a: {  	_ = 	snop  }
0x3b: {  	_ = 	snop  }
0x3c: {  	p2 =	seq.s32 s10, $0x1;
	s10 =	sld [smem:$0x3FAC]  }
0x3d: {  	_ =	shalt  }
0x3e: {  	_ =	shalt  }
0x3f: {  	_ =	shalt  }
0x40: {  	_ =	shalt  }
0x41: {  	_ =	shalt  }
0x42: {  	_ =	shalt  }
0x43: {  	_ =	shalt  }
0x44: {  	_ =	shalt  }
0x45: {  	_ =	shalt  }
0x46: {  	_ =	shalt  }
0x47: {  	_ =	shalt  }
0x48: {  	_ =	shalt  }
0x49: {  	_ =	shalt  }
0x4a: {  	_ =	shalt  }
0x4b: {  	_ =	shalt  }
0x4c: {  	_ =	shalt  }
0x4d: {  	_ =	shalt  }
0x4e: {  	_ =	shalt  }
0x4f: {  	_ =	shalt  }
0x50: {  	_ =	shalt  }
0x51: {  	_ =	shalt  }
0x52: {  	_ =	shalt  }
0x53: {  	_ =	shalt  }
0x54: {  	_ =	shalt  }
0x55: {  	_ =	shalt  }
0x56: {  	_ =	shalt  }
0x57: {  	_ =	shalt  }
0x58: {  	_ =	shalt  }
0x59: {  	_ =	shalt  }
0x5a: {  	_ =	shalt  }
0x5b: {  	_ =	shalt  }
0x5c: {  	_ =	shalt  }
0x5d: {  	_ =	shalt  }
0x5e: {  	_ =	shalt  }
0x5f: {  	_ =	shalt  }
0x60: {  	_ =	shalt  }
0x61: {  	_ =	shalt  }
0x62: {  	_ =	shalt  }
0x63: {  	_ =	shalt  }
0x64: {  	_ =	shalt  }
0x65: {  	_ =	shalt  }
0x66: {  	_ =	shalt  }
0x67: {  	_ =	shalt  }
0x68: {  	_ =	shalt  }
0x69: {  	_ =	shalt  }
0x6a: {  	_ =	shalt  }
0x6b: {  	_ =	shalt  }
0x6c: {  	_ =	shalt  }
0x6d: {  	_ =	shalt  }
0x6e: {  	_ =	shalt  }
0x6f: {  	_ =	shalt  }
0x70: {  	_ =	shalt  }
0x71: {  	_ =	shalt  }
0x72: {  	_ =	shalt  }
0x73: {  	_ =	shalt  }
0x74: {  	_ =	shalt  }
0x75: {  	_ =	shalt  }
0x76: {  	_ =	shalt  }
0x77: {  	_ =	shalt  }
0x78: {  	_ =	shalt  }
0x79: {  	_ =	shalt  }
0x7a: {  	_ =	shalt  }
0x7b: {  	_ =	shalt  }
0x7c: {  	_ =	shalt  }
0x7d: {  	_ =	shalt  }
0x7e: {  	_ =	shalt  }
0x7f: {  	_ =	shalt  }
0x80: {  	_ =	shalt  }
0x81: {  	_ =	shalt  }
0x82: {  	_ =	shalt  }
0x83: {  	_ =	shalt  }
0x84: {  	_ =	shalt  }
0x85: {  	_ =	shalt  }
0x86: {  	_ =	shalt  }
0x87: {  	_ =	shalt  }
.Lfunc_end0:
.L_simem_size_0:
called_computation.3_lowered:
.L_overlay_start_0:
0x88: {  	s2 =	sld [smem:$0x3FD9]  }
0x89: {  	s3 =	sld [smem:$0x3FFE];
	_ =	sdelay $0x1  }
0x8a: {  	s1 =	srdreg.scid  }
0x8b: {  	s0 =	sand.u32 $0x1, s1  }
0x8c: {  	s17 =	sshll.u32 s0, $0xA;
	s2 =	sadd.s32 s3, s2  }
0x8d: {  	s2 =	sadd.s32 s2, s17  }
0x8e: {  	[smem:$0x3FB8] =	sst s2  }
0x8f: {  	_ = 	snop  }
0x90: {  	s2 =	sld [smem:$0x3FC7]  }
0x91: {  	s18 =	sld [smem:$0x3FD0];
	(tm) =	ssettm $0x1  }
0x92: {  	s4 =	sld [smem:$0x3FFB];
	_ =	sdelay $0x3  }
0x93: {  	_ =	strace s4  }
0x94: {  	s4 =	sld [smem:$0x3FFC];
	_ =	sdelay $0x3  }
0x95: {  	_ =	strace s4  }
0x96: {  	s4 =	sld [smem:$0x3FFD];
	_ =	sdelay $0x3  }
0x97: {  	_ =	strace s4  }
0x98: {  	_ =	strace $0x8FFFFFFF  }
0x99: {  	s19 =	sld [smem:$0x3FDB];
	_ =	sdelay $0x1  }
0x9a: {  	s5 =	simm.s32 $_scs_section_size  }
0x9b: {  	s6 =	simm.s32 $_size__tile_overlayer_lowered;
	s7 =	simm.s32 $_tile_overlayer_lowered  }
0x9c: {  	s22 =	simm.s32 $0x1BFF;
	s21 =	sshll.u32 s7, $0x1;
	s4 =	sadd.s32 s5, s19  }
0x9d: {  	s8 =	simm.s32 $0x0;
	s20 =	sshll.u32 s6, $0x1;
	s6 =	sadd.s32 s21, s4  }
0x9e: {  	[timem:s8], [sflag:s22] =	dma.local [hbm:s6], s20  }
0x9f: {  	_ =	swait.ge [sflag:s22], s20  }
0xa0: {  	s5 =	ssub.s32 $0x0, s20;
	[sflag:s22] =	ssyncset.done $0x0  }
0xa1: {  	[sflag:s22] =	ssyncadd.s32 s5;
	_ =	sdelay $0x1  }
0xa2: {  	s23 =	simm.s32 $0x1B8B  }
0xa3: {  	_ =	swait.ge [sflag:s23], $0x1  }
0xa4: {  	[sflag:s23] =	ssyncset.done $0x0  }
0xa5: {  	s25 =	simm.s32 $0x1B8E;
	s24 =	sld [smem:$0x3FFE];
	[sflag:s23] =	ssyncadd.s32 $0xFFFFFFFF  }
0xa6: {  	s26 =	simm.s32 $execute0_lowered;
	[smem:$0x3FD2] =	sst s25  }
0xa7: {  	s6 =	sshll.u32 s26, $0x1;
	_ =	strace $0x8000004F;
	[dreg:$0x1] =	wrdreg $0xFFFFFFFF  }
0xa8: {  	s28 =	simm.s32 $_size_execute0_lowered;
	s4 =	sadd.s32 s4, s6;
	[dreg:$0x0] =	wrdreg $0x0  }
0xa9: {  	s6 =	sshll.u32 s28, $0x1;
	[dreg:$0x2] =	wrdreg s4  }
0xaa: {  	[dreg:$0x3] =	wrdreg s6  }
0xab: {  	[dreg:$0x4] =	wrdreg $0xC0  }
0xac: {  	_ =	task [dreg:s8], $0x5FFFF  }
0xad: {  	[dreg:$0x1] =	wrdreg $0xFFFFFFFF  }
0xae: {  	[dreg:$0x0] =	wrdreg $0x60  }
0xaf: {  	[dreg:$0x2] =	wrdreg s24  }
0xb0: {  	[dreg:$0x3] =	wrdreg s2  }
0xb1: {  	[dreg:$0x4] =	wrdreg s18  }
0xb2: {  	[dreg:$0x5] =	wrdreg $0x29800  }
0xb3: {  	[dreg:$0x6] =	wrdreg $0x9  }
0xb4: {  	_ =	task.clear_ibuf [dreg:s8], $0x7FFFF;
	_ =	strace $0x9000004F  }
0xb5: {  	s29 =	simm.s32 $0x9;
	_ =	strace $0x80000051  }
0xb6: {  	_ =	swait.ge [sflag:s29], $0x1  }
0xb7: {  	[sflag:s29] =	ssyncadd.s32 $0xFFFFFFFF  }
0xb8: {  	_ =	strace $0x90000051  }
0xb9: {  	_ =	sfence  }
0xba: {  	s30 =	sld [smem:$0x0];
	_ =	sdelay $0x2  }
0xbb: {  	s31 =	sshll.u32 s1, $0xD;
	s1 =	sshrl.u32 s1, $0x2  }
0xbc: {  	s3 =	sand.u32 $0x4000, s31;
	s1 =	sadd.s32 s1, s30  }
0xbd: {  	s0 =	sor.u32 s3, s0;
	s1 =	sshll.u32 s1, $0x11  }
0xbe: {  	s0 =	sor.u32 s1, s0  }
0xbf: {  	s0 =	sadd.s32 $0x8F2B, s0  }
0xc0: {  	[sflag:s0] =	ssyncadd.remote.s32 $0x1  }
0xc1: {  	_ =	sfence.sel $0xFFFF  }
0xc2: {  	[dreg:$0x0] =	wrdreg $0xFFFFFFFF;
	(pc) =	sbr.abs _section_cstart, $3  }
0xc3: {  	[dreg:$0x1] =	wrdreg $0xFFFFFFFF  }
0xc4: {  	_ =	task.clear_ibuf [dreg:s8], $0x2FFFF;
	_ =	strace $0x9FFFFFFF  }
0xc5: {  	(tm) =	ssettm $0x7FFFFFFF  }
tec
execute0_lowered:
.L_overlay_start_1:
0x0: {  	(tag) =	ssettag $0x1  }
0x1: {  	s8 =	rddreg [dreg:$0x0]  }
0x2: {  	s1 =	rddreg [dreg:$0x1]  }
0x3: {  	s11 =	rddreg [dreg:$0x2]  }
0x4: {  	s3 =	rddreg [dreg:$0x3]  }
0x5: {  	s0 =	rddreg [dreg:$0x4]  }
0x6: {  	s4 =	simm.s32 $0x0;
	s2 =	stileid.u32;
	s7 =	srdreg.scid  }
0x7: {  	s17 =	simm.s32 $0x50;
	s18 =	simm.s32 $0x180;
	s19 =	simm.s32 $0x1  }
0x8: {  	[smem:$0x7FF] =	sst s4;
	s9 =	smul.u32 $0x13C00, s2;
	s5 =	sadd.s32 $0xD600, s8  }
0x9: {  	s6 =	sadd.s32 $0x3800, s8;
	s10 =	sand.u32 $0x1, s7;
	s14 =	smul.u32 $0x4F000, s2  }
0xa: {  	s7 =	sadd.s32 $0x3E600, s8;
	s30 =	sshll.u32 s2, $0x6;
	_ =	strace $0x80000050  }
0xb: {  	s13 =	ssub.s32 $0x2, s10;
	s15 =	sshll.u32 s10, $0x4;
	s10 =	smul.u32 $0x13C000, s10  }
0xc: {  	s12 =	sshrl.u32 s9, $0x3;
	s28 =	sshrl.u32 s13, $0x1;
	s14 =	sshrl.u32 s14, $0x2  }
0xd: {  	s29 =	sor.u32 s2, s15;
	s15 =	simm.s32 $0x80;
	s8 =	sadd.s32 s12, s8  }
0xe: {  	s12 =	ssub.s32 s13, s28;
	s14 =	sadd.s32 s14, s3;
	s16 =	sadd.s32 s9, s10  }
0xf: {  	s9 =	sor.u32 $0x1C02, s30;
	s10 =	smul.u32 $0x2710, s29;
	s8 =	sadd.s32 $0x595C00, s8  }
0x10: {  	s31 =	sshrl.u32 s16, $0x3;
	s12 =	smax.u32 s12, $0x1;
	s13 =	sshrl.u32 s14, $0x3  }
0x11: {  	s14 =	simm.s32 $0x2;
	s16 =	simm.s32 $0x100;
	s11 =	sadd.s32 s11, s31  }
.LBB2_1:
0x12: {  	[spmem:s13], [sflag:s9] =	dma.local [hbm:s8], $0x2780  }
0x13: {  	_ =	swait.ge [sflag:s14], $0x2780  }
0x14: {  	[sflag:s14] =	ssyncset.done $0x0  }
0x15: {  	[sflag:s14] =	ssyncadd.s32 $0xFFFFD880  }
0x16: {  	s20 =	simm.s32 $0x0;
	[bflag:$0x0] =	sbarrier.arrive $0xFFFF  }
.LBB2_2:
0x17: {  	s21 =	smul.u32 $0x50, s20;
	_ =	sdelay $0x1  }
0x18: {  	s21 =	sadd.s32 s10, s21  }
0x19: {  	s21 =	sshrl.u32 s21, $0x3  }
0x1a: {  	s23 =	simm.s32 $0x0;
	s22 =	sadd.s32 s5, s21  }
0x1b: {  	[tilespmem:s23], [sflag:$0x2] =	stream.linear.gather [hbm4b:s22+s23], $0x50, $0x38;
	[tilespmem:$0x16580] =	vst v63  }
0x1c: {  	_ =	swait.ge [sflag:s14], $0x50  }
0x1d: {  	[sflag:s14] =	ssyncset.done $0x0  }
0x1e: {  	s31 =	sadd.s32 s6, s21;
	[sflag:s14] =	ssyncadd.s32 $0xFFFFFFB0  }
0x1f: {  	[tilespmem:s15], [sflag:$0x2] =	stream.linear.gather [hbm4b:s31+s23], $0x50, $0x38;
	[tilespmem:$0x16580] =	vst v63  }
0x20: {  	_ =	swait.ge [sflag:s14], $0x50  }
0x21: {  	[sflag:s14] =	ssyncset.done $0x0  }
0x22: {  	s21 =	sadd.s32 s1, s21;
	[sflag:s14] =	ssyncadd.s32 $0xFFFFFFB0  }
0x23: {  	[tilespmem:s16], [sflag:$0x2] =	stream.linear.gather [hbm4b:s21+s23], $0x50, $0x38;
	[tilespmem:$0x16580] =	vst v63  }
0x24: {  	_ =	swait.ge [sflag:s14], $0x50  }
0x25: {  	[sflag:s14] =	ssyncset.done $0x0  }
0x26: {  	[sflag:s14] =	ssyncadd.s32 $0xFFFFFFB0  }
0x27: {  	[tilespmem:s18], [sflag:$0x1] =	stream.indirect.gather [hbm4b:s7+s17], $0x80, s23, s17, $0xb8;
	[tilespmem:$0x16580] =	vst v63  }
0x28: {  	_ =	swait.ge [sflag:s19], $0x2800  }
0x29: {  	[sflag:s19] =	ssyncset.done $0x0  }
0x2a: {  	[sflag:s19] =	ssyncadd.s32 $0xFFFFD800  }
0x2b: {  	v1 =	vld [tilespmem:$0x100]  }
0x2c: {  	s22 =	simm.s32 $0x1B0  }
0x2d: {  	v2 =	vld [tilespmem:s22+$0xFFFFFFD0]  }
0x2e: {  	v3 =	vld [tilespmem:s22+$0xFFFFFFE0]  }
0x2f: {  	v0 =	vmov s23;
	v5 =	vld [tilespmem:s22+$0x0]  }
0x30: {  	v6 =	vld [tilespmem:s22+$0x10];
	v0 =	vperm.xlane v1, v0  }
0x31: {  	s21 =	simm.s32 $0x1B0;
	s23 =	simm.s32 $0x1;
	v4 =	vld [tilespmem:s22+$0x20]  }
.LBB2_3:
0x32: {  	p0 =	sne.s32 s23, $0xF;
	v2 =	vmul.f32 v2, v0;
	v7 =	vld [tilespmem:s22+$0xFFFFFFF0]  }
0x33: {  	v3 =	vmul.f32 v3, v0  }
0x34: {  	s22 =	sadd.s32 $0x80, s22;
	[tilespmem:s21+$0xFFFFFFD0] =	vst v2;
	v5 =	vmul.f32 v5, v0  }
.Ltmp0:
0x35: {  	v2 =	vld [tilespmem:s22+$0xFFFFFFD0];
	[tilespmem:s21+$0xFFFFFFE0] =	vst v3;
	v6 =	vmul.f32 v6, v0;
	(pc) =	sbr.rel @p0 .LBB2_3-.Ltmp0, $4  }
0x36: {  	v3 =	vld [tilespmem:s22+$0xFFFFFFE0];
	[tilespmem:s21+$0x0] =	vst v5;
	v4 =	vmul.f32 v4, v0  }
0x37: {  	v8 =	vmov s23;
	v5 =	vld [tilespmem:s22+$0x0];
	v7 =	vmul.f32 v7, v0;
	[tilespmem:s21+$0x10] =	vst v6  }
0x38: {  	v0 =	vperm.xlane v1, v8;
	v6 =	vld [tilespmem:s22+$0x10];
	[tilespmem:s21+$0x20] =	vst v4  }
0x39: {  	s23 =	sadd.s32 $0x1, s23;
	v4 =	vld [tilespmem:s22+$0x20];
	[tilespmem:s21+$0xFFFFFFF0] =	vst v7;
	s21 =	smov.u32 s22  }
0x3a: {  	v1 =	vmul.f32 v2, v0;
	v2 =	vld [tilespmem:s22+$0xFFFFFFF0]  }
0x3b: {  	v3 =	vmul.f32 v3, v0  }
0x3c: {  	[tilespmem:s21+$0xFFFFFFD0] =	vst v1;
	v1 =	vmul.f32 v5, v0  }
0x3d: {  	[tilespmem:s21+$0xFFFFFFE0] =	vst v3;
	v3 =	vmul.f32 v6, v0  }
0x3e: {  	[tilespmem:s21+$0x0] =	vst v1;
	v1 =	vmul.f32 v4, v0  }
0x3f: {  	v0 =	vmul.f32 v2, v0;
	[tilespmem:s21+$0x10] =	vst v3  }
0x40: {  	[tilespmem:s21+$0x20] =	vst v1  }
0x41: {  	[tilespmem:s21+$0xFFFFFFF0] =	vst v0  }
0x42: {  	v1 =	vld [tilespmem:$0x110]  }
0x43: {  	s21 =	simm.s32 $0x9D0  }
0x44: {  	v2 =	vld [tilespmem:s21+$0xFFFFFFB0]  }
0x45: {  	s31 =	simm.s32 $0x0;
	v3 =	vld [tilespmem:s21+$0xFFFFFFC0]  }
0x46: {  	v0 =	vmov s31;
	v5 =	vld [tilespmem:s21+$0xFFFFFFD0]  }
0x47: {  	v6 =	vld [tilespmem:s21+$0xFFFFFFE0];
	v0 =	vperm.xlane v1, v0  }
0x48: {  	s23 =	simm.s32 $0x1;
	s22 =	simm.s32 $0x9D0;
	v4 =	vld [tilespmem:s21+$0x0]  }
.LBB2_5:
0x49: {  	p0 =	sne.s32 s23, $0xF;
	v2 =	vmul.f32 v2, v0;
	v7 =	vld [tilespmem:s21+$0xFFFFFFF0]  }
0x4a: {  	v3 =	vmul.f32 v3, v0  }
0x4b: {  	s21 =	sadd.s32 $0x80, s21;
	[tilespmem:s22+$0xFFFFFFB0] =	vst v2;
	v5 =	vmul.f32 v5, v0  }
.Ltmp1:
0x4c: {  	v2 =	vld [tilespmem:s21+$0xFFFFFFB0];
	[tilespmem:s22+$0xFFFFFFC0] =	vst v3;
	v6 =	vmul.f32 v6, v0;
	(pc) =	sbr.rel @p0 .LBB2_5-.Ltmp1, $4  }
0x4d: {  	v3 =	vld [tilespmem:s21+$0xFFFFFFC0];
	[tilespmem:s22+$0xFFFFFFD0] =	vst v5;
	v4 =	vmul.f32 v4, v0  }
0x4e: {  	v8 =	vmov s23;
	v5 =	vld [tilespmem:s21+$0xFFFFFFD0];
	[tilespmem:s22+$0xFFFFFFE0] =	vst v6;
	v7 =	vmul.f32 v7, v0  }
0x4f: {  	v0 =	vperm.xlane v1, v8;
	v6 =	vld [tilespmem:s21+$0xFFFFFFE0];
	[tilespmem:s22+$0x0] =	vst v4  }
0x50: {  	s23 =	sadd.s32 $0x1, s23;
	v4 =	vld [tilespmem:s21+$0x0];
	[tilespmem:s22+$0xFFFFFFF0] =	vst v7;
	s22 =	smov.u32 s21  }
0x51: {  	v1 =	vmul.f32 v2, v0;
	v2 =	vld [tilespmem:s21+$0xFFFFFFF0]  }
0x52: {  	v3 =	vmul.f32 v3, v0  }
0x53: {  	[tilespmem:s22+$0xFFFFFFB0] =	vst v1;
	v1 =	vmul.f32 v5, v0  }
0x54: {  	[tilespmem:s22+$0xFFFFFFC0] =	vst v3;
	v3 =	vmul.f32 v6, v0  }
0x55: {  	[tilespmem:s22+$0xFFFFFFD0] =	vst v1;
	v1 =	vmul.f32 v4, v0  }
0x56: {  	[tilespmem:s22+$0xFFFFFFE0] =	vst v3;
	v0 =	vmul.f32 v2, v0  }
0x57: {  	[tilespmem:s22+$0x0] =	vst v1  }
0x58: {  	[tilespmem:s22+$0xFFFFFFF0] =	vst v0  }
0x59: {  	v1 =	vld [tilespmem:$0x120]  }
0x5a: {  	s21 =	simm.s32 $0x11D0  }
0x5b: {  	v2 =	vld [tilespmem:s21+$0xFFFFFFB0]  }
0x5c: {  	s31 =	simm.s32 $0x0;
	v3 =	vld [tilespmem:s21+$0xFFFFFFC0]  }
0x5d: {  	v0 =	vmov s31;
	v5 =	vld [tilespmem:s21+$0xFFFFFFD0]  }
0x5e: {  	v6 =	vld [tilespmem:s21+$0xFFFFFFE0];
	v0 =	vperm.xlane v1, v0  }
0x5f: {  	s23 =	simm.s32 $0x1;
	s22 =	simm.s32 $0x11D0;
	v4 =	vld [tilespmem:s21+$0x0]  }
.LBB2_7:
0x60: {  	p0 =	sne.s32 s23, $0xF;
	v2 =	vmul.f32 v2, v0;
	v7 =	vld [tilespmem:s21+$0xFFFFFFF0]  }
0x61: {  	v3 =	vmul.f32 v3, v0  }
0x62: {  	s21 =	sadd.s32 $0x80, s21;
	[tilespmem:s22+$0xFFFFFFB0] =	vst v2;
	v5 =	vmul.f32 v5, v0  }
.Ltmp2:
0x63: {  	v2 =	vld [tilespmem:s21+$0xFFFFFFB0];
	[tilespmem:s22+$0xFFFFFFC0] =	vst v3;
	v6 =	vmul.f32 v6, v0;
	(pc) =	sbr.rel @p0 .LBB2_7-.Ltmp2, $4  }
0x64: {  	v3 =	vld [tilespmem:s21+$0xFFFFFFC0];
	[tilespmem:s22+$0xFFFFFFD0] =	vst v5;
	v4 =	vmul.f32 v4, v0  }
0x65: {  	v8 =	vmov s23;
	v5 =	vld [tilespmem:s21+$0xFFFFFFD0];
	[tilespmem:s22+$0xFFFFFFE0] =	vst v6;
	v7 =	vmul.f32 v7, v0  }
0x66: {  	v0 =	vperm.xlane v1, v8;
	v6 =	vld [tilespmem:s21+$0xFFFFFFE0];
	[tilespmem:s22+$0x0] =	vst v4  }
0x67: {  	s23 =	sadd.s32 $0x1, s23;
	v4 =	vld [tilespmem:s21+$0x0];
	[tilespmem:s22+$0xFFFFFFF0] =	vst v7;
	s22 =	smov.u32 s21  }
0x68: {  	v1 =	vmul.f32 v2, v0;
	v2 =	vld [tilespmem:s21+$0xFFFFFFF0]  }
0x69: {  	v3 =	vmul.f32 v3, v0  }
0x6a: {  	[tilespmem:s22+$0xFFFFFFB0] =	vst v1;
	v1 =	vmul.f32 v5, v0  }
0x6b: {  	[tilespmem:s22+$0xFFFFFFC0] =	vst v3;
	v3 =	vmul.f32 v6, v0  }
0x6c: {  	[tilespmem:s22+$0xFFFFFFD0] =	vst v1;
	v1 =	vmul.f32 v4, v0  }
0x6d: {  	[tilespmem:s22+$0xFFFFFFE0] =	vst v3;
	v0 =	vmul.f32 v2, v0  }
0x6e: {  	[tilespmem:s22+$0x0] =	vst v1  }
0x6f: {  	[tilespmem:s22+$0xFFFFFFF0] =	vst v0  }
0x70: {  	v1 =	vld [tilespmem:$0x130]  }
0x71: {  	s21 =	simm.s32 $0x19D0  }
0x72: {  	v2 =	vld [tilespmem:s21+$0xFFFFFFB0]  }
0x73: {  	s31 =	simm.s32 $0x0;
	v3 =	vld [tilespmem:s21+$0xFFFFFFC0]  }
0x74: {  	v0 =	vmov s31;
	v5 =	vld [tilespmem:s21+$0xFFFFFFD0]  }
0x75: {  	v6 =	vld [tilespmem:s21+$0xFFFFFFE0];
	v0 =	vperm.xlane v1, v0  }
0x76: {  	s23 =	simm.s32 $0x1;
	s22 =	simm.s32 $0x19D0;
	v4 =	vld [tilespmem:s21+$0x0]  }
.LBB2_9:
0x77: {  	p0 =	sne.s32 s23, $0xF;
	v2 =	vmul.f32 v2, v0;
	v7 =	vld [tilespmem:s21+$0xFFFFFFF0]  }
0x78: {  	v3 =	vmul.f32 v3, v0  }
0x79: {  	s21 =	sadd.s32 $0x80, s21;
	[tilespmem:s22+$0xFFFFFFB0] =	vst v2;
	v5 =	vmul.f32 v5, v0  }
.Ltmp3:
0x7a: {  	v2 =	vld [tilespmem:s21+$0xFFFFFFB0];
	[tilespmem:s22+$0xFFFFFFC0] =	vst v3;
	v6 =	vmul.f32 v6, v0;
	(pc) =	sbr.rel @p0 .LBB2_9-.Ltmp3, $4  }
0x7b: {  	v3 =	vld [tilespmem:s21+$0xFFFFFFC0];
	[tilespmem:s22+$0xFFFFFFD0] =	vst v5;
	v4 =	vmul.f32 v4, v0  }
0x7c: {  	v8 =	vmov s23;
	v5 =	vld [tilespmem:s21+$0xFFFFFFD0];
	[tilespmem:s22+$0xFFFFFFE0] =	vst v6;
	v7 =	vmul.f32 v7, v0  }
0x7d: {  	v0 =	vperm.xlane v1, v8;
	v6 =	vld [tilespmem:s21+$0xFFFFFFE0];
	[tilespmem:s22+$0x0] =	vst v4  }
0x7e: {  	s23 =	sadd.s32 $0x1, s23;
	v4 =	vld [tilespmem:s21+$0x0];
	[tilespmem:s22+$0xFFFFFFF0] =	vst v7;
	s22 =	smov.u32 s21  }
0x7f: {  	v1 =	vmul.f32 v2, v0;
	v2 =	vld [tilespmem:s21+$0xFFFFFFF0]  }
0x80: {  	v3 =	vmul.f32 v3, v0  }
0x81: {  	[tilespmem:s22+$0xFFFFFFB0] =	vst v1;
	v1 =	vmul.f32 v5, v0  }
0x82: {  	[tilespmem:s22+$0xFFFFFFC0] =	vst v3;
	v3 =	vmul.f32 v6, v0  }
0x83: {  	[tilespmem:s22+$0xFFFFFFD0] =	vst v1;
	v1 =	vmul.f32 v4, v0  }
0x84: {  	[tilespmem:s22+$0xFFFFFFE0] =	vst v3;
	v0 =	vmul.f32 v2, v0  }
0x85: {  	[tilespmem:s22+$0x0] =	vst v1  }
0x86: {  	[tilespmem:s22+$0xFFFFFFF0] =	vst v0  }
0x87: {  	v1 =	vld [tilespmem:$0x140]  }
0x88: {  	s21 =	simm.s32 $0x21D0  }
0x89: {  	v2 =	vld [tilespmem:s21+$0xFFFFFFB0]  }
0x8a: {  	s31 =	simm.s32 $0x0;
	v3 =	vld [tilespmem:s21+$0xFFFFFFC0]  }
0x8b: {  	v0 =	vmov s31;
	v5 =	vld [tilespmem:s21+$0xFFFFFFD0]  }
0x8c: {  	v6 =	vld [tilespmem:s21+$0xFFFFFFE0];
	v0 =	vperm.xlane v1, v0  }
0x8d: {  	s23 =	simm.s32 $0x1;
	s22 =	simm.s32 $0x21D0;
	v4 =	vld [tilespmem:s21+$0x0]  }
.LBB2_11:
0x8e: {  	p0 =	sne.s32 s23, $0xF;
	v2 =	vmul.f32 v2, v0;
	v7 =	vld [tilespmem:s21+$0xFFFFFFF0]  }
0x8f: {  	v3 =	vmul.f32 v3, v0  }
0x90: {  	s21 =	sadd.s32 $0x80, s21;
	[tilespmem:s22+$0xFFFFFFB0] =	vst v2;
	v5 =	vmul.f32 v5, v0  }
.Ltmp4:
0x91: {  	v2 =	vld [tilespmem:s21+$0xFFFFFFB0];
	[tilespmem:s22+$0xFFFFFFC0] =	vst v3;
	v6 =	vmul.f32 v6, v0;
	(pc) =	sbr.rel @p0 .LBB2_11-.Ltmp4, $4  }
0x92: {  	v3 =	vld [tilespmem:s21+$0xFFFFFFC0];
	[tilespmem:s22+$0xFFFFFFD0] =	vst v5;
	v4 =	vmul.f32 v4, v0  }
0x93: {  	v8 =	vmov s23;
	v5 =	vld [tilespmem:s21+$0xFFFFFFD0];
	[tilespmem:s22+$0xFFFFFFE0] =	vst v6;
	v7 =	vmul.f32 v7, v0  }
0x94: {  	v0 =	vperm.xlane v1, v8;
	v6 =	vld [tilespmem:s21+$0xFFFFFFE0];
	[tilespmem:s22+$0x0] =	vst v4  }
0x95: {  	s23 =	sadd.s32 $0x1, s23;
	v4 =	vld [tilespmem:s21+$0x0];
	[tilespmem:s22+$0xFFFFFFF0] =	vst v7;
	s22 =	smov.u32 s21  }
0x96: {  	v1 =	vmul.f32 v2, v0;
	v59 =	vld [tilespmem:s21+$0xFFFFFFF0]  }
0x97: {  	v3 =	vmul.f32 v3, v0  }
0x98: {  	[tilespmem:s22+$0xFFFFFFB0] =	vst v1;
	v60 =	vmul.f32 v5, v0  }
0x99: {  	[tilespmem:s22+$0xFFFFFFC0] =	vst v3;
	v61 =	vmul.f32 v6, v0  }
0x9a: {  	[tilespmem:s22+$0xFFFFFFD0] =	vst v60;
	v62 =	vmul.f32 v4, v0  }
0x9b: {  	s20 =	sadd.s32 $0x1, s20;
	[tilespmem:s22+$0xFFFFFFE0] =	vst v61;
	v63 =	vmul.f32 v59, v0  }
0x9c: {  	p0 =	sne.s32 s20, $0x7D;
	[tilespmem:s22+$0x0] =	vst v62  }
.Ltmp5:
0x9d: {  	[tilespmem:s22+$0xFFFFFFF0] =	vst v63;
	(pc) =	sbr.rel @p0 .LBB2_2-.Ltmp5, $4  }
0x9e: {  	[spmem:s3] =	stream.indirect.scatter.add.f32 [tilespmem:s18], [sflag:$0x2], $0x80, s15, s17, $0xb8;
	[tilespmem:$0x16580] =	vst v63  }
0x9f: {  	_ =	swait.ge [sflag:s14], $0x2800  }
0xa0: {  	[sflag:s14] =	ssyncset.done $0x0  }
0xa1: {  	[sflag:s14] =	ssyncadd.s32 $0xFFFFD800  }
0xa2: {  	s4 =	sadd.s32 $0x1, s4  }
0xa3: {  	p0 =	sne.s32 s4, s12  }
.Ltmp6:
0xa4: {  	[bflag:$0x0] =	sbarrier.arrive $0xFFFF;
	(pc) =	sbr.rel @p0 .LBB2_1-.Ltmp6, $4  }
0xa5: {  	[hbm:s11], [sflag:s9] =	dma.local [spmem:s13], $0x2780  }
0xa6: {  	_ =	swait.ge [sflag:s14], $0x2780  }
0xa7: {  	[sflag:s14] =	ssyncset.done $0x0  }
0xa8: {  	[sflag:s14] =	ssyncadd.s32 $0xFFFFD880  }
0xa9: {  	_ =	sfence.sel $0x180000  }
0xaa: {  	[bflag:$0x0] =	sbarrier.arrive $0xFFFF  }
0xab: {  	p0 =	sne.s32 s2, $0x0;
	_ =	strace $0x90000050  }
0xac: {  	s0 =	sadd.s32 @!p0 $0x100000, s0;
	[bflag:$0x2] =	sbarrier.arrive $0xFFFF  }
0xad: {  	[sflag:s0] =	ssyncadd.tile.s32 @!p0 $0x1;
	_ =	shalt  }
.Lfunc_end2:
_tile_overlayer_lowered:
.L_overlay_start_2:
0xae: {  	(tag) =	ssettag $0x2  }
0xaf: {  	s0 =	rddreg [dreg:$0x0];
	s2 =	stileid.u32  }
0xb0: {  	s1 =	rddreg [dreg:$0x1];
	p0 =	sne.s32 s2, $0x0  }
0xb1: {  	s3 =	rddreg [dreg:$0x2];
	[bflag:$0x3] =	sbarrier.arrive $0xFFFF;
	s2 =	simm.s32 @!p0 $0x1C02  }
0xb2: {  	[timem:s3], [sflag:s2] =	dma.local @!p0 [hbm:s0], s1  }
0xb3: {  	s0 =	simm.s32 @!p0 $0x2  }
0xb4: {  	_ =	swait.ge @!p0 [sflag:s0], s1  }
0xb5: {  	s1 =	ssub.s32 @!p0 $0x0, s1;
	[sflag:s0] =	ssyncset.done @!p0 $0x0  }
0xb6: {  	[sflag:s0] =	ssyncadd.s32 @!p0 s1  }
0xb7: {  	[bflag:$0x3] =	sbarrier.arrive $0xFFFF  }
0xb8: {  	_ =	shalt  }

// kernel: kernel.9.cloned.1.call-start
scs
__scs_entry_jumppad:
0x0: {  	(pc) =	sbr.rel $0x88, $3  }
0x1: {  	(tag) =	ssettag $0x0;
	lr =	simm.s32 $0x1  }
0x2: {  	[smem:$0x3F91] =	sst lr;
	_ =	strace $0xD0000000  }
0x3: {  	_ = 	snop  }
0x4: {  	_ = 	snop  }
0x5: {  	_ = 	snop  }
0x6: {  	_ = 	snop  }
0x7: {  	_ = 	snop  }
__scs_overlays_trampoline_lowered:
0x8: {  	[smem:$0x3FA0] =	sst s0  }
0x9: {  	[smem:$0x3FA1] =	sst s1  }
0xa: {  	[smem:$0x3FA2] =	sst s2  }
0xb: {  	[smem:$0x3FA3] =	sst s3  }
0xc: {  	[smem:$0x3FA4] =	sst s4  }
0xd: {  	[smem:$0x3FA5] =	sst s5  }
0xe: {  	[smem:$0x3FA6] =	sst s6  }
0xf: {  	[smem:$0x3FA7] =	sst s7  }
0x10: {  	[smem:$0x3FA8] =	sst s8  }
0x11: {  	[smem:$0x3FA9] =	sst s9;
	s0 =	simm.s32 @!p0 $0x0  }
0x12: {  	s1 =	sld [smem:$0x3F8F];
	s0 =	simm.s32 @p0 $0x1  }
0x13: {  	[smem:$0x3FAA] =	sst s0;
	s0 =	simm.s32 @!p1 $0x0  }
0x14: {  	s2 =	sld [smem:$0x3F8E];
	s0 =	simm.s32 @p1 $0x1  }
0x15: {  	[smem:$0x3FAB] =	sst s0;
	s0 =	simm.s32 @!p2 $0x0  }
0x16: {  	s3 =	sld [smem:$0x3FDB];
	s0 =	simm.s32 @p2 $0x1  }
0x17: {  	s4 =	simm.s32 $0x1BF5;
	[smem:$0x3FAD] =	sst s0  }
0x18: {  	s0 =	sld [smem:$0x3F90];
	_ =	swait.ge [sflag:s4], $0x0  }
0x19: {  	s7 =	sld [smem:$0x3F91]  }
0x1a: {  	s8 =	sadd.s32 $0xFFFFE003, lr  }
0x1b: {  	s9 =	sadd.s32 $0xFFFFFEF7, lr;
	s5 =	simm.s32 $0xFFFFFFFF;
	p2 =	slt.u32 s8, $0xFFFFF086  }
0x1c: {  	p1 =	slt.u32 s9, $0xF7A;
	s5 =	simm.s32 @!p2 $0x0  }
0x1d: {  	s5 =	simm.s32 @p1 $0x1;
	p0 =	seq.s32 s7, s2  }
0x1e: {  	s7 =	smul.u32 @!p0 $0xF7A, s2;
	p2 =	seq.s32 @!p0 s5, $0x0  }
0x1f: {  	s9 =	smul.u32 $0xF7A, s1;
	s8 =	simm.s32 @!p0 $0x1BF5;
	p2 =	por !p2, p0  }
0x20: {  	[sflag:s8] =	ssyncset.s32 @!p0 $0xFFFFF086;
	s6 =	sadd.s32 @!p0 s3, s7;
	s7 =	simm.s32 @!p0 $0x108  }
0x21: {  	s3 =	sadd.s32 s3, s9;
	s6 =	sadd.s32 @!p0 $0x88, s6;
	s7 =	simm.s32 @p2 $0x1082  }
0x22: {  	[simem:s7], [sflag:s8] =	dma.local @!p0 [hbm:s6], $0xF7A  }
0x23: {  	s9 =	sor.u32 $0xD0000000, s2;
	s6 =	simm.s32 $0x108;
	_ =	swait.ge @!p0 [sflag:s8], $0x0  }
0x24: {  	s3 =	sadd.s32 $0x88, s3;
	s6 =	simm.s32 @!p1 $0x1082;
	[sflag:s4] =	ssyncset.s32 $0xFFFFF086  }
0x25: {  	[simem:s6], [sflag:s4] =	dma.local [hbm:s3], $0xF7A  }
0x26: {  	[smem:$0x3F91] =	sst s1;
	(tag) =	ssettag s2;
	_ =	strace s9  }
0x27: {  	s1 =	sld [smem:$0x3FA1]  }
0x28: {  	s2 =	sld [smem:$0x3FA2]  }
0x29: {  	s4 =	sld [smem:$0x3FA4]  }
0x2a: {  	p0 =	seq.s32 s5, $0x0;
	s5 =	sld [smem:$0x3FA5]  }
0x2b: {  	s6 =	sld [smem:$0x3FA6]  }
0x2c: {  	s7 =	sld [smem:$0x3FA7]  }
0x2d: {  	s3 =	simm.s32 $0x108;
	s8 =	sld [smem:$0x3FA8]  }
0x2e: {  	s3 =	simm.s32 @!p0 $0x1082;
	s9 =	sld [smem:$0x3FA9]  }
0x2f: {  	lr =	sadd.s32 s0, s3;
	s0 =	sld [smem:$0x3FA0]  }
0x30: {  	s3 =	sld [smem:$0x3FA3]  }
0x31: {  	[smem:$0x3FAC] =	sst s10  }
0x32: {  	s10 =	sld [smem:$0x3FAA];
	_ =	sdelay $0x3  }
0x33: {  	p0 =	seq.s32 s10, $0x1;
	s10 =	sld [smem:$0x3FAC];
	_ =	sdelay $0x3  }
0x34: {  	[smem:$0x3FAC] =	sst s10  }
0x35: {  	s10 =	sld [smem:$0x3FAB];
	_ =	sdelay $0x3  }
0x36: {  	p1 =	seq.s32 s10, $0x1;
	s10 =	sld [smem:$0x3FAC];
	_ =	sdelay $0x3  }
0x37: {  	[smem:$0x3FAC] =	sst s10  }
0x38: {  	s10 =	sld [smem:$0x3FAD]  }
0x39: {  	_ = 	snop;
	(pc) =	sbr.ind lr, $3  }
0x3a: {  	_ = 	snop  }
0x3b: {  	_ = 	snop  }
0x3c: {  	p2 =	seq.s32 s10, $0x1;
	s10 =	sld [smem:$0x3FAC]  }
0x3d: {  	_ =	shalt  }
0x3e: {  	_ =	shalt  }
0x3f: {  	_ =	shalt  }
0x40: {  	_ =	shalt  }
0x41: {  	_ =	shalt  }
0x42: {  	_ =	shalt  }
0x43: {  	_ =	shalt  }
0x44: {  	_ =	shalt  }
0x45: {  	_ =	shalt  }
0x46: {  	_ =	shalt  }
0x47: {  	_ =	shalt  }
0x48: {  	_ =	shalt  }
0x49: {  	_ =	shalt  }
0x4a: {  	_ =	shalt  }
0x4b: {  	_ =	shalt  }
0x4c: {  	_ =	shalt  }
0x4d: {  	_ =	shalt  }
0x4e: {  	_ =	shalt  }
0x4f: {  	_ =	shalt  }
0x50: {  	_ =	shalt  }
0x51: {  	_ =	shalt  }
0x52: {  	_ =	shalt  }
0x53: {  	_ =	shalt  }
0x54: {  	_ =	shalt  }
0x55: {  	_ =	shalt  }
0x56: {  	_ =	shalt  }
0x57: {  	_ =	shalt  }
0x58: {  	_ =	shalt  }
0x59: {  	_ =	shalt  }
0x5a: {  	_ =	shalt  }
0x5b: {  	_ =	shalt  }
0x5c: {  	_ =	shalt  }
0x5d: {  	_ =	shalt  }
0x5e: {  	_ =	shalt  }
0x5f: {  	_ =	shalt  }
0x60: {  	_ =	shalt  }
0x61: {  	_ =	shalt  }
0x62: {  	_ =	shalt  }
0x63: {  	_ =	shalt  }
0x64: {  	_ =	shalt  }
0x65: {  	_ =	shalt  }
0x66: {  	_ =	shalt  }
0x67: {  	_ =	shalt  }
0x68: {  	_ =	shalt  }
0x69: {  	_ =	shalt  }
0x6a: {  	_ =	shalt  }
0x6b: {  	_ =	shalt  }
0x6c: {  	_ =	shalt  }
0x6d: {  	_ =	shalt  }
0x6e: {  	_ =	shalt  }
0x6f: {  	_ =	shalt  }
0x70: {  	_ =	shalt  }
0x71: {  	_ =	shalt  }
0x72: {  	_ =	shalt  }
0x73: {  	_ =	shalt  }
0x74: {  	_ =	shalt  }
0x75: {  	_ =	shalt  }
0x76: {  	_ =	shalt  }
0x77: {  	_ =	shalt  }
0x78: {  	_ =	shalt  }
0x79: {  	_ =	shalt  }
0x7a: {  	_ =	shalt  }
0x7b: {  	_ =	shalt  }
0x7c: {  	_ =	shalt  }
0x7d: {  	_ =	shalt  }
0x7e: {  	_ =	shalt  }
0x7f: {  	_ =	shalt  }
0x80: {  	_ =	shalt  }
0x81: {  	_ =	shalt  }
0x82: {  	_ =	shalt  }
0x83: {  	_ =	shalt  }
0x84: {  	_ =	shalt  }
0x85: {  	_ =	shalt  }
0x86: {  	_ =	shalt  }
0x87: {  	_ =	shalt  }
.Lfunc_end0:
.L_simem_size_0:
called_computation_lowered:
.L_overlay_start_0:
0x88: {  	s2 =	sld [smem:$0x3FD9]  }
0x89: {  	s3 =	sld [smem:$0x3FFE];
	_ =	sdelay $0x1  }
0x8a: {  	s1 =	srdreg.scid  }
0x8b: {  	s0 =	sand.u32 $0x1, s1  }
0x8c: {  	s17 =	sshll.u32 s0, $0xA;
	s2 =	sadd.s32 s3, s2  }
0x8d: {  	s2 =	sadd.s32 s2, s17  }
0x8e: {  	[smem:$0x3FB8] =	sst s2  }
0x8f: {  	_ = 	snop  }
0x90: {  	s2 =	sld [smem:$0x3FD0];
	(tm) =	ssettm $0x1  }
0x91: {  	s18 =	sld [smem:$0x3FFB];
	_ =	sdelay $0x3  }
0x92: {  	_ =	strace s18  }
0x93: {  	s3 =	sld [smem:$0x3FFC];
	_ =	sdelay $0x3  }
0x94: {  	_ =	strace s3  }
0x95: {  	s3 =	sld [smem:$0x3FFD];
	_ =	sdelay $0x3  }
0x96: {  	_ =	strace s3  }
0x97: {  	_ =	strace $0x8FFFFFFF  }
0x98: {  	s19 =	sld [smem:$0x3FDB];
	_ =	sdelay $0x1  }
0x99: {  	s4 =	simm.s32 $_scs_section_size  }
0x9a: {  	s5 =	simm.s32 $_size__tile_overlayer_lowered;
	s6 =	simm.s32 $_tile_overlayer_lowered  }
0x9b: {  	s22 =	simm.s32 $0x1BFF;
	s21 =	sshll.u32 s6, $0x1;
	s3 =	sadd.s32 s4, s19  }
0x9c: {  	s7 =	simm.s32 $0x0;
	s20 =	sshll.u32 s5, $0x1;
	s5 =	sadd.s32 s21, s3  }
0x9d: {  	[timem:s7], [sflag:s22] =	dma.local [hbm:s5], s20  }
0x9e: {  	_ =	swait.ge [sflag:s22], s20  }
0x9f: {  	s4 =	ssub.s32 $0x0, s20;
	[sflag:s22] =	ssyncset.done $0x0  }
0xa0: {  	[sflag:s22] =	ssyncadd.s32 s4;
	_ =	sdelay $0x1  }
0xa1: {  	s23 =	simm.s32 $0x1B8B  }
0xa2: {  	_ =	swait.ge [sflag:s23], $0x1  }
0xa3: {  	[sflag:s23] =	ssyncset.done $0x0  }
0xa4: {  	s25 =	simm.s32 $0x1B8E;
	s24 =	sld [smem:$0x3FFE];
	[sflag:s23] =	ssyncadd.s32 $0xFFFFFFFF  }
0xa5: {  	s26 =	simm.s32 $execute0_lowered;
	[smem:$0x3FD2] =	sst s25  }
0xa6: {  	s5 =	sshll.u32 s26, $0x1;
	_ =	strace $0x80000046;
	[dreg:$0x1] =	wrdreg $0xFFFFFFFF  }
0xa7: {  	s28 =	simm.s32 $_size_execute0_lowered;
	s3 =	sadd.s32 s3, s5;
	[dreg:$0x0] =	wrdreg $0x0  }
0xa8: {  	s5 =	sshll.u32 s28, $0x1;
	[dreg:$0x2] =	wrdreg s3  }
0xa9: {  	[dreg:$0x3] =	wrdreg s5  }
0xaa: {  	[dreg:$0x4] =	wrdreg $0xC0  }
0xab: {  	_ =	task [dreg:s7], $0x5FFFF  }
0xac: {  	[dreg:$0x1] =	wrdreg $0xFFFFFFFF  }
0xad: {  	[dreg:$0x0] =	wrdreg $0x60  }
0xae: {  	[dreg:$0x2] =	wrdreg s24  }
0xaf: {  	[dreg:$0x3] =	wrdreg s2  }
0xb0: {  	[dreg:$0x4] =	wrdreg $0x9  }
0xb1: {  	_ =	task.clear_ibuf [dreg:s7], $0x5FFFF;
	_ =	strace $0x90000046  }
0xb2: {  	s29 =	simm.s32 $0x9;
	_ =	strace $0x80000048  }
0xb3: {  	_ =	swait.ge [sflag:s29], $0x1  }
0xb4: {  	[sflag:s29] =	ssyncadd.s32 $0xFFFFFFFF  }
0xb5: {  	_ =	strace $0x90000048  }
0xb6: {  	_ =	sfence  }
0xb7: {  	s30 =	sld [smem:$0x0];
	_ =	sdelay $0x2  }
0xb8: {  	s31 =	sshll.u32 s1, $0xD;
	s1 =	sshrl.u32 s1, $0x2  }
0xb9: {  	s3 =	sand.u32 $0x4000, s31;
	s1 =	sadd.s32 s1, s30  }
0xba: {  	s0 =	sor.u32 s3, s0;
	s1 =	sshll.u32 s1, $0x11  }
0xbb: {  	s0 =	sor.u32 s1, s0  }
0xbc: {  	s0 =	sadd.s32 $0x8F2B, s0  }
0xbd: {  	[sflag:s0] =	ssyncadd.remote.s32 $0x1  }
0xbe: {  	_ =	sfence.sel $0xFFFF  }
0xbf: {  	[dreg:$0x0] =	wrdreg $0xFFFFFFFF;
	(pc) =	sbr.abs _section_cstart, $3  }
0xc0: {  	[dreg:$0x1] =	wrdreg $0xFFFFFFFF  }
0xc1: {  	_ =	task.clear_ibuf [dreg:s7], $0x2FFFF;
	_ =	strace $0x9FFFFFFF  }
0xc2: {  	(tm) =	ssettm $0x7FFFFFFF  }
0xc3: {  	_ =	shalt  }
tec
execute0_lowered:
.L_overlay_start_1:
0x0: {  	(tag) =	ssettag $0x1  }
0x1: {  	s6 =	rddreg [dreg:$0x0]  }
0x2: {  	s1 =	rddreg [dreg:$0x1]  }
0x3: {  	s0 =	rddreg [dreg:$0x2]  }
0x4: {  	s2 =	simm.s32 $0x0;
	s3 =	srdreg.scid;
	s10 =	simm.s32 $0x80  }
0x5: {  	v0 =	vimm.s32 $0xDCBA9876;
	s11 =	simm.s32 $0x50;
	s12 =	simm.s32 $0x100;
	s13 =	simm.s32 $0x1  }
0x6: {  	s14 =	simm.s32 $0x2900;
	s15 =	simm.s32 $0x5100;
	s16 =	simm.s32 $0x0;
	v0 =	vunpack.c.l.s4.s8 v0  }
0x7: {  	[smem:$0x7FF] =	sst s2;
	s4 =	sadd.s32 $0xD600, s6;
	s5 =	sand.u32 $0x1, s3  }
0x8: {  	s3 =	stileid.u32;
	_ =	strace $0x80000047;
	s7 =	ssub.s32 $0x2, s5;
	v0 =	vunpack.c.0.s8.s32 v0  }
0x9: {  	vm0 =	vcmask $0x1F00;
	s8 =	sshll.u32 s5, $0x4;
	s5 =	sadd.s32 $0x3800, s6;
	s9 =	sshrl.u32 s7, $0x1  }
0xa: {  	s6 =	sadd.s32 $0xB3C00, s6;
	s8 =	sor.u32 s3, s8;
	s9 =	ssub.s32 s7, s9;
	v0 =	vnsel vm0, $0xF, v0;
	vm0 =	vcmask $0x2320  }
0xb: {  	s7 =	smul.u32 $0x2710, s8;
	s8 =	smax.u32 s9, $0x1;
	s9 =	simm.s32 $0x2;
	v0 =	vsel vm0, $0xE, v0;
	vm0 =	vmmov $0x3f  }
.LBB2_1:
0xc: {  	s17 =	simm.s32 $0x0  }
.LBB2_2:
0xd: {  	s18 =	smul.u32 $0x50, s17;
	_ =	sdelay $0x1  }
0xe: {  	s18 =	sadd.s32 s7, s18  }
0xf: {  	s19 =	sshrl.u32 s18, $0x3  }
0x10: {  	s21 =	simm.s32 $0x0;
	s20 =	sadd.s32 s4, s19  }
0x11: {  	[tilespmem:s21], [sflag:$0x2] =	stream.linear.gather [hbm4b:s20+s21], $0x50, $0x38;
	[tilespmem:$0x7900] =	vst v63  }
0x12: {  	_ =	swait.ge [sflag:s9], $0x50  }
0x13: {  	[sflag:s9] =	ssyncset.done $0x0  }
0x14: {  	s19 =	sadd.s32 s5, s19;
	[sflag:s9] =	ssyncadd.s32 $0xFFFFFFB0  }
0x15: {  	[tilespmem:s10], [sflag:$0x2] =	stream.linear.gather [hbm4b:s19+s21], $0x50, $0x38;
	[tilespmem:$0x7900] =	vst v63  }
0x16: {  	_ =	swait.ge [sflag:s9], $0x50  }
0x17: {  	[sflag:s9] =	ssyncset.done $0x0  }
0x18: {  	[sflag:s9] =	ssyncadd.s32 $0xFFFFFFB0  }
0x19: {  	[tilespmem:s12], [sflag:$0x1] =	stream.indirect.gather [hbm4b:s1+s11], $0x80, s21, s11, $0xb8;
	[tilespmem:$0x7900] =	vst v63  }
0x1a: {  	_ =	swait.ge [sflag:s13], $0x2800  }
0x1b: {  	[sflag:s13] =	ssyncset.done $0x0  }
0x1c: {  	[sflag:s13] =	ssyncadd.s32 $0xFFFFD800  }
0x1d: {  	[tilespmem:s14], [sflag:$0x1] =	stream.indirect.gather [hbm4b:s1+s11], $0x80, s10, s11, $0xb8;
	[tilespmem:$0x7900] =	vst v63  }
0x1e: {  	_ =	swait.ge [sflag:s13], $0x2800  }
0x1f: {  	[sflag:s13] =	ssyncset.done $0x0  }
0x20: {  	s20 =	simm.s32 $0x0;
	[sflag:s13] =	ssyncadd.s32 $0xFFFFD800  }
0x21: {  	s19 =	simm.s32 $0x80;
	v1 =	vld [tilespmem:s20+$0x2900]  }
0x22: {  	v2 =	vld [tilespmem:s19+$0x2900]  }
0x23: {  	v3 =	vld [tilespmem:s20+$0x100];
	_ =	sdelay $0x1  }
0x24: {  	v4 =	vld [tilespmem:s19+$0x100]  }
0x25: {  	v1 =	vperm.xlane v1, v0  }
0x26: {  	s21 =	simm.s32 $0x100  }
0x27: {  	v5 =	vld [tilespmem:s21+$0x2900];
	v2 =	vperm.xlane v2, v0;
	v1 =	vadd.f32 v1, v3;
	_ =	sdelay $0x1  }
0x28: {  	v2 =	vadd.f32 v2, v4;
	v4 =	vmul.f32 $2.000000030e-01, v1  }
0x29: {  	vm1 =	vgt.f32 v1, $0.0e+00  }
0x2a: {  	v1 =	vsel vm1, v1, v4  }
0x2b: {  	v4 =	vperm.xlane v5, v0;
	v5 =	vmul.f32 $1.442695020e+00, v1;
	_ =	sdelay $0x1  }
0x2c: {  	v3 =	vld [tilespmem:s21+$0x100];
	v6 =	vmul.f32 $2.000000030e-01, v2;
	(erf) = vpow2.f32 v5  }
0x2d: {  	vm1 =	vgt.f32 v2, $0.0e+00  }
0x2e: {  	v2 =	vsel vm1, v2, v6  }
0x2f: {  	s22 =	simm.s32 $0x180;
	v6 =	vmul.f32 $1.442695020e+00, v2  }
0x30: {  	v2 =	vld [tilespmem:s22+$0x2900]  }
0x31: {  	v1 =	vadd.f32 v4, v3;
	(erf) = vpow2.f32 v6  }
0x32: {  	v3 =	vld [tilespmem:s22+$0x100]  }
0x33: {  	v4 =	vmul.f32 $2.000000030e-01, v1  }
0x34: {  	s23 =	simm.s32 $0x800;
	vm1 =	vgt.f32 v1, $0.0e+00  }
.LBB2_3:
0x35: {  	s24 =	sshra.s32 s23, $0x2;
	p0 =	sne.s32 s23, $0x9E00;
	s23 =	sadd.s32 $0x200, s23;
	v5 =	vperm.xlane v2, v0;
	v1 =	vsel vm1, v1, v4;
	v4 =	vpop (erf)  }
.Ltmp0:
0x36: {  	v2 =	vld [tilespmem:s24+$0x2900];
	v6 =	vmul.f32 $1.442695020e+00, v1;
	v4 =	vnsel vm0, $0x0, v4;
	(pc) =	sbr.rel @p0 .LBB2_3-.Ltmp0, $4  }
0x37: {  	v1 =	vadd.f32 v5, v3;
	[tilespmem:s20+$0x5100] =	vst v4;
	s20 =	smov.u32 s19;
	s19 =	smov.u32 s21;
	s21 =	smov.u32 s22  }
0x38: {  	s22 =	smov.u32 s24;
	v3 =	vld [tilespmem:s24+$0x100];
	(erf) = vpow2.f32 v6  }
0x39: {  	v4 =	vmul.f32 $2.000000030e-01, v1  }
0x3a: {  	vm1 =	vgt.f32 v1, $0.0e+00  }
0x3b: {  	v2 =	vperm.xlane v2, v0;
	_ =	sdelay $0x1  }
0x3c: {  	v2 =	vadd.f32 v2, v3;
	_ =	sdelay $0x1  }
0x3d: {  	v3 =	vmul.f32 $2.000000030e-01, v2  }
0x3e: {  	v1 =	vsel vm1, v1, v4;
	vm1 =	vgt.f32 v2, $0.0e+00  }
0x3f: {  	v1 =	vmul.f32 $1.442695020e+00, v1;
	v2 =	vsel vm1, v2, v3  }
0x40: {  	v2 =	vmul.f32 $1.442695020e+00, v2  }
0x41: {  	(erf) = vpow2.f32 v1  }
0x42: {  	(erf) = vpow2.f32 v2;
	_ =	sdelay $0x5  }
0x43: {  	v1 =	vpop (erf)  }
0x44: {  	v1 =	vnsel vm0, $0x0, v1;
	v2 =	vpop (erf)  }
0x45: {  	[tilespmem:s20+$0x5100] =	vst v1;
	v1 =	vnsel vm0, $0x0, v2;
	v2 =	vpop (erf)  }
0x46: {  	s17 =	sadd.s32 $0x1, s17;
	[tilespmem:s19+$0x5100] =	vst v1;
	v1 =	vnsel vm0, $0x0, v2;
	v2 =	vpop (erf)  }
0x47: {  	s18 =	sshll.u32 s18, $0x4;
	p0 =	sne.s32 s17, $0x7D;
	[tilespmem:s21+$0x5100] =	vst v1;
	v1 =	vnsel vm0, $0x0, v2  }
.Ltmp1:
0x48: {  	s18 =	sadd.s32 s6, s18;
	[tilespmem:s22+$0x5100] =	vst v1;
	(pc) =	sbr.rel @p0 .LBB2_2-.Ltmp1, $4  }
0x49: {  	[hbm4b:s18+s2] =	stream.linear.scatter [tilespmem:s15], [sflag:$0x2], $0x2800, $0x38;
	[tilespmem:$0x7900] =	vst v63  }
0x4a: {  	_ =	swait.ge [sflag:s9], $0x2800  }
0x4b: {  	[sflag:s9] =	ssyncset.done $0x0  }
0x4c: {  	[sflag:s9] =	ssyncadd.s32 $0xFFFFD800  }
0x4d: {  	s16 =	sadd.s32 $0x1, s16  }
0x4e: {  	p0 =	sne.s32 s16, s8  }
.Ltmp2:
0x4f: {  	_ = 	snop;
	(pc) =	sbr.rel @p0 .LBB2_1-.Ltmp2, $1  }
0x50: {  	_ =	sdelay $0x3  }
0x51: {  	_ =	sfence.sel $0x180000  }
0x52: {  	[bflag:$0x0] =	sbarrier.arrive $0xFFFF  }
0x53: {  	p0 =	sne.s32 s3, $0x0;
	_ =	strace $0x90000047  }
0x54: {  	s0 =	sadd.s32 @!p0 $0x100000, s0;
	[bflag:$0x2] =	sbarrier.arrive $0xFFFF  }
0x55: {  	[sflag:s0] =	ssyncadd.tile.s32 @!p0 $0x1;
	_ =	shalt  }
.Lfunc_end2:
_tile_overlayer_lowered:
.L_overlay_start_2:
0x56: {  	(tag) =	ssettag $0x2  }
0x57: {  	s0 =	rddreg [dreg:$0x0];
	s2 =	stileid.u32  }
0x58: {  	s1 =	rddreg [dreg:$0x1];
	p0 =	sne.s32 s2, $0x0  }
0x59: {  	s3 =	rddreg [dreg:$0x2];
	[bflag:$0x3] =	sbarrier.arrive $0xFFFF;
	s2 =	simm.s32 @!p0 $0x1C02  }
0x5a: {  	[timem:s3], [sflag:s2] =	dma.local @!p0 [hbm:s0], s1  }
0x5b: {  	s0 =	simm.s32 @!p0 $0x2  }
0x5c: {  	_ =	swait.ge @!p0 [sflag:s0], s1  }
0x5d: {  	s1 =	ssub.s32 @!p0 $0x0, s1;
	[sflag:s0] =	ssyncset.done @!p0 $0x0  }
0x5e: {  	[sflag:s0] =	ssyncadd.s32 @!p0 s1  }
0x5f: {  	[bflag:$0x3] =	sbarrier.arrive $0xFFFF  }
0x60: {  	_ =	shalt  }

</sc_bundles>
